<compile_context>
chip_gen: v7x
topology: tpu7x:2x2x1
jax: 0.10.2.dev20260603
libtpu: 0.0.44.dev20260713+nightly
codegen_flags: <defaults>
</compile_context>

<pallas_src>
import functools

import jax
import jax.numpy as jnp
from jax import lax
from jax.experimental import pallas as pl
from jax.experimental.pallas import tpu as pltpu
from jax.experimental.pallas import tpu_sc as plsc

NC = 2
NS = 16
LC = 16
CH = 80
ZCH = 80
ZR = 80


def _seg_kernel(N, EL, D, split, offn):
    epw = EL // NC // NS if split else EL // NS
    nchunks = epw // CH
    nzch = N // ZCH
    nzit = -(-nzch // NS)

    mesh = plsc.VectorSubcoreMesh(core_axis_name="c", subcore_axis_name="s")

    @functools.partial(
        pl.kernel,
        out_type=jax.ShapeDtypeStruct((NC * N, D), jnp.float32),
        mesh=mesh,
        scratch_types=[
            pltpu.VMEM((CH,), jnp.int32),
            pltpu.VMEM((CH,), jnp.int32),
            pltpu.VMEM((CH,), jnp.int32),
            pltpu.VMEM((CH,), jnp.int32),
            pltpu.VMEM((CH,), jnp.int32),
            pltpu.VMEM((CH,), jnp.int32),
            pltpu.VMEM((CH, D), jnp.float32),
            pltpu.VMEM((CH, D), jnp.float32),
            pltpu.VMEM((ZR, D), jnp.float32),
            pltpu.VMEM_SHARED((N, D), jnp.float32),
            pltpu.SemaphoreType.DMA,
            pltpu.SemaphoreType.DMA,
            pltpu.SemaphoreType.DMA,
            pltpu.SemaphoreType.DMA,
            pltpu.SemaphoreType.DMA,
            pltpu.SemaphoreType.DMA,
            pltpu.SemaphoreType.DMA,
            pltpu.SemaphoreType.DMA,
        ],
    )
    def kseg(idx_hbm, dst_hbm, table_hbm, acc_out,
             src0, src1, dst0, dst1, dsc0, dsc1, rows0, rows1, z_wide, s_sh,
             ss0, ss1, sd0, sd1, sg0, sg1, sc0, sc1):
        cid = lax.axis_index("c")
        sid = lax.axis_index("s")

        zf = jnp.zeros((LC,), jnp.float32)

        def initz(i, _):
            def initcol(j, _):
                z_wide[i, pl.ds(j * LC, LC)] = zf
                return 0
            lax.fori_loop(0, D // LC, initcol, 0)
            return 0
        lax.fori_loop(0, ZR, initz, 0)

        def zloop(k, _):
            idx = k * NS + sid

            @pl.when(idx < nzch)
            def _():
                pltpu.sync_copy(z_wide.at[pl.ds(0, ZCH)],
                                s_sh.at[pl.ds(idx * ZCH, ZCH)])
            return 0
        lax.fori_loop(0, nzit, zloop, 0)
        plsc.subcore_barrier()

        if split:
            ebase = (cid * NS + sid) * epw
            off = 0
        else:
            ebase = sid * epw
            off = cid * offn
        sets = ((src0, dst0, ss0, sd0, rows0, sg0, dsc0, sc0),
                (src1, dst1, ss1, sd1, rows1, sg1, dsc1, sc1))

        def start_idx(i, s):
            base = ebase + i * CH
            pltpu.async_copy(idx_hbm.at[pl.ds(base, CH)], s[0], s[2])
            pltpu.async_copy(dst_hbm.at[pl.ds(base, CH)], s[1], s[3])

        def wait_idx(s):
            pltpu.make_async_copy(idx_hbm.at[pl.ds(0, CH)], s[0], s[2]).wait()
            pltpu.make_async_copy(dst_hbm.at[pl.ds(0, CH)], s[1], s[3]).wait()

        def start_scatter(s):
            def cp(g, _):
                s[6][pl.ds(g * LC, LC)] = s[1][pl.ds(g * LC, LC)]
                return 0
            lax.fori_loop(0, CH // LC, cp, 0)
            pltpu.async_copy(s[4], s_sh.at[s[6]], s[7], add=True)

        def wait_gather(s):
            pltpu.make_async_copy(table_hbm.at[s[0]], s[4], s[5]).wait()

        def wait_scatter(s):
            pltpu.make_async_copy(s[4], s_sh.at[s[6]], s[7]).wait()

        def step(i, cur, oth):
            wait_idx(cur)
            if not split:
                def addoff(g, _):
                    cur[0][pl.ds(g * LC, LC)] = cur[0][pl.ds(g * LC, LC)] + off
                    return 0
                lax.fori_loop(0, CH // LC, addoff, 0)

            @pl.when(i > 1)
            def _():
                wait_scatter(cur)
            pltpu.async_copy(table_hbm.at[cur[0]], cur[4], cur[5])

            @pl.when(i > 0)
            def _():
                wait_gather(oth)
                start_scatter(oth)

            @pl.when(i + 1 < nchunks)
            def _():
                start_idx(i + 1, oth)

        start_idx(0, sets[0])

        def pair(j, _):
            step(2 * j, sets[0], sets[1])
            step(2 * j + 1, sets[1], sets[0])
            return 0
        lax.fori_loop(0, nchunks // 2, pair, 0)
        if nchunks % 2:
            step(nchunks - 1, sets[0], sets[1])
        last = sets[(nchunks - 1) % 2]
        prev = sets[nchunks % 2]
        wait_gather(last)
        start_scatter(last)
        wait_scatter(prev)
        wait_scatter(last)
        plsc.subcore_barrier()

        def outloop(k, _):
            idx = k * NS + sid

            @pl.when(idx < nzch)
            def _():
                rb = idx * ZCH
                pltpu.sync_copy(s_sh.at[pl.ds(rb, ZCH)],
                                acc_out.at[pl.ds(cid * N + rb, ZCH)])
            return 0
        lax.fori_loop(0, nzit, outloop, 0)

    return kseg


def _tcnt_kernel(N, E, DE, D):
    epw = E // NS
    nchunks = epw // CH
    nzch = N // ZCH
    nzit = -(-nzch // NS)

    mesh = plsc.VectorSubcoreMesh(core_axis_name="c", subcore_axis_name="s")

    @functools.partial(
        pl.kernel,
        out_type=jax.ShapeDtypeStruct((NC * N, D), jnp.float32),
        mesh=mesh,
        scratch_types=[
            pltpu.VMEM((CH,), jnp.int32),
            pltpu.VMEM((CH,), jnp.int32),
            pltpu.VMEM((CH * DE,), jnp.float32),
            pltpu.VMEM((CH * DE,), jnp.float32),
            pltpu.VMEM((CH, D), jnp.float32),
            pltpu.VMEM((CH, D), jnp.float32),
            pltpu.VMEM((ZR, D), jnp.float32),
            pltpu.VMEM_SHARED((N, D), jnp.float32),
            pltpu.SemaphoreType.DMA,
            pltpu.SemaphoreType.DMA,
            pltpu.SemaphoreType.DMA,
            pltpu.SemaphoreType.DMA,
        ],
    )
    def kt(dst_hbm, dstn_hbm, efeats_hbm, acc_out,
           dst0, dst1, e0, e1, wide0, wide1, z_wide, acc_sh,
           se0, se1, sc0, sc1):
        cid = lax.axis_index("c")
        sid = lax.axis_index("s")

        zf = jnp.zeros((LC,), jnp.float32)
        of = jnp.ones((LC,), jnp.float32)

        def initz(i, _):
            def initcol(j, _):
                z_wide[i, pl.ds(j * LC, LC)] = zf
                return 0
            lax.fori_loop(0, D // LC, initcol, 0)
            return 0
        lax.fori_loop(0, ZR, initz, 0)

        def initwide(wide_v):
            def initrow(i, _):
                def initcol(j, _):
                    wide_v[i, pl.ds(j * LC, LC)] = zf
                    return 0
                lax.fori_loop(0, D // LC, initcol, 0)
                wide_v[i, pl.ds(DE, LC)] = of
                return 0
            lax.fori_loop(0, CH, initrow, 0)
        initwide(wide0)
        initwide(wide1)

        def zloop(k, _):
            idx = k * NS + sid

            @pl.when(idx < nzch)
            def _():
                pltpu.sync_copy(z_wide.at[pl.ds(0, ZCH)],
                                acc_sh.at[pl.ds(idx * ZCH, ZCH)])
            return 0
        lax.fori_loop(0, nzit, zloop, 0)
        plsc.subcore_barrier()

        lbase = sid * epw

        sets = ((dst0, e0, se0, wide0, sc0),
                (dst1, e1, se1, wide1, sc1))

        def start(i, s):
            pltpu.async_copy(
                efeats_hbm.at[pl.ds((lbase + i * CH) * DE, CH * DE)],
                s[1], s[2])

        def wait_scatter(s):
            pltpu.make_async_copy(s[3], acc_sh.at[s[0]], s[4]).wait()

        def step(i, cur, oth):
            @pl.when(i > 1)
            def _():
                wait_scatter(cur)

            @pl.when(cid == 0)
            def _():
                pltpu.sync_copy(dst_hbm.at[pl.ds(lbase + i * CH, CH)],
                                cur[0])

            @pl.when(cid == 1)
            def _():
                pltpu.sync_copy(dstn_hbm.at[pl.ds(lbase + i * CH, CH)],
                                cur[0])
            pltpu.make_async_copy(efeats_hbm.at[pl.ds(0, CH * DE)],
                                  cur[1], cur[2]).wait()

            @pl.when(i + 1 < nchunks)
            def _():
                start(i + 1, oth)

            def pack(r, _):
                cur[3][r, pl.ds(0, LC)] = cur[1][pl.ds(r * DE, LC)]
                return 0
            lax.fori_loop(0, CH, pack, 0)
            pltpu.async_copy(cur[3], acc_sh.at[cur[0]], cur[4], add=True)

        start(0, sets[0])

        def pair(j, _):
            step(2 * j, sets[0], sets[1])
            step(2 * j + 1, sets[1], sets[0])
            return 0
        lax.fori_loop(0, nchunks // 2, pair, 0)
        if nchunks % 2:
            step(nchunks - 1, sets[0], sets[1])
        wait_scatter(sets[nchunks % 2])
        wait_scatter(sets[(nchunks - 1) % 2])
        plsc.subcore_barrier()

        def outloop(k, _):
            idx = k * NS + sid

            @pl.when(idx < nzch)
            def _():
                rb = idx * ZCH
                pltpu.sync_copy(acc_sh.at[pl.ds(rb, ZCH)],
                                acc_out.at[pl.ds(cid * N + rb, ZCH)])
            return 0
        lax.fori_loop(0, nzit, outloop, 0)

    return kt


def _tc_layer1(N, DIN, DE, DOUT, D, BN):
    ng = N // BN

    def body(nf, s1, acc, wmh, wme_aug, wah, wan, ba, out):
        s = s1[0] + s1[1]
        afp = acc[0]
        afn = acc[1]
        cm = jnp.maximum(afp[:, DE:DE + 1], 1.0)
        sh = jnp.dot(s, wmh[...], preferred_element_type=jnp.float32)
        hnp = (sh + jnp.dot(afp, wme_aug[...],
                            preferred_element_type=jnp.float32)) / cm
        hnn = (sh + jnp.dot(afn, wme_aug[...],
                            preferred_element_type=jnp.float32)) / cm
        base = jnp.dot(nf[...], wah[...],
                       preferred_element_type=jnp.float32) + ba[...]
        out[0] = jax.nn.relu(
            base + jnp.dot(hnp, wan[...], preferred_element_type=jnp.float32))
        out[1] = jax.nn.relu(
            base + jnp.dot(hnn, wan[...], preferred_element_type=jnp.float32))

    full = lambda i: (0, 0)
    return pl.pallas_call(
        body,
        grid=(ng,),
        in_specs=[
            pl.BlockSpec((BN, DIN), lambda i: (i, 0)),
            pl.BlockSpec((NC, BN, DIN), lambda i: (0, i, 0)),
            pl.BlockSpec((NC, BN, D), lambda i: (0, i, 0)),
            pl.BlockSpec((DIN, DOUT), full),
            pl.BlockSpec((D, DOUT), full),
            pl.BlockSpec((DIN, DOUT), full),
            pl.BlockSpec((DOUT, DOUT), full),
            pl.BlockSpec((1, DOUT), full),
        ],
        out_specs=pl.BlockSpec((2, BN, DOUT), lambda i: (0, i, 0)),
        out_shape=jax.ShapeDtypeStruct((2, N, DOUT), jnp.float32),
    )


def _tc_layer2_loss(N, DE, DOUT, D, BN):
    ng = N // BN
    inv = 1.0 / (N * DOUT)

    def body(h1, s2, acc, wmh, wme_aug, wah, wan, ba, out):
        i = pl.program_id(0)
        afp = acc[0]
        afn = acc[1]
        cm = jnp.maximum(afp[:, DE:DE + 1], 1.0)

        def head(s, t):
            return (jnp.dot(s, wmh[...], preferred_element_type=jnp.float32)
                    + jnp.dot(t, wme_aug[...],
                              preferred_element_type=jnp.float32)) / cm

        hnp = head(s2[0], afp)
        hnn = head(s2[1], afn)
        h2p = jax.nn.relu(
            jnp.dot(h1[0], wah[...], preferred_element_type=jnp.float32)
            + jnp.dot(hnp, wan[...], preferred_element_type=jnp.float32)
            + ba[...])
        h2n = jax.nn.relu(
            jnp.dot(h1[1], wah[...], preferred_element_type=jnp.float32)
            + jnp.dot(hnn, wan[...], preferred_element_type=jnp.float32)
            + ba[...])
        lp = jnp.maximum(h2p, 0.0) - h2p + jnp.log1p(jnp.exp(-jnp.abs(h2p)))
        ln = jnp.maximum(h2n, 0.0) + jnp.log1p(jnp.exp(-jnp.abs(h2n)))
        part = jnp.sum(lp) + jnp.sum(ln)

        @pl.when(i == 0)
        def _():
            out[...] = jnp.zeros((1, 1), jnp.float32)

        out[...] += jnp.full((1, 1), part, jnp.float32)

        @pl.when(i == ng - 1)
        def _():
            out[...] = out[...] * inv

    full = lambda i: (0, 0)
    return pl.pallas_call(
        body,
        grid=(ng,),
        in_specs=[
            pl.BlockSpec((2, BN, DOUT), lambda i: (0, i, 0)),
            pl.BlockSpec((2, BN, DOUT), lambda i: (0, i, 0)),
            pl.BlockSpec((NC, BN, D), lambda i: (0, i, 0)),
            pl.BlockSpec((DOUT, DOUT), full),
            pl.BlockSpec((D, DOUT), full),
            pl.BlockSpec((DOUT, DOUT), full),
            pl.BlockSpec((DOUT, DOUT), full),
            pl.BlockSpec((1, DOUT), full),
        ],
        out_specs=pl.BlockSpec((1, 1), full),
        out_shape=jax.ShapeDtypeStruct((1, 1), jnp.float32),
    )


def kernel(nfeats, edge_index, efeats, Wmsg1, bmsg1, Wapply1, bapply1,
           Wedge1, bedge1, Wmsg2, bmsg2, Wapply2, bapply2, Wedge2, bedge2):
    N, DIN = nfeats.shape
    E, DE = efeats.shape
    DOUT = Wapply1.shape[1]
    BN = 1000

    src = edge_index[0]
    dst = edge_index[1]
    perm = jax.random.permutation(jax.random.key(1), E).astype(jnp.int32)
    inv_perm = jnp.argsort(perm)
    dstn = jnp.take(dst, inv_perm)

    D = 128

    s1p = _seg_kernel(N, E, DIN, True, 0)(src, dst, nfeats).reshape(NC, N, DIN)

    acc = _tcnt_kernel(N, E, DE, D)(
        dst, dstn, efeats.reshape(-1)).reshape(NC, N, D)

    def aug(wme, bm):
        return jnp.concatenate(
            [wme, bm.reshape(1, DOUT),
             jnp.zeros((D - DE - 1, DOUT), jnp.float32)], axis=0)

    h1 = _tc_layer1(N, DIN, DE, DOUT, D, BN)(
        nfeats, s1p, acc,
        Wmsg1[:DIN], aug(Wmsg1[DIN:], bmsg1),
        Wapply1[:DIN], Wapply1[DIN:], bapply1.reshape(1, DOUT))

    s2 = _seg_kernel(N, E, DOUT, False, N)(
        src, dst, h1.reshape(2 * N, DOUT)).reshape(NC, N, DOUT)

    loss = _tc_layer2_loss(N, DE, DOUT, D, BN)(
        h1, s2, acc,
        Wmsg2[:DOUT], aug(Wmsg2[DOUT:], bmsg2),
        Wapply2[:DOUT], Wapply2[DOUT:], bapply2.reshape(1, DOUT))
    return loss[0, 0]

# --- scband reference (transcript-rebuilt; emitter-appended) ---
"""Pipeline reference for scband-dgi-6528350290006 (READ-ONLY COPY).

The authoritative reference and input builder live on the scoring server;
editing this copy changes nothing except your own understanding.
"""

import jax, jax.numpy as jnp
import numpy as np

N = 10000
E = 320000
DIN = 128
DE = 16
DOUT = 128


def setup_inputs(seed: int = 0) -> dict:
    key = jax.random.key(seed)
    ks = jax.random.split(key, 20)
    inp = {}
    inp['nfeats'] = jax.random.normal(ks[0], (N, DIN), dtype=jnp.float32)
    inp['edge_index'] = jax.random.randint(ks[1], (2, E), 0, N, dtype=jnp.int32)
    inp['efeats'] = jax.random.normal(ks[2], (E, DE), dtype=jnp.float32)
    # Layer 1 params (ndim_in=DIN, edims=DE, ndim_out=DOUT), stored as [in, out]
    inp['Wmsg1'] = jax.random.normal(ks[3], (DIN + DE, DOUT), dtype=jnp.float32) * 0.05
    inp['bmsg1'] = jnp.zeros((DOUT,), dtype=jnp.float32)
    inp['Wapply1'] = jax.random.normal(ks[4], (DIN + DOUT, DOUT), dtype=jnp.float32) * 0.05
    inp['bapply1'] = jnp.zeros((DOUT,), dtype=jnp.float32)
    inp['Wedge1'] = jax.random.normal(ks[5], (DIN + DOUT, DOUT), dtype=jnp.float32) * 0.05
    inp['bedge1'] = jnp.zeros((DOUT,), dtype=jnp.float32)
    # Layer 2 params (ndim_in=DOUT, edims=DE, ndim_out=DOUT)
    inp['Wmsg2'] = jax.random.normal(ks[6], (DOUT + DE, DOUT), dtype=jnp.float32) * 0.05
    inp['bmsg2'] = jnp.zeros((DOUT,), dtype=jnp.float32)
    inp['Wapply2'] = jax.random.normal(ks[7], (DOUT + DOUT, DOUT), dtype=jnp.float32) * 0.05
    inp['bapply2'] = jnp.zeros((DOUT,), dtype=jnp.float32)
    inp['Wedge2'] = jax.random.normal(ks[8], (DOUT + DOUT, DOUT), dtype=jnp.float32) * 0.05
    inp['bedge2'] = jnp.zeros((DOUT,), dtype=jnp.float32)
    return inp


def _sage_layer(h, src, dst, eh, Wm, bm, Wa, ba, We, be):
    # message: W_msg(cat[h_src, e_h]) per edge
    m = jnp.concatenate([jnp.take(h, src, axis=0), eh], axis=1) @ Wm + bm
    # fn.mean('m','h_neigh'): mean over incoming edges at dst
    s = jax.ops.segment_sum(m, dst, num_segments=N)
    cnt = jax.ops.segment_sum(jnp.ones((m.shape[0],), m.dtype), dst, num_segments=N)
    h_neigh = s / jnp.maximum(cnt, 1.0)[:, None]
    h_new = jax.nn.relu(jnp.concatenate([h, h_neigh], axis=1) @ Wa + ba)
    # W_edge branch exists in the original forward but its output is discarded
    _node = jnp.concatenate([h_new, h], axis=1) @ We + be
    return h_new


def _encoder(nfeats, src, dst, efeats, layers, corrupt):
    if corrupt:
        perm = jax.random.permutation(jax.random.key(1), efeats.shape[0])
        efeats = jnp.take(efeats, perm, axis=0)
    h = nfeats
    for (Wm, bm, Wa, ba, We, be) in layers:
        h = _sage_layer(h, src, dst, efeats, Wm, bm, Wa, ba, We, be)
    return h


def _bce_logits(x, t):
    # mean-reduced BCEWithLogitsLoss
    return jnp.mean(jnp.maximum(x, 0.0) - x * t + jnp.log1p(jnp.exp(-jnp.abs(x))))


def reference(nfeats, edge_index, efeats, Wmsg1, bmsg1, Wapply1, bapply1, Wedge1, bedge1, Wmsg2, bmsg2, Wapply2, bapply2, Wedge2, bedge2):
    p_label = 1.0
    n_label = 0.0
    src = edge_index[0]
    dst = edge_index[1]
    layers = [(Wmsg1, bmsg1, Wapply1, bapply1, Wedge1, bedge1),
              (Wmsg2, bmsg2, Wapply2, bapply2, Wedge2, bedge2)]
    positive = _encoder(nfeats, src, dst, efeats, layers, corrupt=False)
    negative = _encoder(nfeats, src, dst, efeats, layers, corrupt=True)
    l1 = _bce_logits(positive, jnp.full_like(positive, p_label))
    l2 = _bce_logits(negative, jnp.full_like(negative, n_label))
    return l1 + l2


if False:  # reference __main__ guard neutralized (emitter)
    out = reference(**setup_inputs())
    print(out)

if __name__ == "__main__":
    import jax
    _d = setup_inputs()
    print(jax.jit(kernel)(*tuple(_d.values())))

</pallas_src>

<mosaic_0001>
#map = affine_map<(d0, d1) -> (0)>
#map1 = affine_map<(d0, d1) -> (0, 0)>
module attributes {stable_mosaic.version = 14 : i64} {
  func.func @kseg(%arg0: i32, %arg1: i32, %arg2: memref<320000xi32, #tpu.memory_space<hbm>>, %arg3: memref<320000xi32, #tpu.memory_space<hbm>>, %arg4: memref<20000x128xf32, #tpu.memory_space<hbm>>, %arg5: memref<20000x128xf32, #tpu.memory_space<hbm>>, %arg6: memref<80xi32, #tpu.memory_space<vmem>>, %arg7: memref<80xi32, #tpu.memory_space<vmem>>, %arg8: memref<80xi32, #tpu.memory_space<vmem>>, %arg9: memref<80xi32, #tpu.memory_space<vmem>>, %arg10: memref<80xi32, #tpu.memory_space<vmem>>, %arg11: memref<80xi32, #tpu.memory_space<vmem>>, %arg12: memref<80x128xf32, #tpu.memory_space<vmem>>, %arg13: memref<80x128xf32, #tpu.memory_space<vmem>>, %arg14: memref<80x128xf32, #tpu.memory_space<vmem>>, %arg15: memref<10000x128xf32, #tpu.memory_space<vmem_shared>>, %arg16: memref<!tpu.dma_semaphore, #tpu.memory_space<semaphore_mem>>, %arg17: memref<!tpu.dma_semaphore, #tpu.memory_space<semaphore_mem>>, %arg18: memref<!tpu.dma_semaphore, #tpu.memory_space<semaphore_mem>>, %arg19: memref<!tpu.dma_semaphore, #tpu.memory_space<semaphore_mem>>, %arg20: memref<!tpu.dma_semaphore, #tpu.memory_space<semaphore_mem>>, %arg21: memref<!tpu.dma_semaphore, #tpu.memory_space<semaphore_mem>>, %arg22: memref<!tpu.dma_semaphore, #tpu.memory_space<semaphore_mem>>, %arg23: memref<!tpu.dma_semaphore, #tpu.memory_space<semaphore_mem>>) attributes {dimension_semantics = [#tpu.dimension_semantics<core_parallel>, #tpu.dimension_semantics<subcore_parallel>], iteration_bounds = array<i64: 2, 16>, scalar_prefetch = 0 : i64, scratch_operands = 18 : i64, tpu.core_type = #tpu.core_type<sc_vector_subcore>, window_params = [{transform_indices = #map}, {transform_indices = #map}, {transform_indices = #map1}, {transform_indices = #map1}]} {
    %broadcast_in_dim3A = arith.constant 0.000000e+00 : f32
    %broadcast_in_dim3A_0 = vector.broadcast %broadcast_in_dim3A : f32 to vector<16xf32>
    %scan3A = arith.constant 0 : i32
    %scan3A_1 = arith.constant 0 : i32
    %scan3A_2 = arith.constant 80 : i32
    %scan3A_3 = arith.addi %scan3A_1, %scan3A_2 : i32
    %scan3A_4 = arith.constant 1 : i32
    %scan3A_5 = scf.for %scan3A_54 = %scan3A_1 to %scan3A_3 step %scan3A_4 iter_args(%scan3A_55 = %scan3A) -> (i32)  : i32 {
      %scan3A_56 = arith.constant 0 : i32
      %scan3A_57 = arith.constant 0 : i32
      %scan3A_58 = arith.constant 8 : i32
      %scan3A_59 = arith.addi %scan3A_57, %scan3A_58 : i32
      %scan3A_60 = arith.constant 1 : i32
      %scan3A_61 = scf.for %scan3A_64 = %scan3A_57 to %scan3A_59 step %scan3A_60 iter_args(%scan3A_65 = %scan3A_56) -> (i32)  : i32 {
        %mul3A_66 = arith.constant 16 : i32
        %mul3A_67 = arith.muli %scan3A_64, %mul3A_66 : i32
        %swap3A = arith.index_cast %scan3A_54 : i32 to index
        %swap3A_68 = arith.index_cast %mul3A_67 : i32 to index
        %swap3A_69 = tpu.vector_load %arg14[%swap3A, %swap3A_68] {strides = array<i32>} : memref<80x128xf32, #tpu.memory_space<vmem>>, vector<1x16xf32>,
        %swap3A_70 = vector.shape_cast %swap3A_69 : vector<1x16xf32> to vector<16xf32>
        %swap3A_71 = vector.shape_cast %broadcast_in_dim3A_0 : vector<16xf32> to vector<1x16xf32>
        tpu.vector_store %arg14[%swap3A, %swap3A_68], %swap3A_71 {strides = array<i32>} : memref<80x128xf32, #tpu.memory_space<vmem>>, vector<1x16xf32>,
        %scan3A_72 = arith.constant 0 : i32
        scf.yield %scan3A_72 : i32
      }
      %scan3A_62 = arith.constant 8 : i32
      %scan3A_63 = arith.constant 0 : i32
      scf.yield %scan3A_63 : i32
    }
    %scan3A_6 = arith.constant 80 : i32
    %scan3A_7 = arith.constant 0 : i32
    %scan3A_8 = arith.constant 0 : i32
    %scan3A_9 = arith.constant 8 : i32
    %scan3A_10 = arith.addi %scan3A_8, %scan3A_9 : i32
    %scan3A_11 = arith.constant 1 : i32
    %scan3A_12 = scf.for %scan3A_54 = %scan3A_8 to %scan3A_10 step %scan3A_11 iter_args(%scan3A_55 = %scan3A_7) -> (i32)  : i32 {
      %mul3A_56 = arith.constant 16 : i32
      %mul3A_57 = arith.muli %scan3A_54, %mul3A_56 : i32
      %add3A_58 = arith.addi %mul3A_57, %arg1 : i32
      %lt3A = arith.constant 125 : i32
      %lt3A_59 = arith.cmpi slt, %add3A_58, %lt3A : i32
      %convert_element_type3A = arith.extui %lt3A_59 : i1 to i32
      %cond3A = arith.constant 0 : i32
      %cond3A_60 = arith.cmpi ne, %convert_element_type3A, %cond3A : i32
      scf.if %cond3A_60 {
        %mul3A_62 = arith.constant 80 : i32
        %mul3A_63 = arith.muli %add3A_58, %mul3A_62 : i32
        "tpu.region"() ({
          %run_scoped3A = tpu.sem_alloc : memref<!tpu.dma_semaphore, #tpu.memory_space<semaphore_mem>>
          %dma_start3A_64 = arith.constant 0 : i32
          %dma_start3A_65 = arith.constant 0 : i32
          %dma_start3A_66 = tpu.memref_slice %arg14[%dma_start3A_64, %dma_start3A_65] : memref<80x128xf32, #tpu.memory_space<vmem>> -> memref<80x128xf32, #tpu.memory_space<vmem>>
          %dma_start3A_67 = arith.constant 0 : i32
          %dma_start3A_68 = tpu.memref_slice %arg15[%mul3A_63, %dma_start3A_67] : memref<10000x128xf32, #tpu.memory_space<vmem_shared>> -> memref<80x128xf32, #tpu.memory_space<vmem_shared>>
          %dma_start3A_69 = arith.constant 0 : i32
          %dma_start3A_70 = tpu.memref_slice %arg15[%mul3A_63, %dma_start3A_69] : memref<10000x128xf32, #tpu.memory_space<vmem_shared>> -> memref<80x128xf32, #tpu.memory_space<vmem_shared>>
          %dma_start3A_71 = arith.constant 0 : i32
          %dma_start3A_72 = arith.constant 0 : i32
          %dma_start3A_73 = tpu.memref_slice %arg14[%dma_start3A_71, %dma_start3A_72] : memref<80x128xf32, #tpu.memory_space<vmem>> -> memref<80x128xf32, #tpu.memory_space<vmem>>
          tpu.enqueue_dma source(%dma_start3A_73 : memref<80x128xf32, #tpu.memory_space<vmem>>) target(%dma_start3A_70 : memref<80x128xf32, #tpu.memory_space<vmem_shared>>) target_semaphore(%run_scoped3A : memref<!tpu.dma_semaphore, #tpu.memory_space<semaphore_mem>>)
          %dma_wait3A_74 = arith.constant 0 : i32
          %dma_wait3A_75 = arith.constant 0 : i32
          %dma_wait3A_76 = tpu.memref_slice %arg14[%dma_wait3A_74, %dma_wait3A_75] : memref<80x128xf32, #tpu.memory_space<vmem>> -> memref<80x128xf32, #tpu.memory_space<vmem>>
          %dma_wait3A_77 = arith.constant 0 : i32
          %dma_wait3A_78 = tpu.memref_slice %arg15[%mul3A_63, %dma_wait3A_77] : memref<10000x128xf32, #tpu.memory_space<vmem_shared>> -> memref<80x128xf32, #tpu.memory_space<vmem_shared>>
          %dma_wait3A_79 = arith.constant 0 : i32
          %dma_wait3A_80 = tpu.memref_slice %arg15[%mul3A_63, %dma_wait3A_79] : memref<10000x128xf32, #tpu.memory_space<vmem_shared>> -> memref<80x128xf32, #tpu.memory_space<vmem_shared>>
          %dma_wait3A_81 = arith.constant 0 : i32
          %dma_wait3A_82 = arith.constant 0 : i32
          %dma_wait3A_83 = tpu.memref_slice %arg14[%dma_wait3A_81, %dma_wait3A_82] : memref<80x128xf32, #tpu.memory_space<vmem>> -> memref<80x128xf32, #tpu.memory_space<vmem>>
          tpu.wait_dma2 semaphore(%run_scoped3A : memref<!tpu.dma_semaphore, #tpu.memory_space<semaphore_mem>>) src(%dma_wait3A_83 : memref<80x128xf32, #tpu.memory_space<vmem>>) dst(%dma_wait3A_80 : memref<80x128xf32, #tpu.memory_space<vmem_shared>>)
          tpu.yield
        }) : () -> ()
      } else {
      }
      %scan3A_61 = arith.constant 0 : i32
      scf.yield %scan3A_61 : i32
    }
    %scan3A_13 = arith.constant 8 : i32
    %barrier3A = arith.constant 0 : index
    tpu.barrier barrier_id(%barrier3A)
    %mul3A = arith.constant 20000 : i32
    %mul3A_14 = arith.muli %arg1, %mul3A : i32
    %mul3A_15 = arith.constant 10000 : i32
    %mul3A_16 = arith.muli %arg0, %mul3A_15 : i32
    %add3A = arith.constant 0 : i32
    %add3A_17 = arith.addi %mul3A_14, %add3A : i32
    %dma_start3A = tpu.memref_slice %arg2[%add3A_17] : memref<320000xi32, #tpu.memory_space<hbm>> -> memref<80xi32, #tpu.memory_space<hbm>>
    %dma_start3A_18 = tpu.memref_slice %arg2[%add3A_17] : memref<320000xi32, #tpu.memory_space<hbm>> -> memref<80xi32, #tpu.memory_space<hbm>>
    tpu.enqueue_dma source(%dma_start3A_18 : memref<80xi32, #tpu.memory_space<hbm>>) target(%arg6 : memref<80xi32, #tpu.memory_space<vmem>>) target_semaphore(%arg16 : memref<!tpu.dma_semaphore, #tpu.memory_space<semaphore_mem>>)
    %dma_start3A_19 = tpu.memref_slice %arg3[%add3A_17] : memref<320000xi32, #tpu.memory_space<hbm>> -> memref<80xi32, #tpu.memory_space<hbm>>
    %dma_start3A_20 = tpu.memref_slice %arg3[%add3A_17] : memref<320000xi32, #tpu.memory_space<hbm>> -> memref<80xi32, #tpu.memory_space<hbm>>
    tpu.enqueue_dma source(%dma_start3A_20 : memref<80xi32, #tpu.memory_space<hbm>>) target(%arg8 : memref<80xi32, #tpu.memory_space<vmem>>) target_semaphore(%arg18 : memref<!tpu.dma_semaphore, #tpu.memory_space<semaphore_mem>>)
    %scan3A_21 = arith.constant 0 : i32
    %scan3A_22 = arith.constant 0 : i32
    %scan3A_23 = arith.constant 125 : i32
    %scan3A_24 = arith.addi %scan3A_22, %scan3A_23 : i32
    %scan3A_25 = arith.constant 1 : i32
    %scan3A_26 = scf.for %scan3A_54 = %scan3A_22 to %scan3A_24 step %scan3A_25 iter_args(%scan3A_55 = %scan3A_21) -> (i32)  : i32 {
      %mul3A_56 = arith.constant 2 : i32
      %mul3A_57 = arith.muli %mul3A_56, %scan3A_54 : i32
      %dma_wait3A_58 = arith.constant 0 : i32
      %dma_wait3A_59 = tpu.memref_slice %arg2[%dma_wait3A_58] : memref<320000xi32, #tpu.memory_space<hbm>> -> memref<80xi32, #tpu.memory_space<hbm>>
      %dma_wait3A_60 = arith.constant 0 : i32
      %dma_wait3A_61 = tpu.memref_slice %arg2[%dma_wait3A_60] : memref<320000xi32, #tpu.memory_space<hbm>> -> memref<80xi32, #tpu.memory_space<hbm>>
      tpu.wait_dma2 semaphore(%arg16 : memref<!tpu.dma_semaphore, #tpu.memory_space<semaphore_mem>>) src(%dma_wait3A_61 : memref<80xi32, #tpu.memory_space<hbm>>) dst(%arg6 : memref<80xi32, #tpu.memory_space<vmem>>)
      %dma_wait3A_62 = arith.constant 0 : i32
      %dma_wait3A_63 = tpu.memref_slice %arg3[%dma_wait3A_62] : memref<320000xi32, #tpu.memory_space<hbm>> -> memref<80xi32, #tpu.memory_space<hbm>>
      %dma_wait3A_64 = arith.constant 0 : i32
      %dma_wait3A_65 = tpu.memref_slice %arg3[%dma_wait3A_64] : memref<320000xi32, #tpu.memory_space<hbm>> -> memref<80xi32, #tpu.memory_space<hbm>>
      tpu.wait_dma2 semaphore(%arg18 : memref<!tpu.dma_semaphore, #tpu.memory_space<semaphore_mem>>) src(%dma_wait3A_65 : memref<80xi32, #tpu.memory_space<hbm>>) dst(%arg8 : memref<80xi32, #tpu.memory_space<vmem>>)
      %scan3A_66 = arith.constant 0 : i32
      %scan3A_67 = arith.constant 0 : i32
      %scan3A_68 = arith.constant 5 : i32
      %scan3A_69 = arith.addi %scan3A_67, %scan3A_68 : i32
      %scan3A_70 = arith.constant 1 : i32
      %scan3A_71 = scf.for %scan3A_129 = %scan3A_67 to %scan3A_69 step %scan3A_70 iter_args(%scan3A_130 = %scan3A_66) -> (i32)  : i32 {
        %mul3A_131 = arith.constant 16 : i32
        %mul3A_132 = arith.muli %scan3A_129, %mul3A_131 : i32
        %get3A = arith.index_cast %mul3A_132 : i32 to index
        %get3A_133 = tpu.vector_load %arg6[%get3A] {strides = array<i32>} : memref<80xi32, #tpu.memory_space<vmem>>, vector<16xi32>,
        %get3A_134 = vector.shape_cast %get3A_133 : vector<16xi32> to vector<16xi32>
        %add3A_135 = vector.broadcast %mul3A_16 : i32 to vector<16xi32>
        %add3A_136 = arith.addi %get3A_134, %add3A_135 : vector<16xi32>
        %mul3A_137 = arith.constant 16 : i32
        %mul3A_138 = arith.muli %scan3A_129, %mul3A_137 : i32
        %swap3A = arith.index_cast %mul3A_138 : i32 to index
        %swap3A_139 = tpu.vector_load %arg6[%swap3A] {strides = array<i32>} : memref<80xi32, #tpu.memory_space<vmem>>, vector<16xi32>,
        %swap3A_140 = vector.shape_cast %swap3A_139 : vector<16xi32> to vector<16xi32>
        %swap3A_141 = vector.shape_cast %add3A_136 : vector<16xi32> to vector<16xi32>
        tpu.vector_store %arg6[%swap3A], %swap3A_141 {strides = array<i32>} : memref<80xi32, #tpu.memory_space<vmem>>, vector<16xi32>,
        %scan3A_142 = arith.constant 0 : i32
        scf.yield %scan3A_142 : i32
      }
      %scan3A_72 = arith.constant 5 : i32
      %gt3A = arith.constant 1 : i32
      %gt3A_73 = arith.cmpi sgt, %mul3A_57, %gt3A : i32
      %convert_element_type3A = arith.extui %gt3A_73 : i1 to i32
      %cond3A = arith.constant 0 : i32
      %cond3A_74 = arith.cmpi ne, %convert_element_type3A, %cond3A : i32
      scf.if %cond3A_74 {
        %dma_wait3A_129 = arith.constant 0 : i32
        %dma_wait3A_130 = arith.constant 0 : i32
        %dma_wait3A_131 = tpu.memref_slice %arg15[%dma_wait3A_129, %dma_wait3A_130] : memref<10000x128xf32, #tpu.memory_space<vmem_shared>> -> memref<10000x128xf32, #tpu.memory_space<vmem_shared>>
        tpu.wait_indirect_dma semaphore(%arg22 : memref<!tpu.dma_semaphore, #tpu.memory_space<semaphore_mem>>) src(%arg12 : memref<80x128xf32, #tpu.memory_space<vmem>>) dst(%dma_wait3A_131 : memref<10000x128xf32, #tpu.memory_space<vmem_shared>>)
      } else {
      }
      %dma_start3A_75 = arith.constant 0 : i32
      %dma_start3A_76 = arith.constant 0 : i32
      %dma_start3A_77 = tpu.memref_slice %arg4[%dma_start3A_75, %dma_start3A_76] : memref<20000x128xf32, #tpu.memory_space<hbm>> -> memref<20000x128xf32, #tpu.memory_space<hbm>>
      tpu.enqueue_indirect_dma source(%dma_start3A_77 : memref<20000x128xf32, #tpu.memory_space<hbm>>) target(%arg12 : memref<80x128xf32, #tpu.memory_space<vmem>>) offsets(%arg6 : memref<80xi32, #tpu.memory_space<vmem>>) semaphore(%arg20 : memref<!tpu.dma_semaphore, #tpu.memory_space<semaphore_mem>>)
      %gt3A_78 = arith.constant 0 : i32
      %gt3A_79 = arith.cmpi sgt, %mul3A_57, %gt3A_78 : i32
      %convert_element_type3A_80 = arith.extui %gt3A_79 : i1 to i32
      %cond3A_81 = arith.constant 0 : i32
      %cond3A_82 = arith.cmpi ne, %convert_element_type3A_80, %cond3A_81 : i32
      scf.if %cond3A_82 {
        %dma_wait3A_129 = arith.constant 0 : i32
        %dma_wait3A_130 = arith.constant 0 : i32
        %dma_wait3A_131 = tpu.memref_slice %arg4[%dma_wait3A_129, %dma_wait3A_130] : memref<20000x128xf32, #tpu.memory_space<hbm>> -> memref<20000x128xf32, #tpu.memory_space<hbm>>
        tpu.wait_indirect_dma semaphore(%arg21 : memref<!tpu.dma_semaphore, #tpu.memory_space<semaphore_mem>>) src(%dma_wait3A_131 : memref<20000x128xf32, #tpu.memory_space<hbm>>) dst(%arg13 : memref<80x128xf32, #tpu.memory_space<vmem>>)
        %scan3A_132 = arith.constant 0 : i32
        %scan3A_133 = arith.constant 0 : i32
        %scan3A_134 = arith.constant 5 : i32
        %scan3A_135 = arith.addi %scan3A_133, %scan3A_134 : i32
        %scan3A_136 = arith.constant 1 : i32
        %scan3A_137 = scf.for %scan3A_142 = %scan3A_133 to %scan3A_135 step %scan3A_136 iter_args(%scan3A_143 = %scan3A_132) -> (i32)  : i32 {
          %mul3A_144 = arith.constant 16 : i32
          %mul3A_145 = arith.muli %scan3A_142, %mul3A_144 : i32
          %get3A = arith.index_cast %mul3A_145 : i32 to index
          %get3A_146 = tpu.vector_load %arg9[%get3A] {strides = array<i32>} : memref<80xi32, #tpu.memory_space<vmem>>, vector<16xi32>,
          %get3A_147 = vector.shape_cast %get3A_146 : vector<16xi32> to vector<16xi32>
          %mul3A_148 = arith.constant 16 : i32
          %mul3A_149 = arith.muli %scan3A_142, %mul3A_148 : i32
          %swap3A = arith.index_cast %mul3A_149 : i32 to index
          %swap3A_150 = tpu.vector_load %arg11[%swap3A] {strides = array<i32>} : memref<80xi32, #tpu.memory_space<vmem>>, vector<16xi32>,
          %swap3A_151 = vector.shape_cast %swap3A_150 : vector<16xi32> to vector<16xi32>
          %swap3A_152 = vector.shape_cast %get3A_147 : vector<16xi32> to vector<16xi32>
          tpu.vector_store %arg11[%swap3A], %swap3A_152 {strides = array<i32>} : memref<80xi32, #tpu.memory_space<vmem>>, vector<16xi32>,
          %scan3A_153 = arith.constant 0 : i32
          scf.yield %scan3A_153 : i32
        }
        %scan3A_138 = arith.constant 5 : i32
        %dma_start3A_139 = arith.constant 0 : i32
        %dma_start3A_140 = arith.constant 0 : i32
        %dma_start3A_141 = tpu.memref_slice %arg15[%dma_start3A_139, %dma_start3A_140] : memref<10000x128xf32, #tpu.memory_space<vmem_shared>> -> memref<10000x128xf32, #tpu.memory_space<vmem_shared>>
        tpu.enqueue_indirect_dma source(%arg13 : memref<80x128xf32, #tpu.memory_space<vmem>>) target(%dma_start3A_141 : memref<10000x128xf32, #tpu.memory_space<vmem_shared>>) offsets(%arg11 : memref<80xi32, #tpu.memory_space<vmem>>) semaphore(%arg23 : memref<!tpu.dma_semaphore, #tpu.memory_space<semaphore_mem>>) {add = true}
      } else {
      }
      %add3A_83 = arith.constant 1 : i32
      %add3A_84 = arith.addi %mul3A_57, %add3A_83 : i32
      %lt3A = arith.constant 250 : i32
      %lt3A_85 = arith.cmpi slt, %add3A_84, %lt3A : i32
      %convert_element_type3A_86 = arith.extui %lt3A_85 : i1 to i32
      %cond3A_87 = arith.constant 0 : i32
      %cond3A_88 = arith.cmpi ne, %convert_element_type3A_86, %cond3A_87 : i32
      scf.if %cond3A_88 {
        %add3A_129 = arith.constant 1 : i32
        %add3A_130 = arith.addi %mul3A_57, %add3A_129 : i32
        %mul3A_131 = arith.constant 80 : i32
        %mul3A_132 = arith.muli %add3A_130, %mul3A_131 : i32
        %add3A_133 = arith.addi %mul3A_14, %mul3A_132 : i32
        %dma_start3A_134 = tpu.memref_slice %arg2[%add3A_133] : memref<320000xi32, #tpu.memory_space<hbm>> -> memref<80xi32, #tpu.memory_space<hbm>>
        %dma_start3A_135 = tpu.memref_slice %arg2[%add3A_133] : memref<320000xi32, #tpu.memory_space<hbm>> -> memref<80xi32, #tpu.memory_space<hbm>>
        tpu.enqueue_dma source(%dma_start3A_135 : memref<80xi32, #tpu.memory_space<hbm>>) target(%arg7 : memref<80xi32, #tpu.memory_space<vmem>>) target_semaphore(%arg17 : memref<!tpu.dma_semaphore, #tpu.memory_space<semaphore_mem>>)
        %dma_start3A_136 = tpu.memref_slice %arg3[%add3A_133] : memref<320000xi32, #tpu.memory_space<hbm>> -> memref<80xi32, #tpu.memory_space<hbm>>
        %dma_start3A_137 = tpu.memref_slice %arg3[%add3A_133] : memref<320000xi32, #tpu.memory_space<hbm>> -> memref<80xi32, #tpu.memory_space<hbm>>
        tpu.enqueue_dma source(%dma_start3A_137 : memref<80xi32, #tpu.memory_space<hbm>>) target(%arg9 : memref<80xi32, #tpu.memory_space<vmem>>) target_semaphore(%arg19 : memref<!tpu.dma_semaphore, #tpu.memory_space<semaphore_mem>>)
      } else {
      }
      %mul3A_89 = arith.constant 2 : i32
      %mul3A_90 = arith.muli %mul3A_89, %scan3A_54 : i32
      %add3A_91 = arith.constant 1 : i32
      %add3A_92 = arith.addi %mul3A_90, %add3A_91 : i32
      %dma_wait3A_93 = arith.constant 0 : i32
      %dma_wait3A_94 = tpu.memref_slice %arg2[%dma_wait3A_93] : memref<320000xi32, #tpu.memory_space<hbm>> -> memref<80xi32, #tpu.memory_space<hbm>>
      %dma_wait3A_95 = arith.constant 0 : i32
      %dma_wait3A_96 = tpu.memref_slice %arg2[%dma_wait3A_95] : memref<320000xi32, #tpu.memory_space<hbm>> -> memref<80xi32, #tpu.memory_space<hbm>>
      tpu.wait_dma2 semaphore(%arg17 : memref<!tpu.dma_semaphore, #tpu.memory_space<semaphore_mem>>) src(%dma_wait3A_96 : memref<80xi32, #tpu.memory_space<hbm>>) dst(%arg7 : memref<80xi32, #tpu.memory_space<vmem>>)
      %dma_wait3A_97 = arith.constant 0 : i32
      %dma_wait3A_98 = tpu.memref_slice %arg3[%dma_wait3A_97] : memref<320000xi32, #tpu.memory_space<hbm>> -> memref<80xi32, #tpu.memory_space<hbm>>
      %dma_wait3A_99 = arith.constant 0 : i32
      %dma_wait3A_100 = tpu.memref_slice %arg3[%dma_wait3A_99] : memref<320000xi32, #tpu.memory_space<hbm>> -> memref<80xi32, #tpu.memory_space<hbm>>
      tpu.wait_dma2 semaphore(%arg19 : memref<!tpu.dma_semaphore, #tpu.memory_space<semaphore_mem>>) src(%dma_wait3A_100 : memref<80xi32, #tpu.memory_space<hbm>>) dst(%arg9 : memref<80xi32, #tpu.memory_space<vmem>>)
      %scan3A_101 = arith.constant 0 : i32
      %scan3A_102 = arith.constant 0 : i32
      %scan3A_103 = arith.constant 5 : i32
      %scan3A_104 = arith.addi %scan3A_102, %scan3A_103 : i32
      %scan3A_105 = arith.constant 1 : i32
      %scan3A_106 = scf.for %scan3A_129 = %scan3A_102 to %scan3A_104 step %scan3A_105 iter_args(%scan3A_130 = %scan3A_101) -> (i32)  : i32 {
        %mul3A_131 = arith.constant 16 : i32
        %mul3A_132 = arith.muli %scan3A_129, %mul3A_131 : i32
        %get3A = arith.index_cast %mul3A_132 : i32 to index
        %get3A_133 = tpu.vector_load %arg7[%get3A] {strides = array<i32>} : memref<80xi32, #tpu.memory_space<vmem>>, vector<16xi32>,
        %get3A_134 = vector.shape_cast %get3A_133 : vector<16xi32> to vector<16xi32>
        %add3A_135 = vector.broadcast %mul3A_16 : i32 to vector<16xi32>
        %add3A_136 = arith.addi %get3A_134, %add3A_135 : vector<16xi32>
        %mul3A_137 = arith.constant 16 : i32
        %mul3A_138 = arith.muli %scan3A_129, %mul3A_137 : i32
        %swap3A = arith.index_cast %mul3A_138 : i32 to index
        %swap3A_139 = tpu.vector_load %arg7[%swap3A] {strides = array<i32>} : memref<80xi32, #tpu.memory_space<vmem>>, vector<16xi32>,
        %swap3A_140 = vector.shape_cast %swap3A_139 : vector<16xi32> to vector<16xi32>
        %swap3A_141 = vector.shape_cast %add3A_136 : vector<16xi32> to vector<16xi32>
        tpu.vector_store %arg7[%swap3A], %swap3A_141 {strides = array<i32>} : memref<80xi32, #tpu.memory_space<vmem>>, vector<16xi32>,
        %scan3A_142 = arith.constant 0 : i32
        scf.yield %scan3A_142 : i32
      }
      %scan3A_107 = arith.constant 5 : i32
      %gt3A_108 = arith.constant 1 : i32
      %gt3A_109 = arith.cmpi sgt, %add3A_92, %gt3A_108 : i32
      %convert_element_type3A_110 = arith.extui %gt3A_109 : i1 to i32
      %cond3A_111 = arith.constant 0 : i32
      %cond3A_112 = arith.cmpi ne, %convert_element_type3A_110, %cond3A_111 : i32
      scf.if %cond3A_112 {
        %dma_wait3A_129 = arith.constant 0 : i32
        %dma_wait3A_130 = arith.constant 0 : i32
        %dma_wait3A_131 = tpu.memref_slice %arg15[%dma_wait3A_129, %dma_wait3A_130] : memref<10000x128xf32, #tpu.memory_space<vmem_shared>> -> memref<10000x128xf32, #tpu.memory_space<vmem_shared>>
        tpu.wait_indirect_dma semaphore(%arg23 : memref<!tpu.dma_semaphore, #tpu.memory_space<semaphore_mem>>) src(%arg13 : memref<80x128xf32, #tpu.memory_space<vmem>>) dst(%dma_wait3A_131 : memref<10000x128xf32, #tpu.memory_space<vmem_shared>>)
      } else {
      }
      %dma_start3A_113 = arith.constant 0 : i32
      %dma_start3A_114 = arith.constant 0 : i32
      %dma_start3A_115 = tpu.memref_slice %arg4[%dma_start3A_113, %dma_start3A_114] : memref<20000x128xf32, #tpu.memory_space<hbm>> -> memref<20000x128xf32, #tpu.memory_space<hbm>>
      tpu.enqueue_indirect_dma source(%dma_start3A_115 : memref<20000x128xf32, #tpu.memory_space<hbm>>) target(%arg13 : memref<80x128xf32, #tpu.memory_space<vmem>>) offsets(%arg7 : memref<80xi32, #tpu.memory_space<vmem>>) semaphore(%arg21 : memref<!tpu.dma_semaphore, #tpu.memory_space<semaphore_mem>>)
      %gt3A_116 = arith.constant 0 : i32
      %gt3A_117 = arith.cmpi sgt, %add3A_92, %gt3A_116 : i32
      %convert_element_type3A_118 = arith.extui %gt3A_117 : i1 to i32
      %cond3A_119 = arith.constant 0 : i32
      %cond3A_120 = arith.cmpi ne, %convert_element_type3A_118, %cond3A_119 : i32
      scf.if %cond3A_120 {
        %dma_wait3A_129 = arith.constant 0 : i32
        %dma_wait3A_130 = arith.constant 0 : i32
        %dma_wait3A_131 = tpu.memref_slice %arg4[%dma_wait3A_129, %dma_wait3A_130] : memref<20000x128xf32, #tpu.memory_space<hbm>> -> memref<20000x128xf32, #tpu.memory_space<hbm>>
        tpu.wait_indirect_dma semaphore(%arg20 : memref<!tpu.dma_semaphore, #tpu.memory_space<semaphore_mem>>) src(%dma_wait3A_131 : memref<20000x128xf32, #tpu.memory_space<hbm>>) dst(%arg12 : memref<80x128xf32, #tpu.memory_space<vmem>>)
        %scan3A_132 = arith.constant 0 : i32
        %scan3A_133 = arith.constant 0 : i32
        %scan3A_134 = arith.constant 5 : i32
        %scan3A_135 = arith.addi %scan3A_133, %scan3A_134 : i32
        %scan3A_136 = arith.constant 1 : i32
        %scan3A_137 = scf.for %scan3A_142 = %scan3A_133 to %scan3A_135 step %scan3A_136 iter_args(%scan3A_143 = %scan3A_132) -> (i32)  : i32 {
          %mul3A_144 = arith.constant 16 : i32
          %mul3A_145 = arith.muli %scan3A_142, %mul3A_144 : i32
          %get3A = arith.index_cast %mul3A_145 : i32 to index
          %get3A_146 = tpu.vector_load %arg8[%get3A] {strides = array<i32>} : memref<80xi32, #tpu.memory_space<vmem>>, vector<16xi32>,
          %get3A_147 = vector.shape_cast %get3A_146 : vector<16xi32> to vector<16xi32>
          %mul3A_148 = arith.constant 16 : i32
          %mul3A_149 = arith.muli %scan3A_142, %mul3A_148 : i32
          %swap3A = arith.index_cast %mul3A_149 : i32 to index
          %swap3A_150 = tpu.vector_load %arg10[%swap3A] {strides = array<i32>} : memref<80xi32, #tpu.memory_space<vmem>>, vector<16xi32>,
          %swap3A_151 = vector.shape_cast %swap3A_150 : vector<16xi32> to vector<16xi32>
          %swap3A_152 = vector.shape_cast %get3A_147 : vector<16xi32> to vector<16xi32>
          tpu.vector_store %arg10[%swap3A], %swap3A_152 {strides = array<i32>} : memref<80xi32, #tpu.memory_space<vmem>>, vector<16xi32>,
          %scan3A_153 = arith.constant 0 : i32
          scf.yield %scan3A_153 : i32
        }
        %scan3A_138 = arith.constant 5 : i32
        %dma_start3A_139 = arith.constant 0 : i32
        %dma_start3A_140 = arith.constant 0 : i32
        %dma_start3A_141 = tpu.memref_slice %arg15[%dma_start3A_139, %dma_start3A_140] : memref<10000x128xf32, #tpu.memory_space<vmem_shared>> -> memref<10000x128xf32, #tpu.memory_space<vmem_shared>>
        tpu.enqueue_indirect_dma source(%arg12 : memref<80x128xf32, #tpu.memory_space<vmem>>) target(%dma_start3A_141 : memref<10000x128xf32, #tpu.memory_space<vmem_shared>>) offsets(%arg10 : memref<80xi32, #tpu.memory_space<vmem>>) semaphore(%arg22 : memref<!tpu.dma_semaphore, #tpu.memory_space<semaphore_mem>>) {add = true}
      } else {
      }
      %add3A_121 = arith.constant 1 : i32
      %add3A_122 = arith.addi %add3A_92, %add3A_121 : i32
      %lt3A_123 = arith.constant 250 : i32
      %lt3A_124 = arith.cmpi slt, %add3A_122, %lt3A_123 : i32
      %convert_element_type3A_125 = arith.extui %lt3A_124 : i1 to i32
      %cond3A_126 = arith.constant 0 : i32
      %cond3A_127 = arith.cmpi ne, %convert_element_type3A_125, %cond3A_126 : i32
      scf.if %cond3A_127 {
        %add3A_129 = arith.constant 1 : i32
        %add3A_130 = arith.addi %add3A_92, %add3A_129 : i32
        %mul3A_131 = arith.constant 80 : i32
        %mul3A_132 = arith.muli %add3A_130, %mul3A_131 : i32
        %add3A_133 = arith.addi %mul3A_14, %mul3A_132 : i32
        %dma_start3A_134 = tpu.memref_slice %arg2[%add3A_133] : memref<320000xi32, #tpu.memory_space<hbm>> -> memref<80xi32, #tpu.memory_space<hbm>>
        %dma_start3A_135 = tpu.memref_slice %arg2[%add3A_133] : memref<320000xi32, #tpu.memory_space<hbm>> -> memref<80xi32, #tpu.memory_space<hbm>>
        tpu.enqueue_dma source(%dma_start3A_135 : memref<80xi32, #tpu.memory_space<hbm>>) target(%arg6 : memref<80xi32, #tpu.memory_space<vmem>>) target_semaphore(%arg16 : memref<!tpu.dma_semaphore, #tpu.memory_space<semaphore_mem>>)
        %dma_start3A_136 = tpu.memref_slice %arg3[%add3A_133] : memref<320000xi32, #tpu.memory_space<hbm>> -> memref<80xi32, #tpu.memory_space<hbm>>
        %dma_start3A_137 = tpu.memref_slice %arg3[%add3A_133] : memref<320000xi32, #tpu.memory_space<hbm>> -> memref<80xi32, #tpu.memory_space<hbm>>
        tpu.enqueue_dma source(%dma_start3A_137 : memref<80xi32, #tpu.memory_space<hbm>>) target(%arg8 : memref<80xi32, #tpu.memory_space<vmem>>) target_semaphore(%arg18 : memref<!tpu.dma_semaphore, #tpu.memory_space<semaphore_mem>>)
      } else {
      }
      %scan3A_128 = arith.constant 0 : i32
      scf.yield %scan3A_128 : i32
    }
    %scan3A_27 = arith.constant 125 : i32
    %dma_wait3A = arith.constant 0 : i32
    %dma_wait3A_28 = arith.constant 0 : i32
    %dma_wait3A_29 = tpu.memref_slice %arg4[%dma_wait3A, %dma_wait3A_28] : memref<20000x128xf32, #tpu.memory_space<hbm>> -> memref<20000x128xf32, #tpu.memory_space<hbm>>
    tpu.wait_indirect_dma semaphore(%arg21 : memref<!tpu.dma_semaphore, #tpu.memory_space<semaphore_mem>>) src(%dma_wait3A_29 : memref<20000x128xf32, #tpu.memory_space<hbm>>) dst(%arg13 : memref<80x128xf32, #tpu.memory_space<vmem>>)
    %scan3A_30 = arith.constant 0 : i32
    %scan3A_31 = arith.constant 0 : i32
    %scan3A_32 = arith.constant 5 : i32
    %scan3A_33 = arith.addi %scan3A_31, %scan3A_32 : i32
    %scan3A_34 = arith.constant 1 : i32
    %scan3A_35 = scf.for %scan3A_54 = %scan3A_31 to %scan3A_33 step %scan3A_34 iter_args(%scan3A_55 = %scan3A_30) -> (i32)  : i32 {
      %mul3A_56 = arith.constant 16 : i32
      %mul3A_57 = arith.muli %scan3A_54, %mul3A_56 : i32
      %get3A = arith.index_cast %mul3A_57 : i32 to index
      %get3A_58 = tpu.vector_load %arg9[%get3A] {strides = array<i32>} : memref<80xi32, #tpu.memory_space<vmem>>, vector<16xi32>,
      %get3A_59 = vector.shape_cast %get3A_58 : vector<16xi32> to vector<16xi32>
      %mul3A_60 = arith.constant 16 : i32
      %mul3A_61 = arith.muli %scan3A_54, %mul3A_60 : i32
      %swap3A = arith.index_cast %mul3A_61 : i32 to index
      %swap3A_62 = tpu.vector_load %arg11[%swap3A] {strides = array<i32>} : memref<80xi32, #tpu.memory_space<vmem>>, vector<16xi32>,
      %swap3A_63 = vector.shape_cast %swap3A_62 : vector<16xi32> to vector<16xi32>
      %swap3A_64 = vector.shape_cast %get3A_59 : vector<16xi32> to vector<16xi32>
      tpu.vector_store %arg11[%swap3A], %swap3A_64 {strides = array<i32>} : memref<80xi32, #tpu.memory_space<vmem>>, vector<16xi32>,
      %scan3A_65 = arith.constant 0 : i32
      scf.yield %scan3A_65 : i32
    }
    %scan3A_36 = arith.constant 5 : i32
    %dma_start3A_37 = arith.constant 0 : i32
    %dma_start3A_38 = arith.constant 0 : i32
    %dma_start3A_39 = tpu.memref_slice %arg15[%dma_start3A_37, %dma_start3A_38] : memref<10000x128xf32, #tpu.memory_space<vmem_shared>> -> memref<10000x128xf32, #tpu.memory_space<vmem_shared>>
    tpu.enqueue_indirect_dma source(%arg13 : memref<80x128xf32, #tpu.memory_space<vmem>>) target(%dma_start3A_39 : memref<10000x128xf32, #tpu.memory_space<vmem_shared>>) offsets(%arg11 : memref<80xi32, #tpu.memory_space<vmem>>) semaphore(%arg23 : memref<!tpu.dma_semaphore, #tpu.memory_space<semaphore_mem>>) {add = true}
    %dma_wait3A_40 = arith.constant 0 : i32
    %dma_wait3A_41 = arith.constant 0 : i32
    %dma_wait3A_42 = tpu.memref_slice %arg15[%dma_wait3A_40, %dma_wait3A_41] : memref<10000x128xf32, #tpu.memory_space<vmem_shared>> -> memref<10000x128xf32, #tpu.memory_space<vmem_shared>>
    tpu.wait_indirect_dma semaphore(%arg22 : memref<!tpu.dma_semaphore, #tpu.memory_space<semaphore_mem>>) src(%arg12 : memref<80x128xf32, #tpu.memory_space<vmem>>) dst(%dma_wait3A_42 : memref<10000x128xf32, #tpu.memory_space<vmem_shared>>)
    %dma_wait3A_43 = arith.constant 0 : i32
    %dma_wait3A_44 = arith.constant 0 : i32
    %dma_wait3A_45 = tpu.memref_slice %arg15[%dma_wait3A_43, %dma_wait3A_44] : memref<10000x128xf32, #tpu.memory_space<vmem_shared>> -> memref<10000x128xf32, #tpu.memory_space<vmem_shared>>
    tpu.wait_indirect_dma semaphore(%arg23 : memref<!tpu.dma_semaphore, #tpu.memory_space<semaphore_mem>>) src(%arg13 : memref<80x128xf32, #tpu.memory_space<vmem>>) dst(%dma_wait3A_45 : memref<10000x128xf32, #tpu.memory_space<vmem_shared>>)
    %barrier3A_46 = arith.constant 0 : index
    tpu.barrier barrier_id(%barrier3A_46)
    %scan3A_47 = arith.constant 0 : i32
    %scan3A_48 = arith.constant 0 : i32
    %scan3A_49 = arith.constant 8 : i32
    %scan3A_50 = arith.addi %scan3A_48, %scan3A_49 : i32
    %scan3A_51 = arith.constant 1 : i32
    %scan3A_52 = scf.for %scan3A_54 = %scan3A_48 to %scan3A_50 step %scan3A_51 iter_args(%scan3A_55 = %scan3A_47) -> (i32)  : i32 {
      %mul3A_56 = arith.constant 16 : i32
      %mul3A_57 = arith.muli %scan3A_54, %mul3A_56 : i32
      %add3A_58 = arith.addi %mul3A_57, %arg1 : i32
      %lt3A = arith.constant 125 : i32
      %lt3A_59 = arith.cmpi slt, %add3A_58, %lt3A : i32
      %convert_element_type3A = arith.extui %lt3A_59 : i1 to i32
      %cond3A = arith.constant 0 : i32
      %cond3A_60 = arith.cmpi ne, %convert_element_type3A, %cond3A : i32
      scf.if %cond3A_60 {
        %mul3A_62 = arith.constant 80 : i32
        %mul3A_63 = arith.muli %add3A_58, %mul3A_62 : i32
        %mul3A_64 = arith.constant 10000 : i32
        %mul3A_65 = arith.muli %arg0, %mul3A_64 : i32
        %add3A_66 = arith.addi %mul3A_65, %mul3A_63 : i32
        "tpu.region"() ({
          %run_scoped3A = tpu.sem_alloc : memref<!tpu.dma_semaphore, #tpu.memory_space<semaphore_mem>>
          %dma_start3A_67 = arith.constant 0 : i32
          %dma_start3A_68 = tpu.memref_slice %arg5[%add3A_66, %dma_start3A_67] : memref<20000x128xf32, #tpu.memory_space<hbm>> -> memref<80x128xf32, #tpu.memory_space<hbm>>
          %dma_start3A_69 = arith.constant 0 : i32
          %dma_start3A_70 = tpu.memref_slice %arg15[%mul3A_63, %dma_start3A_69] : memref<10000x128xf32, #tpu.memory_space<vmem_shared>> -> memref<80x128xf32, #tpu.memory_space<vmem_shared>>
          tpu.enqueue_dma source(%dma_start3A_70 : memref<80x128xf32, #tpu.memory_space<vmem_shared>>) target(%dma_start3A_68 : memref<80x128xf32, #tpu.memory_space<hbm>>) target_semaphore(%run_scoped3A : memref<!tpu.dma_semaphore, #tpu.memory_space<semaphore_mem>>)
          %dma_wait3A_71 = arith.constant 0 : i32
          %dma_wait3A_72 = tpu.memref_slice %arg5[%add3A_66, %dma_wait3A_71] : memref<20000x128xf32, #tpu.memory_space<hbm>> -> memref<80x128xf32, #tpu.memory_space<hbm>>
          %dma_wait3A_73 = arith.constant 0 : i32
          %dma_wait3A_74 = tpu.memref_slice %arg15[%mul3A_63, %dma_wait3A_73] : memref<10000x128xf32, #tpu.memory_space<vmem_shared>> -> memref<80x128xf32, #tpu.memory_space<vmem_shared>>
          tpu.wait_dma2 semaphore(%run_scoped3A : memref<!tpu.dma_semaphore, #tpu.memory_space<semaphore_mem>>) src(%dma_wait3A_74 : memref<80x128xf32, #tpu.memory_space<vmem_shared>>) dst(%dma_wait3A_72 : memref<80x128xf32, #tpu.memory_space<hbm>>)
          tpu.yield
        }) : () -> ()
      } else {
      }
      %scan3A_61 = arith.constant 0 : i32
      scf.yield %scan3A_61 : i32
    }
    %scan3A_53 = arith.constant 8 : i32
    return
  }
}

#map = affine_map<(d0, d1) -> (0)>
#map1 = affine_map<(d0, d1) -> (0, 0)>
module attributes {stable_mosaic.version = 14 : i64} {
  func.func @kseg(%arg0: i32, %arg1: i32, %arg2: memref<320000xi32, #tpu.memory_space<hbm>>, %arg3: memref<320000xi32, #tpu.memory_space<hbm>>, %arg4: memref<10000x128xf32, #tpu.memory_space<hbm>>, %arg5: memref<20000x128xf32, #tpu.memory_space<hbm>>, %arg6: memref<80xi32, #tpu.memory_space<vmem>>, %arg7: memref<80xi32, #tpu.memory_space<vmem>>, %arg8: memref<80xi32, #tpu.memory_space<vmem>>, %arg9: memref<80xi32, #tpu.memory_space<vmem>>, %arg10: memref<80xi32, #tpu.memory_space<vmem>>, %arg11: memref<80xi32, #tpu.memory_space<vmem>>, %arg12: memref<80x128xf32, #tpu.memory_space<vmem>>, %arg13: memref<80x128xf32, #tpu.memory_space<vmem>>, %arg14: memref<80x128xf32, #tpu.memory_space<vmem>>, %arg15: memref<10000x128xf32, #tpu.memory_space<vmem_shared>>, %arg16: memref<!tpu.dma_semaphore, #tpu.memory_space<semaphore_mem>>, %arg17: memref<!tpu.dma_semaphore, #tpu.memory_space<semaphore_mem>>, %arg18: memref<!tpu.dma_semaphore, #tpu.memory_space<semaphore_mem>>, %arg19: memref<!tpu.dma_semaphore, #tpu.memory_space<semaphore_mem>>, %arg20: memref<!tpu.dma_semaphore, #tpu.memory_space<semaphore_mem>>, %arg21: memref<!tpu.dma_semaphore, #tpu.memory_space<semaphore_mem>>, %arg22: memref<!tpu.dma_semaphore, #tpu.memory_space<semaphore_mem>>, %arg23: memref<!tpu.dma_semaphore, #tpu.memory_space<semaphore_mem>>) attributes {dimension_semantics = [#tpu.dimension_semantics<core_parallel>, #tpu.dimension_semantics<subcore_parallel>], iteration_bounds = array<i64: 2, 16>, scalar_prefetch = 0 : i64, scratch_operands = 18 : i64, tpu.core_type = #tpu.core_type<sc_vector_subcore>, window_params = [{transform_indices = #map}, {transform_indices = #map}, {transform_indices = #map1}, {transform_indices = #map1}]} {
    %broadcast_in_dim3A = arith.constant 0.000000e+00 : f32
    %broadcast_in_dim3A_0 = vector.broadcast %broadcast_in_dim3A : f32 to vector<16xf32>
    %scan3A = arith.constant 0 : i32
    %scan3A_1 = arith.constant 0 : i32
    %scan3A_2 = arith.constant 80 : i32
    %scan3A_3 = arith.addi %scan3A_1, %scan3A_2 : i32
    %scan3A_4 = arith.constant 1 : i32
    %scan3A_5 = scf.for %scan3A_82 = %scan3A_1 to %scan3A_3 step %scan3A_4 iter_args(%scan3A_83 = %scan3A) -> (i32)  : i32 {
      %scan3A_84 = arith.constant 0 : i32
      %scan3A_85 = arith.constant 0 : i32
      %scan3A_86 = arith.constant 8 : i32
      %scan3A_87 = arith.addi %scan3A_85, %scan3A_86 : i32
      %scan3A_88 = arith.constant 1 : i32
      %scan3A_89 = scf.for %scan3A_92 = %scan3A_85 to %scan3A_87 step %scan3A_88 iter_args(%scan3A_93 = %scan3A_84) -> (i32)  : i32 {
        %mul3A_94 = arith.constant 16 : i32
        %mul3A_95 = arith.muli %scan3A_92, %mul3A_94 : i32
        %swap3A = arith.index_cast %scan3A_82 : i32 to index
        %swap3A_96 = arith.index_cast %mul3A_95 : i32 to index
        %swap3A_97 = tpu.vector_load %arg14[%swap3A, %swap3A_96] {strides = array<i32>} : memref<80x128xf32, #tpu.memory_space<vmem>>, vector<1x16xf32>,
        %swap3A_98 = vector.shape_cast %swap3A_97 : vector<1x16xf32> to vector<16xf32>
        %swap3A_99 = vector.shape_cast %broadcast_in_dim3A_0 : vector<16xf32> to vector<1x16xf32>
        tpu.vector_store %arg14[%swap3A, %swap3A_96], %swap3A_99 {strides = array<i32>} : memref<80x128xf32, #tpu.memory_space<vmem>>, vector<1x16xf32>,
        %scan3A_100 = arith.constant 0 : i32
        scf.yield %scan3A_100 : i32
      }
      %scan3A_90 = arith.constant 8 : i32
      %scan3A_91 = arith.constant 0 : i32
      scf.yield %scan3A_91 : i32
    }
    %scan3A_6 = arith.constant 80 : i32
    %scan3A_7 = arith.constant 0 : i32
    %scan3A_8 = arith.constant 0 : i32
    %scan3A_9 = arith.constant 8 : i32
    %scan3A_10 = arith.addi %scan3A_8, %scan3A_9 : i32
    %scan3A_11 = arith.constant 1 : i32
    %scan3A_12 = scf.for %scan3A_82 = %scan3A_8 to %scan3A_10 step %scan3A_11 iter_args(%scan3A_83 = %scan3A_7) -> (i32)  : i32 {
      %mul3A_84 = arith.constant 16 : i32
      %mul3A_85 = arith.muli %scan3A_82, %mul3A_84 : i32
      %add3A_86 = arith.addi %mul3A_85, %arg1 : i32
      %lt3A = arith.constant 125 : i32
      %lt3A_87 = arith.cmpi slt, %add3A_86, %lt3A : i32
      %convert_element_type3A = arith.extui %lt3A_87 : i1 to i32
      %cond3A = arith.constant 0 : i32
      %cond3A_88 = arith.cmpi ne, %convert_element_type3A, %cond3A : i32
      scf.if %cond3A_88 {
        %mul3A_90 = arith.constant 80 : i32
        %mul3A_91 = arith.muli %add3A_86, %mul3A_90 : i32
        "tpu.region"() ({
          %run_scoped3A = tpu.sem_alloc : memref<!tpu.dma_semaphore, #tpu.memory_space<semaphore_mem>>
          %dma_start3A_92 = arith.constant 0 : i32
          %dma_start3A_93 = arith.constant 0 : i32
          %dma_start3A_94 = tpu.memref_slice %arg14[%dma_start3A_92, %dma_start3A_93] : memref<80x128xf32, #tpu.memory_space<vmem>> -> memref<80x128xf32, #tpu.memory_space<vmem>>
          %dma_start3A_95 = arith.constant 0 : i32
          %dma_start3A_96 = tpu.memref_slice %arg15[%mul3A_91, %dma_start3A_95] : memref<10000x128xf32, #tpu.memory_space<vmem_shared>> -> memref<80x128xf32, #tpu.memory_space<vmem_shared>>
          %dma_start3A_97 = arith.constant 0 : i32
          %dma_start3A_98 = tpu.memref_slice %arg15[%mul3A_91, %dma_start3A_97] : memref<10000x128xf32, #tpu.memory_space<vmem_shared>> -> memref<80x128xf32, #tpu.memory_space<vmem_shared>>
          %dma_start3A_99 = arith.constant 0 : i32
          %dma_start3A_100 = arith.constant 0 : i32
          %dma_start3A_101 = tpu.memref_slice %arg14[%dma_start3A_99, %dma_start3A_100] : memref<80x128xf32, #tpu.memory_space<vmem>> -> memref<80x128xf32, #tpu.memory_space<vmem>>
          tpu.enqueue_dma source(%dma_start3A_101 : memref<80x128xf32, #tpu.memory_space<vmem>>) target(%dma_start3A_98 : memref<80x128xf32, #tpu.memory_space<vmem_shared>>) target_semaphore(%run_scoped3A : memref<!tpu.dma_semaphore, #tpu.memory_space<semaphore_mem>>)
          %dma_wait3A_102 = arith.constant 0 : i32
          %dma_wait3A_103 = arith.constant 0 : i32
          %dma_wait3A_104 = tpu.memref_slice %arg14[%dma_wait3A_102, %dma_wait3A_103] : memref<80x128xf32, #tpu.memory_space<vmem>> -> memref<80x128xf32, #tpu.memory_space<vmem>>
          %dma_wait3A_105 = arith.constant 0 : i32
          %dma_wait3A_106 = tpu.memref_slice %arg15[%mul3A_91, %dma_wait3A_105] : memref<10000x128xf32, #tpu.memory_space<vmem_shared>> -> memref<80x128xf32, #tpu.memory_space<vmem_shared>>
          %dma_wait3A_107 = arith.constant 0 : i32
          %dma_wait3A_108 = tpu.memref_slice %arg15[%mul3A_91, %dma_wait3A_107] : memref<10000x128xf32, #tpu.memory_space<vmem_shared>> -> memref<80x128xf32, #tpu.memory_space<vmem_shared>>
          %dma_wait3A_109 = arith.constant 0 : i32
          %dma_wait3A_110 = arith.constant 0 : i32
          %dma_wait3A_111 = tpu.memref_slice %arg14[%dma_wait3A_109, %dma_wait3A_110] : memref<80x128xf32, #tpu.memory_space<vmem>> -> memref<80x128xf32, #tpu.memory_space<vmem>>
          tpu.wait_dma2 semaphore(%run_scoped3A : memref<!tpu.dma_semaphore, #tpu.memory_space<semaphore_mem>>) src(%dma_wait3A_111 : memref<80x128xf32, #tpu.memory_space<vmem>>) dst(%dma_wait3A_108 : memref<80x128xf32, #tpu.memory_space<vmem_shared>>)
          tpu.yield
        }) : () -> ()
      } else {
      }
      %scan3A_89 = arith.constant 0 : i32
      scf.yield %scan3A_89 : i32
    }
    %scan3A_13 = arith.constant 8 : i32
    %barrier3A = arith.constant 0 : index
    tpu.barrier barrier_id(%barrier3A)
    %mul3A = arith.constant 16 : i32
    %mul3A_14 = arith.muli %arg0, %mul3A : i32
    %add3A = arith.addi %mul3A_14, %arg1 : i32
    %mul3A_15 = arith.constant 10000 : i32
    %mul3A_16 = arith.muli %add3A, %mul3A_15 : i32
    %add3A_17 = arith.constant 0 : i32
    %add3A_18 = arith.addi %mul3A_16, %add3A_17 : i32
    %dma_start3A = tpu.memref_slice %arg2[%add3A_18] : memref<320000xi32, #tpu.memory_space<hbm>> -> memref<80xi32, #tpu.memory_space<hbm>>
    %dma_start3A_19 = tpu.memref_slice %arg2[%add3A_18] : memref<320000xi32, #tpu.memory_space<hbm>> -> memref<80xi32, #tpu.memory_space<hbm>>
    tpu.enqueue_dma source(%dma_start3A_19 : memref<80xi32, #tpu.memory_space<hbm>>) target(%arg6 : memref<80xi32, #tpu.memory_space<vmem>>) target_semaphore(%arg16 : memref<!tpu.dma_semaphore, #tpu.memory_space<semaphore_mem>>)
    %dma_start3A_20 = tpu.memref_slice %arg3[%add3A_18] : memref<320000xi32, #tpu.memory_space<hbm>> -> memref<80xi32, #tpu.memory_space<hbm>>
    %dma_start3A_21 = tpu.memref_slice %arg3[%add3A_18] : memref<320000xi32, #tpu.memory_space<hbm>> -> memref<80xi32, #tpu.memory_space<hbm>>
    tpu.enqueue_dma source(%dma_start3A_21 : memref<80xi32, #tpu.memory_space<hbm>>) target(%arg8 : memref<80xi32, #tpu.memory_space<vmem>>) target_semaphore(%arg18 : memref<!tpu.dma_semaphore, #tpu.memory_space<semaphore_mem>>)
    %scan3A_22 = arith.constant 0 : i32
    %scan3A_23 = arith.constant 0 : i32
    %scan3A_24 = arith.constant 62 : i32
    %scan3A_25 = arith.addi %scan3A_23, %scan3A_24 : i32
    %scan3A_26 = arith.constant 1 : i32
    %scan3A_27 = scf.for %scan3A_82 = %scan3A_23 to %scan3A_25 step %scan3A_26 iter_args(%scan3A_83 = %scan3A_22) -> (i32)  : i32 {
      %mul3A_84 = arith.constant 2 : i32
      %mul3A_85 = arith.muli %mul3A_84, %scan3A_82 : i32
      %dma_wait3A_86 = arith.constant 0 : i32
      %dma_wait3A_87 = tpu.memref_slice %arg2[%dma_wait3A_86] : memref<320000xi32, #tpu.memory_space<hbm>> -> memref<80xi32, #tpu.memory_space<hbm>>
      %dma_wait3A_88 = arith.constant 0 : i32
      %dma_wait3A_89 = tpu.memref_slice %arg2[%dma_wait3A_88] : memref<320000xi32, #tpu.memory_space<hbm>> -> memref<80xi32, #tpu.memory_space<hbm>>
      tpu.wait_dma2 semaphore(%arg16 : memref<!tpu.dma_semaphore, #tpu.memory_space<semaphore_mem>>) src(%dma_wait3A_89 : memref<80xi32, #tpu.memory_space<hbm>>) dst(%arg6 : memref<80xi32, #tpu.memory_space<vmem>>)
      %dma_wait3A_90 = arith.constant 0 : i32
      %dma_wait3A_91 = tpu.memref_slice %arg3[%dma_wait3A_90] : memref<320000xi32, #tpu.memory_space<hbm>> -> memref<80xi32, #tpu.memory_space<hbm>>
      %dma_wait3A_92 = arith.constant 0 : i32
      %dma_wait3A_93 = tpu.memref_slice %arg3[%dma_wait3A_92] : memref<320000xi32, #tpu.memory_space<hbm>> -> memref<80xi32, #tpu.memory_space<hbm>>
      tpu.wait_dma2 semaphore(%arg18 : memref<!tpu.dma_semaphore, #tpu.memory_space<semaphore_mem>>) src(%dma_wait3A_93 : memref<80xi32, #tpu.memory_space<hbm>>) dst(%arg8 : memref<80xi32, #tpu.memory_space<vmem>>)
      %gt3A = arith.constant 1 : i32
      %gt3A_94 = arith.cmpi sgt, %mul3A_85, %gt3A : i32
      %convert_element_type3A = arith.extui %gt3A_94 : i1 to i32
      %cond3A = arith.constant 0 : i32
      %cond3A_95 = arith.cmpi ne, %convert_element_type3A, %cond3A : i32
      scf.if %cond3A_95 {
        %dma_wait3A_143 = arith.constant 0 : i32
        %dma_wait3A_144 = arith.constant 0 : i32
        %dma_wait3A_145 = tpu.memref_slice %arg15[%dma_wait3A_143, %dma_wait3A_144] : memref<10000x128xf32, #tpu.memory_space<vmem_shared>> -> memref<10000x128xf32, #tpu.memory_space<vmem_shared>>
        tpu.wait_indirect_dma semaphore(%arg22 : memref<!tpu.dma_semaphore, #tpu.memory_space<semaphore_mem>>) src(%arg12 : memref<80x128xf32, #tpu.memory_space<vmem>>) dst(%dma_wait3A_145 : memref<10000x128xf32, #tpu.memory_space<vmem_shared>>)
      } else {
      }
      %dma_start3A_96 = arith.constant 0 : i32
      %dma_start3A_97 = arith.constant 0 : i32
      %dma_start3A_98 = tpu.memref_slice %arg4[%dma_start3A_96, %dma_start3A_97] : memref<10000x128xf32, #tpu.memory_space<hbm>> -> memref<10000x128xf32, #tpu.memory_space<hbm>>
      tpu.enqueue_indirect_dma source(%dma_start3A_98 : memref<10000x128xf32, #tpu.memory_space<hbm>>) target(%arg12 : memref<80x128xf32, #tpu.memory_space<vmem>>) offsets(%arg6 : memref<80xi32, #tpu.memory_space<vmem>>) semaphore(%arg20 : memref<!tpu.dma_semaphore, #tpu.memory_space<semaphore_mem>>)
      %gt3A_99 = arith.constant 0 : i32
      %gt3A_100 = arith.cmpi sgt, %mul3A_85, %gt3A_99 : i32
      %convert_element_type3A_101 = arith.extui %gt3A_100 : i1 to i32
      %cond3A_102 = arith.constant 0 : i32
      %cond3A_103 = arith.cmpi ne, %convert_element_type3A_101, %cond3A_102 : i32
      scf.if %cond3A_103 {
        %dma_wait3A_143 = arith.constant 0 : i32
        %dma_wait3A_144 = arith.constant 0 : i32
        %dma_wait3A_145 = tpu.memref_slice %arg4[%dma_wait3A_143, %dma_wait3A_144] : memref<10000x128xf32, #tpu.memory_space<hbm>> -> memref<10000x128xf32, #tpu.memory_space<hbm>>
        tpu.wait_indirect_dma semaphore(%arg21 : memref<!tpu.dma_semaphore, #tpu.memory_space<semaphore_mem>>) src(%dma_wait3A_145 : memref<10000x128xf32, #tpu.memory_space<hbm>>) dst(%arg13 : memref<80x128xf32, #tpu.memory_space<vmem>>)
        %scan3A_146 = arith.constant 0 : i32
        %scan3A_147 = arith.constant 0 : i32
        %scan3A_148 = arith.constant 5 : i32
        %scan3A_149 = arith.addi %scan3A_147, %scan3A_148 : i32
        %scan3A_150 = arith.constant 1 : i32
        %scan3A_151 = scf.for %scan3A_156 = %scan3A_147 to %scan3A_149 step %scan3A_150 iter_args(%scan3A_157 = %scan3A_146) -> (i32)  : i32 {
          %mul3A_158 = arith.constant 16 : i32
          %mul3A_159 = arith.muli %scan3A_156, %mul3A_158 : i32
          %get3A = arith.index_cast %mul3A_159 : i32 to index
          %get3A_160 = tpu.vector_load %arg9[%get3A] {strides = array<i32>} : memref<80xi32, #tpu.memory_space<vmem>>, vector<16xi32>,
          %get3A_161 = vector.shape_cast %get3A_160 : vector<16xi32> to vector<16xi32>
          %mul3A_162 = arith.constant 16 : i32
          %mul3A_163 = arith.muli %scan3A_156, %mul3A_162 : i32
          %swap3A = arith.index_cast %mul3A_163 : i32 to index
          %swap3A_164 = tpu.vector_load %arg11[%swap3A] {strides = array<i32>} : memref<80xi32, #tpu.memory_space<vmem>>, vector<16xi32>,
          %swap3A_165 = vector.shape_cast %swap3A_164 : vector<16xi32> to vector<16xi32>
          %swap3A_166 = vector.shape_cast %get3A_161 : vector<16xi32> to vector<16xi32>
          tpu.vector_store %arg11[%swap3A], %swap3A_166 {strides = array<i32>} : memref<80xi32, #tpu.memory_space<vmem>>, vector<16xi32>,
          %scan3A_167 = arith.constant 0 : i32
          scf.yield %scan3A_167 : i32
        }
        %scan3A_152 = arith.constant 5 : i32
        %dma_start3A_153 = arith.constant 0 : i32
        %dma_start3A_154 = arith.constant 0 : i32
        %dma_start3A_155 = tpu.memref_slice %arg15[%dma_start3A_153, %dma_start3A_154] : memref<10000x128xf32, #tpu.memory_space<vmem_shared>> -> memref<10000x128xf32, #tpu.memory_space<vmem_shared>>
        tpu.enqueue_indirect_dma source(%arg13 : memref<80x128xf32, #tpu.memory_space<vmem>>) target(%dma_start3A_155 : memref<10000x128xf32, #tpu.memory_space<vmem_shared>>) offsets(%arg11 : memref<80xi32, #tpu.memory_space<vmem>>) semaphore(%arg23 : memref<!tpu.dma_semaphore, #tpu.memory_space<semaphore_mem>>) {add = true}
      } else {
      }
      %add3A_104 = arith.constant 1 : i32
      %add3A_105 = arith.addi %mul3A_85, %add3A_104 : i32
      %lt3A = arith.constant 125 : i32
      %lt3A_106 = arith.cmpi slt, %add3A_105, %lt3A : i32
      %convert_element_type3A_107 = arith.extui %lt3A_106 : i1 to i32
      %cond3A_108 = arith.constant 0 : i32
      %cond3A_109 = arith.cmpi ne, %convert_element_type3A_107, %cond3A_108 : i32
      scf.if %cond3A_109 {
        %add3A_143 = arith.constant 1 : i32
        %add3A_144 = arith.addi %mul3A_85, %add3A_143 : i32
        %mul3A_145 = arith.constant 80 : i32
        %mul3A_146 = arith.muli %add3A_144, %mul3A_145 : i32
        %add3A_147 = arith.addi %mul3A_16, %mul3A_146 : i32
        %dma_start3A_148 = tpu.memref_slice %arg2[%add3A_147] : memref<320000xi32, #tpu.memory_space<hbm>> -> memref<80xi32, #tpu.memory_space<hbm>>
        %dma_start3A_149 = tpu.memref_slice %arg2[%add3A_147] : memref<320000xi32, #tpu.memory_space<hbm>> -> memref<80xi32, #tpu.memory_space<hbm>>
        tpu.enqueue_dma source(%dma_start3A_149 : memref<80xi32, #tpu.memory_space<hbm>>) target(%arg7 : memref<80xi32, #tpu.memory_space<vmem>>) target_semaphore(%arg17 : memref<!tpu.dma_semaphore, #tpu.memory_space<semaphore_mem>>)
        %dma_start3A_150 = tpu.memref_slice %arg3[%add3A_147] : memref<320000xi32, #tpu.memory_space<hbm>> -> memref<80xi32, #tpu.memory_space<hbm>>
        %dma_start3A_151 = tpu.memref_slice %arg3[%add3A_147] : memref<320000xi32, #tpu.memory_space<hbm>> -> memref<80xi32, #tpu.memory_space<hbm>>
        tpu.enqueue_dma source(%dma_start3A_151 : memref<80xi32, #tpu.memory_space<hbm>>) target(%arg9 : memref<80xi32, #tpu.memory_space<vmem>>) target_semaphore(%arg19 : memref<!tpu.dma_semaphore, #tpu.memory_space<semaphore_mem>>)
      } else {
      }
      %mul3A_110 = arith.constant 2 : i32
      %mul3A_111 = arith.muli %mul3A_110, %scan3A_82 : i32
      %add3A_112 = arith.constant 1 : i32
      %add3A_113 = arith.addi %mul3A_111, %add3A_112 : i32
      %dma_wait3A_114 = arith.constant 0 : i32
      %dma_wait3A_115 = tpu.memref_slice %arg2[%dma_wait3A_114] : memref<320000xi32, #tpu.memory_space<hbm>> -> memref<80xi32, #tpu.memory_space<hbm>>
      %dma_wait3A_116 = arith.constant 0 : i32
      %dma_wait3A_117 = tpu.memref_slice %arg2[%dma_wait3A_116] : memref<320000xi32, #tpu.memory_space<hbm>> -> memref<80xi32, #tpu.memory_space<hbm>>
      tpu.wait_dma2 semaphore(%arg17 : memref<!tpu.dma_semaphore, #tpu.memory_space<semaphore_mem>>) src(%dma_wait3A_117 : memref<80xi32, #tpu.memory_space<hbm>>) dst(%arg7 : memref<80xi32, #tpu.memory_space<vmem>>)
      %dma_wait3A_118 = arith.constant 0 : i32
      %dma_wait3A_119 = tpu.memref_slice %arg3[%dma_wait3A_118] : memref<320000xi32, #tpu.memory_space<hbm>> -> memref<80xi32, #tpu.memory_space<hbm>>
      %dma_wait3A_120 = arith.constant 0 : i32
      %dma_wait3A_121 = tpu.memref_slice %arg3[%dma_wait3A_120] : memref<320000xi32, #tpu.memory_space<hbm>> -> memref<80xi32, #tpu.memory_space<hbm>>
      tpu.wait_dma2 semaphore(%arg19 : memref<!tpu.dma_semaphore, #tpu.memory_space<semaphore_mem>>) src(%dma_wait3A_121 : memref<80xi32, #tpu.memory_space<hbm>>) dst(%arg9 : memref<80xi32, #tpu.memory_space<vmem>>)
      %gt3A_122 = arith.constant 1 : i32
      %gt3A_123 = arith.cmpi sgt, %add3A_113, %gt3A_122 : i32
      %convert_element_type3A_124 = arith.extui %gt3A_123 : i1 to i32
      %cond3A_125 = arith.constant 0 : i32
      %cond3A_126 = arith.cmpi ne, %convert_element_type3A_124, %cond3A_125 : i32
      scf.if %cond3A_126 {
        %dma_wait3A_143 = arith.constant 0 : i32
        %dma_wait3A_144 = arith.constant 0 : i32
        %dma_wait3A_145 = tpu.memref_slice %arg15[%dma_wait3A_143, %dma_wait3A_144] : memref<10000x128xf32, #tpu.memory_space<vmem_shared>> -> memref<10000x128xf32, #tpu.memory_space<vmem_shared>>
        tpu.wait_indirect_dma semaphore(%arg23 : memref<!tpu.dma_semaphore, #tpu.memory_space<semaphore_mem>>) src(%arg13 : memref<80x128xf32, #tpu.memory_space<vmem>>) dst(%dma_wait3A_145 : memref<10000x128xf32, #tpu.memory_space<vmem_shared>>)
      } else {
      }
      %dma_start3A_127 = arith.constant 0 : i32
      %dma_start3A_128 = arith.constant 0 : i32
      %dma_start3A_129 = tpu.memref_slice %arg4[%dma_start3A_127, %dma_start3A_128] : memref<10000x128xf32, #tpu.memory_space<hbm>> -> memref<10000x128xf32, #tpu.memory_space<hbm>>
      tpu.enqueue_indirect_dma source(%dma_start3A_129 : memref<10000x128xf32, #tpu.memory_space<hbm>>) target(%arg13 : memref<80x128xf32, #tpu.memory_space<vmem>>) offsets(%arg7 : memref<80xi32, #tpu.memory_space<vmem>>) semaphore(%arg21 : memref<!tpu.dma_semaphore, #tpu.memory_space<semaphore_mem>>)
      %gt3A_130 = arith.constant 0 : i32
      %gt3A_131 = arith.cmpi sgt, %add3A_113, %gt3A_130 : i32
      %convert_element_type3A_132 = arith.extui %gt3A_131 : i1 to i32
      %cond3A_133 = arith.constant 0 : i32
      %cond3A_134 = arith.cmpi ne, %convert_element_type3A_132, %cond3A_133 : i32
      scf.if %cond3A_134 {
        %dma_wait3A_143 = arith.constant 0 : i32
        %dma_wait3A_144 = arith.constant 0 : i32
        %dma_wait3A_145 = tpu.memref_slice %arg4[%dma_wait3A_143, %dma_wait3A_144] : memref<10000x128xf32, #tpu.memory_space<hbm>> -> memref<10000x128xf32, #tpu.memory_space<hbm>>
        tpu.wait_indirect_dma semaphore(%arg20 : memref<!tpu.dma_semaphore, #tpu.memory_space<semaphore_mem>>) src(%dma_wait3A_145 : memref<10000x128xf32, #tpu.memory_space<hbm>>) dst(%arg12 : memref<80x128xf32, #tpu.memory_space<vmem>>)
        %scan3A_146 = arith.constant 0 : i32
        %scan3A_147 = arith.constant 0 : i32
        %scan3A_148 = arith.constant 5 : i32
        %scan3A_149 = arith.addi %scan3A_147, %scan3A_148 : i32
        %scan3A_150 = arith.constant 1 : i32
        %scan3A_151 = scf.for %scan3A_156 = %scan3A_147 to %scan3A_149 step %scan3A_150 iter_args(%scan3A_157 = %scan3A_146) -> (i32)  : i32 {
          %mul3A_158 = arith.constant 16 : i32
          %mul3A_159 = arith.muli %scan3A_156, %mul3A_158 : i32
          %get3A = arith.index_cast %mul3A_159 : i32 to index
          %get3A_160 = tpu.vector_load %arg8[%get3A] {strides = array<i32>} : memref<80xi32, #tpu.memory_space<vmem>>, vector<16xi32>,
          %get3A_161 = vector.shape_cast %get3A_160 : vector<16xi32> to vector<16xi32>
          %mul3A_162 = arith.constant 16 : i32
          %mul3A_163 = arith.muli %scan3A_156, %mul3A_162 : i32
          %swap3A = arith.index_cast %mul3A_163 : i32 to index
          %swap3A_164 = tpu.vector_load %arg10[%swap3A] {strides = array<i32>} : memref<80xi32, #tpu.memory_space<vmem>>, vector<16xi32>,
          %swap3A_165 = vector.shape_cast %swap3A_164 : vector<16xi32> to vector<16xi32>
          %swap3A_166 = vector.shape_cast %get3A_161 : vector<16xi32> to vector<16xi32>
          tpu.vector_store %arg10[%swap3A], %swap3A_166 {strides = array<i32>} : memref<80xi32, #tpu.memory_space<vmem>>, vector<16xi32>,
          %scan3A_167 = arith.constant 0 : i32
          scf.yield %scan3A_167 : i32
        }
        %scan3A_152 = arith.constant 5 : i32
        %dma_start3A_153 = arith.constant 0 : i32
        %dma_start3A_154 = arith.constant 0 : i32
        %dma_start3A_155 = tpu.memref_slice %arg15[%dma_start3A_153, %dma_start3A_154] : memref<10000x128xf32, #tpu.memory_space<vmem_shared>> -> memref<10000x128xf32, #tpu.memory_space<vmem_shared>>
        tpu.enqueue_indirect_dma source(%arg12 : memref<80x128xf32, #tpu.memory_space<vmem>>) target(%dma_start3A_155 : memref<10000x128xf32, #tpu.memory_space<vmem_shared>>) offsets(%arg10 : memref<80xi32, #tpu.memory_space<vmem>>) semaphore(%arg22 : memref<!tpu.dma_semaphore, #tpu.memory_space<semaphore_mem>>) {add = true}
      } else {
      }
      %add3A_135 = arith.constant 1 : i32
      %add3A_136 = arith.addi %add3A_113, %add3A_135 : i32
      %lt3A_137 = arith.constant 125 : i32
      %lt3A_138 = arith.cmpi slt, %add3A_136, %lt3A_137 : i32
      %convert_element_type3A_139 = arith.extui %lt3A_138 : i1 to i32
      %cond3A_140 = arith.constant 0 : i32
      %cond3A_141 = arith.cmpi ne, %convert_element_type3A_139, %cond3A_140 : i32
      scf.if %cond3A_141 {
        %add3A_143 = arith.constant 1 : i32
        %add3A_144 = arith.addi %add3A_113, %add3A_143 : i32
        %mul3A_145 = arith.constant 80 : i32
        %mul3A_146 = arith.muli %add3A_144, %mul3A_145 : i32
        %add3A_147 = arith.addi %mul3A_16, %mul3A_146 : i32
        %dma_start3A_148 = tpu.memref_slice %arg2[%add3A_147] : memref<320000xi32, #tpu.memory_space<hbm>> -> memref<80xi32, #tpu.memory_space<hbm>>
        %dma_start3A_149 = tpu.memref_slice %arg2[%add3A_147] : memref<320000xi32, #tpu.memory_space<hbm>> -> memref<80xi32, #tpu.memory_space<hbm>>
        tpu.enqueue_dma source(%dma_start3A_149 : memref<80xi32, #tpu.memory_space<hbm>>) target(%arg6 : memref<80xi32, #tpu.memory_space<vmem>>) target_semaphore(%arg16 : memref<!tpu.dma_semaphore, #tpu.memory_space<semaphore_mem>>)
        %dma_start3A_150 = tpu.memref_slice %arg3[%add3A_147] : memref<320000xi32, #tpu.memory_space<hbm>> -> memref<80xi32, #tpu.memory_space<hbm>>
        %dma_start3A_151 = tpu.memref_slice %arg3[%add3A_147] : memref<320000xi32, #tpu.memory_space<hbm>> -> memref<80xi32, #tpu.memory_space<hbm>>
        tpu.enqueue_dma source(%dma_start3A_151 : memref<80xi32, #tpu.memory_space<hbm>>) target(%arg8 : memref<80xi32, #tpu.memory_space<vmem>>) target_semaphore(%arg18 : memref<!tpu.dma_semaphore, #tpu.memory_space<semaphore_mem>>)
      } else {
      }
      %scan3A_142 = arith.constant 0 : i32
      scf.yield %scan3A_142 : i32
    }
    %scan3A_28 = arith.constant 62 : i32
    %dma_wait3A = arith.constant 0 : i32
    %dma_wait3A_29 = tpu.memref_slice %arg2[%dma_wait3A] : memref<320000xi32, #tpu.memory_space<hbm>> -> memref<80xi32, #tpu.memory_space<hbm>>
    %dma_wait3A_30 = arith.constant 0 : i32
    %dma_wait3A_31 = tpu.memref_slice %arg2[%dma_wait3A_30] : memref<320000xi32, #tpu.memory_space<hbm>> -> memref<80xi32, #tpu.memory_space<hbm>>
    tpu.wait_dma2 semaphore(%arg16 : memref<!tpu.dma_semaphore, #tpu.memory_space<semaphore_mem>>) src(%dma_wait3A_31 : memref<80xi32, #tpu.memory_space<hbm>>) dst(%arg6 : memref<80xi32, #tpu.memory_space<vmem>>)
    %dma_wait3A_32 = arith.constant 0 : i32
    %dma_wait3A_33 = tpu.memref_slice %arg3[%dma_wait3A_32] : memref<320000xi32, #tpu.memory_space<hbm>> -> memref<80xi32, #tpu.memory_space<hbm>>
    %dma_wait3A_34 = arith.constant 0 : i32
    %dma_wait3A_35 = tpu.memref_slice %arg3[%dma_wait3A_34] : memref<320000xi32, #tpu.memory_space<hbm>> -> memref<80xi32, #tpu.memory_space<hbm>>
    tpu.wait_dma2 semaphore(%arg18 : memref<!tpu.dma_semaphore, #tpu.memory_space<semaphore_mem>>) src(%dma_wait3A_35 : memref<80xi32, #tpu.memory_space<hbm>>) dst(%arg8 : memref<80xi32, #tpu.memory_space<vmem>>)
    %dma_wait3A_36 = arith.constant 0 : i32
    %dma_wait3A_37 = arith.constant 0 : i32
    %dma_wait3A_38 = tpu.memref_slice %arg15[%dma_wait3A_36, %dma_wait3A_37] : memref<10000x128xf32, #tpu.memory_space<vmem_shared>> -> memref<10000x128xf32, #tpu.memory_space<vmem_shared>>
    tpu.wait_indirect_dma semaphore(%arg22 : memref<!tpu.dma_semaphore, #tpu.memory_space<semaphore_mem>>) src(%arg12 : memref<80x128xf32, #tpu.memory_space<vmem>>) dst(%dma_wait3A_38 : memref<10000x128xf32, #tpu.memory_space<vmem_shared>>)
    %dma_start3A_39 = arith.constant 0 : i32
    %dma_start3A_40 = arith.constant 0 : i32
    %dma_start3A_41 = tpu.memref_slice %arg4[%dma_start3A_39, %dma_start3A_40] : memref<10000x128xf32, #tpu.memory_space<hbm>> -> memref<10000x128xf32, #tpu.memory_space<hbm>>
    tpu.enqueue_indirect_dma source(%dma_start3A_41 : memref<10000x128xf32, #tpu.memory_space<hbm>>) target(%arg12 : memref<80x128xf32, #tpu.memory_space<vmem>>) offsets(%arg6 : memref<80xi32, #tpu.memory_space<vmem>>) semaphore(%arg20 : memref<!tpu.dma_semaphore, #tpu.memory_space<semaphore_mem>>)
    %dma_wait3A_42 = arith.constant 0 : i32
    %dma_wait3A_43 = arith.constant 0 : i32
    %dma_wait3A_44 = tpu.memref_slice %arg4[%dma_wait3A_42, %dma_wait3A_43] : memref<10000x128xf32, #tpu.memory_space<hbm>> -> memref<10000x128xf32, #tpu.memory_space<hbm>>
    tpu.wait_indirect_dma semaphore(%arg21 : memref<!tpu.dma_semaphore, #tpu.memory_space<semaphore_mem>>) src(%dma_wait3A_44 : memref<10000x128xf32, #tpu.memory_space<hbm>>) dst(%arg13 : memref<80x128xf32, #tpu.memory_space<vmem>>)
    %scan3A_45 = arith.constant 0 : i32
    %scan3A_46 = arith.constant 0 : i32
    %scan3A_47 = arith.constant 5 : i32
    %scan3A_48 = arith.addi %scan3A_46, %scan3A_47 : i32
    %scan3A_49 = arith.constant 1 : i32
    %scan3A_50 = scf.for %scan3A_82 = %scan3A_46 to %scan3A_48 step %scan3A_49 iter_args(%scan3A_83 = %scan3A_45) -> (i32)  : i32 {
      %mul3A_84 = arith.constant 16 : i32
      %mul3A_85 = arith.muli %scan3A_82, %mul3A_84 : i32
      %get3A = arith.index_cast %mul3A_85 : i32 to index
      %get3A_86 = tpu.vector_load %arg9[%get3A] {strides = array<i32>} : memref<80xi32, #tpu.memory_space<vmem>>, vector<16xi32>,
      %get3A_87 = vector.shape_cast %get3A_86 : vector<16xi32> to vector<16xi32>
      %mul3A_88 = arith.constant 16 : i32
      %mul3A_89 = arith.muli %scan3A_82, %mul3A_88 : i32
      %swap3A = arith.index_cast %mul3A_89 : i32 to index
      %swap3A_90 = tpu.vector_load %arg11[%swap3A] {strides = array<i32>} : memref<80xi32, #tpu.memory_space<vmem>>, vector<16xi32>,
      %swap3A_91 = vector.shape_cast %swap3A_90 : vector<16xi32> to vector<16xi32>
      %swap3A_92 = vector.shape_cast %get3A_87 : vector<16xi32> to vector<16xi32>
      tpu.vector_store %arg11[%swap3A], %swap3A_92 {strides = array<i32>} : memref<80xi32, #tpu.memory_space<vmem>>, vector<16xi32>,
      %scan3A_93 = arith.constant 0 : i32
      scf.yield %scan3A_93 : i32
    }
    %scan3A_51 = arith.constant 5 : i32
    %dma_start3A_52 = arith.constant 0 : i32
    %dma_start3A_53 = arith.constant 0 : i32
    %dma_start3A_54 = tpu.memref_slice %arg15[%dma_start3A_52, %dma_start3A_53] : memref<10000x128xf32, #tpu.memory_space<vmem_shared>> -> memref<10000x128xf32, #tpu.memory_space<vmem_shared>>
    tpu.enqueue_indirect_dma source(%arg13 : memref<80x128xf32, #tpu.memory_space<vmem>>) target(%dma_start3A_54 : memref<10000x128xf32, #tpu.memory_space<vmem_shared>>) offsets(%arg11 : memref<80xi32, #tpu.memory_space<vmem>>) semaphore(%arg23 : memref<!tpu.dma_semaphore, #tpu.memory_space<semaphore_mem>>) {add = true}
    %dma_wait3A_55 = arith.constant 0 : i32
    %dma_wait3A_56 = arith.constant 0 : i32
    %dma_wait3A_57 = tpu.memref_slice %arg4[%dma_wait3A_55, %dma_wait3A_56] : memref<10000x128xf32, #tpu.memory_space<hbm>> -> memref<10000x128xf32, #tpu.memory_space<hbm>>
    tpu.wait_indirect_dma semaphore(%arg20 : memref<!tpu.dma_semaphore, #tpu.memory_space<semaphore_mem>>) src(%dma_wait3A_57 : memref<10000x128xf32, #tpu.memory_space<hbm>>) dst(%arg12 : memref<80x128xf32, #tpu.memory_space<vmem>>)
    %scan3A_58 = arith.constant 0 : i32
    %scan3A_59 = arith.constant 0 : i32
    %scan3A_60 = arith.constant 5 : i32
    %scan3A_61 = arith.addi %scan3A_59, %scan3A_60 : i32
    %scan3A_62 = arith.constant 1 : i32
    %scan3A_63 = scf.for %scan3A_82 = %scan3A_59 to %scan3A_61 step %scan3A_62 iter_args(%scan3A_83 = %scan3A_58) -> (i32)  : i32 {
      %mul3A_84 = arith.constant 16 : i32
      %mul3A_85 = arith.muli %scan3A_82, %mul3A_84 : i32
      %get3A = arith.index_cast %mul3A_85 : i32 to index
      %get3A_86 = tpu.vector_load %arg8[%get3A] {strides = array<i32>} : memref<80xi32, #tpu.memory_space<vmem>>, vector<16xi32>,
      %get3A_87 = vector.shape_cast %get3A_86 : vector<16xi32> to vector<16xi32>
      %mul3A_88 = arith.constant 16 : i32
      %mul3A_89 = arith.muli %scan3A_82, %mul3A_88 : i32
      %swap3A = arith.index_cast %mul3A_89 : i32 to index
      %swap3A_90 = tpu.vector_load %arg10[%swap3A] {strides = array<i32>} : memref<80xi32, #tpu.memory_space<vmem>>, vector<16xi32>,
      %swap3A_91 = vector.shape_cast %swap3A_90 : vector<16xi32> to vector<16xi32>
      %swap3A_92 = vector.shape_cast %get3A_87 : vector<16xi32> to vector<16xi32>
      tpu.vector_store %arg10[%swap3A], %swap3A_92 {strides = array<i32>} : memref<80xi32, #tpu.memory_space<vmem>>, vector<16xi32>,
      %scan3A_93 = arith.constant 0 : i32
      scf.yield %scan3A_93 : i32
    }
    %scan3A_64 = arith.constant 5 : i32
    %dma_start3A_65 = arith.constant 0 : i32
    %dma_start3A_66 = arith.constant 0 : i32
    %dma_start3A_67 = tpu.memref_slice %arg15[%dma_start3A_65, %dma_start3A_66] : memref<10000x128xf32, #tpu.memory_space<vmem_shared>> -> memref<10000x128xf32, #tpu.memory_space<vmem_shared>>
    tpu.enqueue_indirect_dma source(%arg12 : memref<80x128xf32, #tpu.memory_space<vmem>>) target(%dma_start3A_67 : memref<10000x128xf32, #tpu.memory_space<vmem_shared>>) offsets(%arg10 : memref<80xi32, #tpu.memory_space<vmem>>) semaphore(%arg22 : memref<!tpu.dma_semaphore, #tpu.memory_space<semaphore_mem>>) {add = true}
    %dma_wait3A_68 = arith.constant 0 : i32
    %dma_wait3A_69 = arith.constant 0 : i32
    %dma_wait3A_70 = tpu.memref_slice %arg15[%dma_wait3A_68, %dma_wait3A_69] : memref<10000x128xf32, #tpu.memory_space<vmem_shared>> -> memref<10000x128xf32, #tpu.memory_space<vmem_shared>>
    tpu.wait_indirect_dma semaphore(%arg23 : memref<!tpu.dma_semaphore, #tpu.memory_space<semaphore_mem>>) src(%arg13 : memref<80x128xf32, #tpu.memory_space<vmem>>) dst(%dma_wait3A_70 : memref<10000x128xf32, #tpu.memory_space<vmem_shared>>)
    %dma_wait3A_71 = arith.constant 0 : i32
    %dma_wait3A_72 = arith.constant 0 : i32
    %dma_wait3A_73 = tpu.memref_slice %arg15[%dma_wait3A_71, %dma_wait3A_72] : memref<10000x128xf32, #tpu.memory_space<vmem_shared>> -> memref<10000x128xf32, #tpu.memory_space<vmem_shared>>
    tpu.wait_indirect_dma semaphore(%arg22 : memref<!tpu.dma_semaphore, #tpu.memory_space<semaphore_mem>>) src(%arg12 : memref<80x128xf32, #tpu.memory_space<vmem>>) dst(%dma_wait3A_73 : memref<10000x128xf32, #tpu.memory_space<vmem_shared>>)
    %barrier3A_74 = arith.constant 0 : index
    tpu.barrier barrier_id(%barrier3A_74)
    %scan3A_75 = arith.constant 0 : i32
    %scan3A_76 = arith.constant 0 : i32
    %scan3A_77 = arith.constant 8 : i32
    %scan3A_78 = arith.addi %scan3A_76, %scan3A_77 : i32
    %scan3A_79 = arith.constant 1 : i32
    %scan3A_80 = scf.for %scan3A_82 = %scan3A_76 to %scan3A_78 step %scan3A_79 iter_args(%scan3A_83 = %scan3A_75) -> (i32)  : i32 {
      %mul3A_84 = arith.constant 16 : i32
      %mul3A_85 = arith.muli %scan3A_82, %mul3A_84 : i32
      %add3A_86 = arith.addi %mul3A_85, %arg1 : i32
      %lt3A = arith.constant 125 : i32
      %lt3A_87 = arith.cmpi slt, %add3A_86, %lt3A : i32
      %convert_element_type3A = arith.extui %lt3A_87 : i1 to i32
      %cond3A = arith.constant 0 : i32
      %cond3A_88 = arith.cmpi ne, %convert_element_type3A, %cond3A : i32
      scf.if %cond3A_88 {
        %mul3A_90 = arith.constant 80 : i32
        %mul3A_91 = arith.muli %add3A_86, %mul3A_90 : i32
        %mul3A_92 = arith.constant 10000 : i32
        %mul3A_93 = arith.muli %arg0, %mul3A_92 : i32
        %add3A_94 = arith.addi %mul3A_93, %mul3A_91 : i32
        "tpu.region"() ({
          %run_scoped3A = tpu.sem_alloc : memref<!tpu.dma_semaphore, #tpu.memory_space<semaphore_mem>>
          %dma_start3A_95 = arith.constant 0 : i32
          %dma_start3A_96 = tpu.memref_slice %arg5[%add3A_94, %dma_start3A_95] : memref<20000x128xf32, #tpu.memory_space<hbm>> -> memref<80x128xf32, #tpu.memory_space<hbm>>
          %dma_start3A_97 = arith.constant 0 : i32
          %dma_start3A_98 = tpu.memref_slice %arg15[%mul3A_91, %dma_start3A_97] : memref<10000x128xf32, #tpu.memory_space<vmem_shared>> -> memref<80x128xf32, #tpu.memory_space<vmem_shared>>
          tpu.enqueue_dma source(%dma_start3A_98 : memref<80x128xf32, #tpu.memory_space<vmem_shared>>) target(%dma_start3A_96 : memref<80x128xf32, #tpu.memory_space<hbm>>) target_semaphore(%run_scoped3A : memref<!tpu.dma_semaphore, #tpu.memory_space<semaphore_mem>>)
          %dma_wait3A_99 = arith.constant 0 : i32
          %dma_wait3A_100 = tpu.memref_slice %arg5[%add3A_94, %dma_wait3A_99] : memref<20000x128xf32, #tpu.memory_space<hbm>> -> memref<80x128xf32, #tpu.memory_space<hbm>>
          %dma_wait3A_101 = arith.constant 0 : i32
          %dma_wait3A_102 = tpu.memref_slice %arg15[%mul3A_91, %dma_wait3A_101] : memref<10000x128xf32, #tpu.memory_space<vmem_shared>> -> memref<80x128xf32, #tpu.memory_space<vmem_shared>>
          tpu.wait_dma2 semaphore(%run_scoped3A : memref<!tpu.dma_semaphore, #tpu.memory_space<semaphore_mem>>) src(%dma_wait3A_102 : memref<80x128xf32, #tpu.memory_space<vmem_shared>>) dst(%dma_wait3A_100 : memref<80x128xf32, #tpu.memory_space<hbm>>)
          tpu.yield
        }) : () -> ()
      } else {
      }
      %scan3A_89 = arith.constant 0 : i32
      scf.yield %scan3A_89 : i32
    }
    %scan3A_81 = arith.constant 8 : i32
    return
  }
}

#map = affine_map<(d0, d1) -> (0)>
#map1 = affine_map<(d0, d1) -> (0, 0)>
module attributes {stable_mosaic.version = 14 : i64} {
  func.func @kt(%arg0: i32, %arg1: i32, %arg2: memref<320000xi32, #tpu.memory_space<hbm>>, %arg3: memref<320000xi32, #tpu.memory_space<hbm>>, %arg4: memref<5120000xf32, #tpu.memory_space<hbm>>, %arg5: memref<20000x128xf32, #tpu.memory_space<hbm>>, %arg6: memref<80xi32, #tpu.memory_space<vmem>>, %arg7: memref<80xi32, #tpu.memory_space<vmem>>, %arg8: memref<1280xf32, #tpu.memory_space<vmem>>, %arg9: memref<1280xf32, #tpu.memory_space<vmem>>, %arg10: memref<80x128xf32, #tpu.memory_space<vmem>>, %arg11: memref<80x128xf32, #tpu.memory_space<vmem>>, %arg12: memref<80x128xf32, #tpu.memory_space<vmem>>, %arg13: memref<10000x128xf32, #tpu.memory_space<vmem_shared>>, %arg14: memref<!tpu.dma_semaphore, #tpu.memory_space<semaphore_mem>>, %arg15: memref<!tpu.dma_semaphore, #tpu.memory_space<semaphore_mem>>, %arg16: memref<!tpu.dma_semaphore, #tpu.memory_space<semaphore_mem>>, %arg17: memref<!tpu.dma_semaphore, #tpu.memory_space<semaphore_mem>>) attributes {dimension_semantics = [#tpu.dimension_semantics<core_parallel>, #tpu.dimension_semantics<subcore_parallel>], iteration_bounds = array<i64: 2, 16>, scalar_prefetch = 0 : i64, scratch_operands = 12 : i64, tpu.core_type = #tpu.core_type<sc_vector_subcore>, window_params = [{transform_indices = #map}, {transform_indices = #map}, {transform_indices = #map}, {transform_indices = #map1}]} {
    %broadcast_in_dim3A = arith.constant 0.000000e+00 : f32
    %broadcast_in_dim3A_0 = vector.broadcast %broadcast_in_dim3A : f32 to vector<16xf32>
    %broadcast_in_dim3A_1 = arith.constant 1.000000e+00 : f32
    %broadcast_in_dim3A_2 = vector.broadcast %broadcast_in_dim3A_1 : f32 to vector<16xf32>
    %scan3A = arith.constant 0 : i32
    %scan3A_3 = arith.constant 0 : i32
    %scan3A_4 = arith.constant 80 : i32
    %scan3A_5 = arith.addi %scan3A_3, %scan3A_4 : i32
    %scan3A_6 = arith.constant 1 : i32
    %scan3A_7 = scf.for %scan3A_55 = %scan3A_3 to %scan3A_5 step %scan3A_6 iter_args(%scan3A_56 = %scan3A) -> (i32)  : i32 {
      %scan3A_57 = arith.constant 0 : i32
      %scan3A_58 = arith.constant 0 : i32
      %scan3A_59 = arith.constant 8 : i32
      %scan3A_60 = arith.addi %scan3A_58, %scan3A_59 : i32
      %scan3A_61 = arith.constant 1 : i32
      %scan3A_62 = scf.for %scan3A_65 = %scan3A_58 to %scan3A_60 step %scan3A_61 iter_args(%scan3A_66 = %scan3A_57) -> (i32)  : i32 {
        %mul3A_67 = arith.constant 16 : i32
        %mul3A_68 = arith.muli %scan3A_65, %mul3A_67 : i32
        %swap3A = arith.index_cast %scan3A_55 : i32 to index
        %swap3A_69 = arith.index_cast %mul3A_68 : i32 to index
        %swap3A_70 = tpu.vector_load %arg12[%swap3A, %swap3A_69] {strides = array<i32>} : memref<80x128xf32, #tpu.memory_space<vmem>>, vector<1x16xf32>,
        %swap3A_71 = vector.shape_cast %swap3A_70 : vector<1x16xf32> to vector<16xf32>
        %swap3A_72 = vector.shape_cast %broadcast_in_dim3A_0 : vector<16xf32> to vector<1x16xf32>
        tpu.vector_store %arg12[%swap3A, %swap3A_69], %swap3A_72 {strides = array<i32>} : memref<80x128xf32, #tpu.memory_space<vmem>>, vector<1x16xf32>,
        %scan3A_73 = arith.constant 0 : i32
        scf.yield %scan3A_73 : i32
      }
      %scan3A_63 = arith.constant 8 : i32
      %scan3A_64 = arith.constant 0 : i32
      scf.yield %scan3A_64 : i32
    }
    %scan3A_8 = arith.constant 80 : i32
    %scan3A_9 = arith.constant 0 : i32
    %scan3A_10 = arith.constant 0 : i32
    %scan3A_11 = arith.constant 80 : i32
    %scan3A_12 = arith.addi %scan3A_10, %scan3A_11 : i32
    %scan3A_13 = arith.constant 1 : i32
    %scan3A_14 = scf.for %scan3A_55 = %scan3A_10 to %scan3A_12 step %scan3A_13 iter_args(%scan3A_56 = %scan3A_9) -> (i32)  : i32 {
      %scan3A_57 = arith.constant 0 : i32
      %scan3A_58 = arith.constant 0 : i32
      %scan3A_59 = arith.constant 8 : i32
      %scan3A_60 = arith.addi %scan3A_58, %scan3A_59 : i32
      %scan3A_61 = arith.constant 1 : i32
      %scan3A_62 = scf.for %scan3A_69 = %scan3A_58 to %scan3A_60 step %scan3A_61 iter_args(%scan3A_70 = %scan3A_57) -> (i32)  : i32 {
        %mul3A_71 = arith.constant 16 : i32
        %mul3A_72 = arith.muli %scan3A_69, %mul3A_71 : i32
        %swap3A_73 = arith.index_cast %scan3A_55 : i32 to index
        %swap3A_74 = arith.index_cast %mul3A_72 : i32 to index
        %swap3A_75 = tpu.vector_load %arg10[%swap3A_73, %swap3A_74] {strides = array<i32>} : memref<80x128xf32, #tpu.memory_space<vmem>>, vector<1x16xf32>,
        %swap3A_76 = vector.shape_cast %swap3A_75 : vector<1x16xf32> to vector<16xf32>
        %swap3A_77 = vector.shape_cast %broadcast_in_dim3A_0 : vector<16xf32> to vector<1x16xf32>
        tpu.vector_store %arg10[%swap3A_73, %swap3A_74], %swap3A_77 {strides = array<i32>} : memref<80x128xf32, #tpu.memory_space<vmem>>, vector<1x16xf32>,
        %scan3A_78 = arith.constant 0 : i32
        scf.yield %scan3A_78 : i32
      }
      %scan3A_63 = arith.constant 8 : i32
      %swap3A = arith.index_cast %scan3A_55 : i32 to index
      %swap3A_64 = arith.constant 16 : index
      %swap3A_65 = tpu.vector_load %arg10[%swap3A, %swap3A_64] {strides = array<i32>} : memref<80x128xf32, #tpu.memory_space<vmem>>, vector<1x16xf32>,
      %swap3A_66 = vector.shape_cast %swap3A_65 : vector<1x16xf32> to vector<16xf32>
      %swap3A_67 = vector.shape_cast %broadcast_in_dim3A_2 : vector<16xf32> to vector<1x16xf32>
      tpu.vector_store %arg10[%swap3A, %swap3A_64], %swap3A_67 {strides = array<i32>} : memref<80x128xf32, #tpu.memory_space<vmem>>, vector<1x16xf32>,
      %scan3A_68 = arith.constant 0 : i32
      scf.yield %scan3A_68 : i32
    }
    %scan3A_15 = arith.constant 80 : i32
    %scan3A_16 = arith.constant 0 : i32
    %scan3A_17 = arith.constant 0 : i32
    %scan3A_18 = arith.constant 80 : i32
    %scan3A_19 = arith.addi %scan3A_17, %scan3A_18 : i32
    %scan3A_20 = arith.constant 1 : i32
    %scan3A_21 = scf.for %scan3A_55 = %scan3A_17 to %scan3A_19 step %scan3A_20 iter_args(%scan3A_56 = %scan3A_16) -> (i32)  : i32 {
      %scan3A_57 = arith.constant 0 : i32
      %scan3A_58 = arith.constant 0 : i32
      %scan3A_59 = arith.constant 8 : i32
      %scan3A_60 = arith.addi %scan3A_58, %scan3A_59 : i32
      %scan3A_61 = arith.constant 1 : i32
      %scan3A_62 = scf.for %scan3A_69 = %scan3A_58 to %scan3A_60 step %scan3A_61 iter_args(%scan3A_70 = %scan3A_57) -> (i32)  : i32 {
        %mul3A_71 = arith.constant 16 : i32
        %mul3A_72 = arith.muli %scan3A_69, %mul3A_71 : i32
        %swap3A_73 = arith.index_cast %scan3A_55 : i32 to index
        %swap3A_74 = arith.index_cast %mul3A_72 : i32 to index
        %swap3A_75 = tpu.vector_load %arg11[%swap3A_73, %swap3A_74] {strides = array<i32>} : memref<80x128xf32, #tpu.memory_space<vmem>>, vector<1x16xf32>,
        %swap3A_76 = vector.shape_cast %swap3A_75 : vector<1x16xf32> to vector<16xf32>
        %swap3A_77 = vector.shape_cast %broadcast_in_dim3A_0 : vector<16xf32> to vector<1x16xf32>
        tpu.vector_store %arg11[%swap3A_73, %swap3A_74], %swap3A_77 {strides = array<i32>} : memref<80x128xf32, #tpu.memory_space<vmem>>, vector<1x16xf32>,
        %scan3A_78 = arith.constant 0 : i32
        scf.yield %scan3A_78 : i32
      }
      %scan3A_63 = arith.constant 8 : i32
      %swap3A = arith.index_cast %scan3A_55 : i32 to index
      %swap3A_64 = arith.constant 16 : index
      %swap3A_65 = tpu.vector_load %arg11[%swap3A, %swap3A_64] {strides = array<i32>} : memref<80x128xf32, #tpu.memory_space<vmem>>, vector<1x16xf32>,
      %swap3A_66 = vector.shape_cast %swap3A_65 : vector<1x16xf32> to vector<16xf32>
      %swap3A_67 = vector.shape_cast %broadcast_in_dim3A_2 : vector<16xf32> to vector<1x16xf32>
      tpu.vector_store %arg11[%swap3A, %swap3A_64], %swap3A_67 {strides = array<i32>} : memref<80x128xf32, #tpu.memory_space<vmem>>, vector<1x16xf32>,
      %scan3A_68 = arith.constant 0 : i32
      scf.yield %scan3A_68 : i32
    }
    %scan3A_22 = arith.constant 80 : i32
    %scan3A_23 = arith.constant 0 : i32
    %scan3A_24 = arith.constant 0 : i32
    %scan3A_25 = arith.constant 8 : i32
    %scan3A_26 = arith.addi %scan3A_24, %scan3A_25 : i32
    %scan3A_27 = arith.constant 1 : i32
    %scan3A_28 = scf.for %scan3A_55 = %scan3A_24 to %scan3A_26 step %scan3A_27 iter_args(%scan3A_56 = %scan3A_23) -> (i32)  : i32 {
      %mul3A_57 = arith.constant 16 : i32
      %mul3A_58 = arith.muli %scan3A_55, %mul3A_57 : i32
      %add3A_59 = arith.addi %mul3A_58, %arg1 : i32
      %lt3A = arith.constant 125 : i32
      %lt3A_60 = arith.cmpi slt, %add3A_59, %lt3A : i32
      %convert_element_type3A = arith.extui %lt3A_60 : i1 to i32
      %cond3A = arith.constant 0 : i32
      %cond3A_61 = arith.cmpi ne, %convert_element_type3A, %cond3A : i32
      scf.if %cond3A_61 {
        %mul3A_63 = arith.constant 80 : i32
        %mul3A_64 = arith.muli %add3A_59, %mul3A_63 : i32
        "tpu.region"() ({
          %run_scoped3A = tpu.sem_alloc : memref<!tpu.dma_semaphore, #tpu.memory_space<semaphore_mem>>
          %dma_start3A_65 = arith.constant 0 : i32
          %dma_start3A_66 = arith.constant 0 : i32
          %dma_start3A_67 = tpu.memref_slice %arg12[%dma_start3A_65, %dma_start3A_66] : memref<80x128xf32, #tpu.memory_space<vmem>> -> memref<80x128xf32, #tpu.memory_space<vmem>>
          %dma_start3A_68 = arith.constant 0 : i32
          %dma_start3A_69 = tpu.memref_slice %arg13[%mul3A_64, %dma_start3A_68] : memref<10000x128xf32, #tpu.memory_space<vmem_shared>> -> memref<80x128xf32, #tpu.memory_space<vmem_shared>>
          %dma_start3A_70 = arith.constant 0 : i32
          %dma_start3A_71 = tpu.memref_slice %arg13[%mul3A_64, %dma_start3A_70] : memref<10000x128xf32, #tpu.memory_space<vmem_shared>> -> memref<80x128xf32, #tpu.memory_space<vmem_shared>>
          %dma_start3A_72 = arith.constant 0 : i32
          %dma_start3A_73 = arith.constant 0 : i32
          %dma_start3A_74 = tpu.memref_slice %arg12[%dma_start3A_72, %dma_start3A_73] : memref<80x128xf32, #tpu.memory_space<vmem>> -> memref<80x128xf32, #tpu.memory_space<vmem>>
          tpu.enqueue_dma source(%dma_start3A_74 : memref<80x128xf32, #tpu.memory_space<vmem>>) target(%dma_start3A_71 : memref<80x128xf32, #tpu.memory_space<vmem_shared>>) target_semaphore(%run_scoped3A : memref<!tpu.dma_semaphore, #tpu.memory_space<semaphore_mem>>)
          %dma_wait3A_75 = arith.constant 0 : i32
          %dma_wait3A_76 = arith.constant 0 : i32
          %dma_wait3A_77 = tpu.memref_slice %arg12[%dma_wait3A_75, %dma_wait3A_76] : memref<80x128xf32, #tpu.memory_space<vmem>> -> memref<80x128xf32, #tpu.memory_space<vmem>>
          %dma_wait3A_78 = arith.constant 0 : i32
          %dma_wait3A_79 = tpu.memref_slice %arg13[%mul3A_64, %dma_wait3A_78] : memref<10000x128xf32, #tpu.memory_space<vmem_shared>> -> memref<80x128xf32, #tpu.memory_space<vmem_shared>>
          %dma_wait3A_80 = arith.constant 0 : i32
          %dma_wait3A_81 = tpu.memref_slice %arg13[%mul3A_64, %dma_wait3A_80] : memref<10000x128xf32, #tpu.memory_space<vmem_shared>> -> memref<80x128xf32, #tpu.memory_space<vmem_shared>>
          %dma_wait3A_82 = arith.constant 0 : i32
          %dma_wait3A_83 = arith.constant 0 : i32
          %dma_wait3A_84 = tpu.memref_slice %arg12[%dma_wait3A_82, %dma_wait3A_83] : memref<80x128xf32, #tpu.memory_space<vmem>> -> memref<80x128xf32, #tpu.memory_space<vmem>>
          tpu.wait_dma2 semaphore(%run_scoped3A : memref<!tpu.dma_semaphore, #tpu.memory_space<semaphore_mem>>) src(%dma_wait3A_84 : memref<80x128xf32, #tpu.memory_space<vmem>>) dst(%dma_wait3A_81 : memref<80x128xf32, #tpu.memory_space<vmem_shared>>)
          tpu.yield
        }) : () -> ()
      } else {
      }
      %scan3A_62 = arith.constant 0 : i32
      scf.yield %scan3A_62 : i32
    }
    %scan3A_29 = arith.constant 8 : i32
    %barrier3A = arith.constant 0 : index
    tpu.barrier barrier_id(%barrier3A)
    %mul3A = arith.constant 20000 : i32
    %mul3A_30 = arith.muli %arg1, %mul3A : i32
    %add3A = arith.constant 0 : i32
    %add3A_31 = arith.addi %mul3A_30, %add3A : i32
    %mul3A_32 = arith.constant 16 : i32
    %mul3A_33 = arith.muli %add3A_31, %mul3A_32 : i32
    %dma_start3A = tpu.memref_slice %arg4[%mul3A_33] : memref<5120000xf32, #tpu.memory_space<hbm>> -> memref<1280xf32, #tpu.memory_space<hbm>>
    %dma_start3A_34 = tpu.memref_slice %arg4[%mul3A_33] : memref<5120000xf32, #tpu.memory_space<hbm>> -> memref<1280xf32, #tpu.memory_space<hbm>>
    tpu.enqueue_dma source(%dma_start3A_34 : memref<1280xf32, #tpu.memory_space<hbm>>) target(%arg8 : memref<1280xf32, #tpu.memory_space<vmem>>) target_semaphore(%arg14 : memref<!tpu.dma_semaphore, #tpu.memory_space<semaphore_mem>>)
    %scan3A_35 = arith.constant 0 : i32
    %scan3A_36 = arith.constant 0 : i32
    %scan3A_37 = arith.constant 125 : i32
    %scan3A_38 = arith.addi %scan3A_36, %scan3A_37 : i32
    %scan3A_39 = arith.constant 1 : i32
    %scan3A_40 = scf.for %scan3A_55 = %scan3A_36 to %scan3A_38 step %scan3A_39 iter_args(%scan3A_56 = %scan3A_35) -> (i32)  : i32 {
      %mul3A_57 = arith.constant 2 : i32
      %mul3A_58 = arith.muli %mul3A_57, %scan3A_55 : i32
      %gt3A = arith.constant 1 : i32
      %gt3A_59 = arith.cmpi sgt, %mul3A_58, %gt3A : i32
      %convert_element_type3A = arith.extui %gt3A_59 : i1 to i32
      %cond3A = arith.constant 0 : i32
      %cond3A_60 = arith.cmpi ne, %convert_element_type3A, %cond3A : i32
      scf.if %cond3A_60 {
        %dma_wait3A_131 = arith.constant 0 : i32
        %dma_wait3A_132 = arith.constant 0 : i32
        %dma_wait3A_133 = tpu.memref_slice %arg13[%dma_wait3A_131, %dma_wait3A_132] : memref<10000x128xf32, #tpu.memory_space<vmem_shared>> -> memref<10000x128xf32, #tpu.memory_space<vmem_shared>>
        tpu.wait_indirect_dma semaphore(%arg16 : memref<!tpu.dma_semaphore, #tpu.memory_space<semaphore_mem>>) src(%arg10 : memref<80x128xf32, #tpu.memory_space<vmem>>) dst(%dma_wait3A_133 : memref<10000x128xf32, #tpu.memory_space<vmem_shared>>)
      } else {
      }
      %eq3A = arith.constant 0 : i32
      %eq3A_61 = arith.cmpi eq, %arg0, %eq3A : i32
      %convert_element_type3A_62 = arith.extui %eq3A_61 : i1 to i32
      %cond3A_63 = arith.constant 0 : i32
      %cond3A_64 = arith.cmpi ne, %convert_element_type3A_62, %cond3A_63 : i32
      scf.if %cond3A_64 {
        %mul3A_131 = arith.constant 80 : i32
        %mul3A_132 = arith.muli %mul3A_58, %mul3A_131 : i32
        %add3A_133 = arith.addi %mul3A_30, %mul3A_132 : i32
        "tpu.region"() ({
          %run_scoped3A = tpu.sem_alloc : memref<!tpu.dma_semaphore, #tpu.memory_space<semaphore_mem>>
          %dma_start3A_134 = tpu.memref_slice %arg2[%add3A_133] : memref<320000xi32, #tpu.memory_space<hbm>> -> memref<80xi32, #tpu.memory_space<hbm>>
          %dma_start3A_135 = tpu.memref_slice %arg2[%add3A_133] : memref<320000xi32, #tpu.memory_space<hbm>> -> memref<80xi32, #tpu.memory_space<hbm>>
          tpu.enqueue_dma source(%dma_start3A_135 : memref<80xi32, #tpu.memory_space<hbm>>) target(%arg6 : memref<80xi32, #tpu.memory_space<vmem>>) target_semaphore(%run_scoped3A : memref<!tpu.dma_semaphore, #tpu.memory_space<semaphore_mem>>)
          %dma_wait3A_136 = tpu.memref_slice %arg2[%add3A_133] : memref<320000xi32, #tpu.memory_space<hbm>> -> memref<80xi32, #tpu.memory_space<hbm>>
          %dma_wait3A_137 = tpu.memref_slice %arg2[%add3A_133] : memref<320000xi32, #tpu.memory_space<hbm>> -> memref<80xi32, #tpu.memory_space<hbm>>
          tpu.wait_dma2 semaphore(%run_scoped3A : memref<!tpu.dma_semaphore, #tpu.memory_space<semaphore_mem>>) src(%dma_wait3A_137 : memref<80xi32, #tpu.memory_space<hbm>>) dst(%arg6 : memref<80xi32, #tpu.memory_space<vmem>>)
          tpu.yield
        }) : () -> ()
      } else {
      }
      %eq3A_65 = arith.constant 1 : i32
      %eq3A_66 = arith.cmpi eq, %arg0, %eq3A_65 : i32
      %convert_element_type3A_67 = arith.extui %eq3A_66 : i1 to i32
      %cond3A_68 = arith.constant 0 : i32
      %cond3A_69 = arith.cmpi ne, %convert_element_type3A_67, %cond3A_68 : i32
      scf.if %cond3A_69 {
        %mul3A_131 = arith.constant 80 : i32
        %mul3A_132 = arith.muli %mul3A_58, %mul3A_131 : i32
        %add3A_133 = arith.addi %mul3A_30, %mul3A_132 : i32
        "tpu.region"() ({
          %run_scoped3A = tpu.sem_alloc : memref<!tpu.dma_semaphore, #tpu.memory_space<semaphore_mem>>
          %dma_start3A_134 = tpu.memref_slice %arg3[%add3A_133] : memref<320000xi32, #tpu.memory_space<hbm>> -> memref<80xi32, #tpu.memory_space<hbm>>
          %dma_start3A_135 = tpu.memref_slice %arg3[%add3A_133] : memref<320000xi32, #tpu.memory_space<hbm>> -> memref<80xi32, #tpu.memory_space<hbm>>
          tpu.enqueue_dma source(%dma_start3A_135 : memref<80xi32, #tpu.memory_space<hbm>>) target(%arg6 : memref<80xi32, #tpu.memory_space<vmem>>) target_semaphore(%run_scoped3A : memref<!tpu.dma_semaphore, #tpu.memory_space<semaphore_mem>>)
          %dma_wait3A_136 = tpu.memref_slice %arg3[%add3A_133] : memref<320000xi32, #tpu.memory_space<hbm>> -> memref<80xi32, #tpu.memory_space<hbm>>
          %dma_wait3A_137 = tpu.memref_slice %arg3[%add3A_133] : memref<320000xi32, #tpu.memory_space<hbm>> -> memref<80xi32, #tpu.memory_space<hbm>>
          tpu.wait_dma2 semaphore(%run_scoped3A : memref<!tpu.dma_semaphore, #tpu.memory_space<semaphore_mem>>) src(%dma_wait3A_137 : memref<80xi32, #tpu.memory_space<hbm>>) dst(%arg6 : memref<80xi32, #tpu.memory_space<vmem>>)
          tpu.yield
        }) : () -> ()
      } else {
      }
      %dma_wait3A_70 = arith.constant 0 : i32
      %dma_wait3A_71 = tpu.memref_slice %arg4[%dma_wait3A_70] : memref<5120000xf32, #tpu.memory_space<hbm>> -> memref<1280xf32, #tpu.memory_space<hbm>>
      %dma_wait3A_72 = arith.constant 0 : i32
      %dma_wait3A_73 = tpu.memref_slice %arg4[%dma_wait3A_72] : memref<5120000xf32, #tpu.memory_space<hbm>> -> memref<1280xf32, #tpu.memory_space<hbm>>
      tpu.wait_dma2 semaphore(%arg14 : memref<!tpu.dma_semaphore, #tpu.memory_space<semaphore_mem>>) src(%dma_wait3A_73 : memref<1280xf32, #tpu.memory_space<hbm>>) dst(%arg8 : memref<1280xf32, #tpu.memory_space<vmem>>)
      %add3A_74 = arith.constant 1 : i32
      %add3A_75 = arith.addi %mul3A_58, %add3A_74 : i32
      %lt3A = arith.constant 250 : i32
      %lt3A_76 = arith.cmpi slt, %add3A_75, %lt3A : i32
      %convert_element_type3A_77 = arith.extui %lt3A_76 : i1 to i32
      %cond3A_78 = arith.constant 0 : i32
      %cond3A_79 = arith.cmpi ne, %convert_element_type3A_77, %cond3A_78 : i32
      scf.if %cond3A_79 {
        %add3A_131 = arith.constant 1 : i32
        %add3A_132 = arith.addi %mul3A_58, %add3A_131 : i32
        %mul3A_133 = arith.constant 80 : i32
        %mul3A_134 = arith.muli %add3A_132, %mul3A_133 : i32
        %add3A_135 = arith.addi %mul3A_30, %mul3A_134 : i32
        %mul3A_136 = arith.constant 16 : i32
        %mul3A_137 = arith.muli %add3A_135, %mul3A_136 : i32
        %dma_start3A_138 = tpu.memref_slice %arg4[%mul3A_137] : memref<5120000xf32, #tpu.memory_space<hbm>> -> memref<1280xf32, #tpu.memory_space<hbm>>
        %dma_start3A_139 = tpu.memref_slice %arg4[%mul3A_137] : memref<5120000xf32, #tpu.memory_space<hbm>> -> memref<1280xf32, #tpu.memory_space<hbm>>
        tpu.enqueue_dma source(%dma_start3A_139 : memref<1280xf32, #tpu.memory_space<hbm>>) target(%arg9 : memref<1280xf32, #tpu.memory_space<vmem>>) target_semaphore(%arg15 : memref<!tpu.dma_semaphore, #tpu.memory_space<semaphore_mem>>)
      } else {
      }
      %scan3A_80 = arith.constant 0 : i32
      %scan3A_81 = arith.constant 0 : i32
      %scan3A_82 = arith.constant 80 : i32
      %scan3A_83 = arith.addi %scan3A_81, %scan3A_82 : i32
      %scan3A_84 = arith.constant 1 : i32
      %scan3A_85 = scf.for %scan3A_131 = %scan3A_81 to %scan3A_83 step %scan3A_84 iter_args(%scan3A_132 = %scan3A_80) -> (i32)  : i32 {
        %mul3A_133 = arith.constant 16 : i32
        %mul3A_134 = arith.muli %scan3A_131, %mul3A_133 : i32
        %get3A = arith.index_cast %mul3A_134 : i32 to index
        %get3A_135 = tpu.vector_load %arg8[%get3A] {strides = array<i32>} : memref<1280xf32, #tpu.memory_space<vmem>>, vector<16xf32>,
        %get3A_136 = vector.shape_cast %get3A_135 : vector<16xf32> to vector<16xf32>
        %swap3A = arith.index_cast %scan3A_131 : i32 to index
        %swap3A_137 = arith.constant 0 : index
        %swap3A_138 = tpu.vector_load %arg10[%swap3A, %swap3A_137] {strides = array<i32>} : memref<80x128xf32, #tpu.memory_space<vmem>>, vector<1x16xf32>,
        %swap3A_139 = vector.shape_cast %swap3A_138 : vector<1x16xf32> to vector<16xf32>
        %swap3A_140 = vector.shape_cast %get3A_136 : vector<16xf32> to vector<1x16xf32>
        tpu.vector_store %arg10[%swap3A, %swap3A_137], %swap3A_140 {strides = array<i32>} : memref<80x128xf32, #tpu.memory_space<vmem>>, vector<1x16xf32>,
        %scan3A_141 = arith.constant 0 : i32
        scf.yield %scan3A_141 : i32
      }
      %scan3A_86 = arith.constant 80 : i32
      %dma_start3A_87 = arith.constant 0 : i32
      %dma_start3A_88 = arith.constant 0 : i32
      %dma_start3A_89 = tpu.memref_slice %arg13[%dma_start3A_87, %dma_start3A_88] : memref<10000x128xf32, #tpu.memory_space<vmem_shared>> -> memref<10000x128xf32, #tpu.memory_space<vmem_shared>>
      tpu.enqueue_indirect_dma source(%arg10 : memref<80x128xf32, #tpu.memory_space<vmem>>) target(%dma_start3A_89 : memref<10000x128xf32, #tpu.memory_space<vmem_shared>>) offsets(%arg6 : memref<80xi32, #tpu.memory_space<vmem>>) semaphore(%arg16 : memref<!tpu.dma_semaphore, #tpu.memory_space<semaphore_mem>>) {add = true}
      %mul3A_90 = arith.constant 2 : i32
      %mul3A_91 = arith.muli %mul3A_90, %scan3A_55 : i32
      %add3A_92 = arith.constant 1 : i32
      %add3A_93 = arith.addi %mul3A_91, %add3A_92 : i32
      %gt3A_94 = arith.constant 1 : i32
      %gt3A_95 = arith.cmpi sgt, %add3A_93, %gt3A_94 : i32
      %convert_element_type3A_96 = arith.extui %gt3A_95 : i1 to i32
      %cond3A_97 = arith.constant 0 : i32
      %cond3A_98 = arith.cmpi ne, %convert_element_type3A_96, %cond3A_97 : i32
      scf.if %cond3A_98 {
        %dma_wait3A_131 = arith.constant 0 : i32
        %dma_wait3A_132 = arith.constant 0 : i32
        %dma_wait3A_133 = tpu.memref_slice %arg13[%dma_wait3A_131, %dma_wait3A_132] : memref<10000x128xf32, #tpu.memory_space<vmem_shared>> -> memref<10000x128xf32, #tpu.memory_space<vmem_shared>>
        tpu.wait_indirect_dma semaphore(%arg17 : memref<!tpu.dma_semaphore, #tpu.memory_space<semaphore_mem>>) src(%arg11 : memref<80x128xf32, #tpu.memory_space<vmem>>) dst(%dma_wait3A_133 : memref<10000x128xf32, #tpu.memory_space<vmem_shared>>)
      } else {
      }
      %eq3A_99 = arith.constant 0 : i32
      %eq3A_100 = arith.cmpi eq, %arg0, %eq3A_99 : i32
      %convert_element_type3A_101 = arith.extui %eq3A_100 : i1 to i32
      %cond3A_102 = arith.constant 0 : i32
      %cond3A_103 = arith.cmpi ne, %convert_element_type3A_101, %cond3A_102 : i32
      scf.if %cond3A_103 {
        %mul3A_131 = arith.constant 80 : i32
        %mul3A_132 = arith.muli %add3A_93, %mul3A_131 : i32
        %add3A_133 = arith.addi %mul3A_30, %mul3A_132 : i32
        "tpu.region"() ({
          %run_scoped3A = tpu.sem_alloc : memref<!tpu.dma_semaphore, #tpu.memory_space<semaphore_mem>>
          %dma_start3A_134 = tpu.memref_slice %arg2[%add3A_133] : memref<320000xi32, #tpu.memory_space<hbm>> -> memref<80xi32, #tpu.memory_space<hbm>>
          %dma_start3A_135 = tpu.memref_slice %arg2[%add3A_133] : memref<320000xi32, #tpu.memory_space<hbm>> -> memref<80xi32, #tpu.memory_space<hbm>>
          tpu.enqueue_dma source(%dma_start3A_135 : memref<80xi32, #tpu.memory_space<hbm>>) target(%arg7 : memref<80xi32, #tpu.memory_space<vmem>>) target_semaphore(%run_scoped3A : memref<!tpu.dma_semaphore, #tpu.memory_space<semaphore_mem>>)
          %dma_wait3A_136 = tpu.memref_slice %arg2[%add3A_133] : memref<320000xi32, #tpu.memory_space<hbm>> -> memref<80xi32, #tpu.memory_space<hbm>>
          %dma_wait3A_137 = tpu.memref_slice %arg2[%add3A_133] : memref<320000xi32, #tpu.memory_space<hbm>> -> memref<80xi32, #tpu.memory_space<hbm>>
          tpu.wait_dma2 semaphore(%run_scoped3A : memref<!tpu.dma_semaphore, #tpu.memory_space<semaphore_mem>>) src(%dma_wait3A_137 : memref<80xi32, #tpu.memory_space<hbm>>) dst(%arg7 : memref<80xi32, #tpu.memory_space<vmem>>)
          tpu.yield
        }) : () -> ()
      } else {
      }
      %eq3A_104 = arith.constant 1 : i32
      %eq3A_105 = arith.cmpi eq, %arg0, %eq3A_104 : i32
      %convert_element_type3A_106 = arith.extui %eq3A_105 : i1 to i32
      %cond3A_107 = arith.constant 0 : i32
      %cond3A_108 = arith.cmpi ne, %convert_element_type3A_106, %cond3A_107 : i32
      scf.if %cond3A_108 {
        %mul3A_131 = arith.constant 80 : i32
        %mul3A_132 = arith.muli %add3A_93, %mul3A_131 : i32
        %add3A_133 = arith.addi %mul3A_30, %mul3A_132 : i32
        "tpu.region"() ({
          %run_scoped3A = tpu.sem_alloc : memref<!tpu.dma_semaphore, #tpu.memory_space<semaphore_mem>>
          %dma_start3A_134 = tpu.memref_slice %arg3[%add3A_133] : memref<320000xi32, #tpu.memory_space<hbm>> -> memref<80xi32, #tpu.memory_space<hbm>>
          %dma_start3A_135 = tpu.memref_slice %arg3[%add3A_133] : memref<320000xi32, #tpu.memory_space<hbm>> -> memref<80xi32, #tpu.memory_space<hbm>>
          tpu.enqueue_dma source(%dma_start3A_135 : memref<80xi32, #tpu.memory_space<hbm>>) target(%arg7 : memref<80xi32, #tpu.memory_space<vmem>>) target_semaphore(%run_scoped3A : memref<!tpu.dma_semaphore, #tpu.memory_space<semaphore_mem>>)
          %dma_wait3A_136 = tpu.memref_slice %arg3[%add3A_133] : memref<320000xi32, #tpu.memory_space<hbm>> -> memref<80xi32, #tpu.memory_space<hbm>>
          %dma_wait3A_137 = tpu.memref_slice %arg3[%add3A_133] : memref<320000xi32, #tpu.memory_space<hbm>> -> memref<80xi32, #tpu.memory_space<hbm>>
          tpu.wait_dma2 semaphore(%run_scoped3A : memref<!tpu.dma_semaphore, #tpu.memory_space<semaphore_mem>>) src(%dma_wait3A_137 : memref<80xi32, #tpu.memory_space<hbm>>) dst(%arg7 : memref<80xi32, #tpu.memory_space<vmem>>)
          tpu.yield
        }) : () -> ()
      } else {
      }
      %dma_wait3A_109 = arith.constant 0 : i32
      %dma_wait3A_110 = tpu.memref_slice %arg4[%dma_wait3A_109] : memref<5120000xf32, #tpu.memory_space<hbm>> -> memref<1280xf32, #tpu.memory_space<hbm>>
      %dma_wait3A_111 = arith.constant 0 : i32
      %dma_wait3A_112 = tpu.memref_slice %arg4[%dma_wait3A_111] : memref<5120000xf32, #tpu.memory_space<hbm>> -> memref<1280xf32, #tpu.memory_space<hbm>>
      tpu.wait_dma2 semaphore(%arg15 : memref<!tpu.dma_semaphore, #tpu.memory_space<semaphore_mem>>) src(%dma_wait3A_112 : memref<1280xf32, #tpu.memory_space<hbm>>) dst(%arg9 : memref<1280xf32, #tpu.memory_space<vmem>>)
      %add3A_113 = arith.constant 1 : i32
      %add3A_114 = arith.addi %add3A_93, %add3A_113 : i32
      %lt3A_115 = arith.constant 250 : i32
      %lt3A_116 = arith.cmpi slt, %add3A_114, %lt3A_115 : i32
      %convert_element_type3A_117 = arith.extui %lt3A_116 : i1 to i32
      %cond3A_118 = arith.constant 0 : i32
      %cond3A_119 = arith.cmpi ne, %convert_element_type3A_117, %cond3A_118 : i32
      scf.if %cond3A_119 {
        %add3A_131 = arith.constant 1 : i32
        %add3A_132 = arith.addi %add3A_93, %add3A_131 : i32
        %mul3A_133 = arith.constant 80 : i32
        %mul3A_134 = arith.muli %add3A_132, %mul3A_133 : i32
        %add3A_135 = arith.addi %mul3A_30, %mul3A_134 : i32
        %mul3A_136 = arith.constant 16 : i32
        %mul3A_137 = arith.muli %add3A_135, %mul3A_136 : i32
        %dma_start3A_138 = tpu.memref_slice %arg4[%mul3A_137] : memref<5120000xf32, #tpu.memory_space<hbm>> -> memref<1280xf32, #tpu.memory_space<hbm>>
        %dma_start3A_139 = tpu.memref_slice %arg4[%mul3A_137] : memref<5120000xf32, #tpu.memory_space<hbm>> -> memref<1280xf32, #tpu.memory_space<hbm>>
        tpu.enqueue_dma source(%dma_start3A_139 : memref<1280xf32, #tpu.memory_space<hbm>>) target(%arg8 : memref<1280xf32, #tpu.memory_space<vmem>>) target_semaphore(%arg14 : memref<!tpu.dma_semaphore, #tpu.memory_space<semaphore_mem>>)
      } else {
      }
      %scan3A_120 = arith.constant 0 : i32
      %scan3A_121 = arith.constant 0 : i32
      %scan3A_122 = arith.constant 80 : i32
      %scan3A_123 = arith.addi %scan3A_121, %scan3A_122 : i32
      %scan3A_124 = arith.constant 1 : i32
      %scan3A_125 = scf.for %scan3A_131 = %scan3A_121 to %scan3A_123 step %scan3A_124 iter_args(%scan3A_132 = %scan3A_120) -> (i32)  : i32 {
        %mul3A_133 = arith.constant 16 : i32
        %mul3A_134 = arith.muli %scan3A_131, %mul3A_133 : i32
        %get3A = arith.index_cast %mul3A_134 : i32 to index
        %get3A_135 = tpu.vector_load %arg9[%get3A] {strides = array<i32>} : memref<1280xf32, #tpu.memory_space<vmem>>, vector<16xf32>,
        %get3A_136 = vector.shape_cast %get3A_135 : vector<16xf32> to vector<16xf32>
        %swap3A = arith.index_cast %scan3A_131 : i32 to index
        %swap3A_137 = arith.constant 0 : index
        %swap3A_138 = tpu.vector_load %arg11[%swap3A, %swap3A_137] {strides = array<i32>} : memref<80x128xf32, #tpu.memory_space<vmem>>, vector<1x16xf32>,
        %swap3A_139 = vector.shape_cast %swap3A_138 : vector<1x16xf32> to vector<16xf32>
        %swap3A_140 = vector.shape_cast %get3A_136 : vector<16xf32> to vector<1x16xf32>
        tpu.vector_store %arg11[%swap3A, %swap3A_137], %swap3A_140 {strides = array<i32>} : memref<80x128xf32, #tpu.memory_space<vmem>>, vector<1x16xf32>,
        %scan3A_141 = arith.constant 0 : i32
        scf.yield %scan3A_141 : i32
      }
      %scan3A_126 = arith.constant 80 : i32
      %dma_start3A_127 = arith.constant 0 : i32
      %dma_start3A_128 = arith.constant 0 : i32
      %dma_start3A_129 = tpu.memref_slice %arg13[%dma_start3A_127, %dma_start3A_128] : memref<10000x128xf32, #tpu.memory_space<vmem_shared>> -> memref<10000x128xf32, #tpu.memory_space<vmem_shared>>
      tpu.enqueue_indirect_dma source(%arg11 : memref<80x128xf32, #tpu.memory_space<vmem>>) target(%dma_start3A_129 : memref<10000x128xf32, #tpu.memory_space<vmem_shared>>) offsets(%arg7 : memref<80xi32, #tpu.memory_space<vmem>>) semaphore(%arg17 : memref<!tpu.dma_semaphore, #tpu.memory_space<semaphore_mem>>) {add = true}
      %scan3A_130 = arith.constant 0 : i32
      scf.yield %scan3A_130 : i32
    }
    %scan3A_41 = arith.constant 125 : i32
    %dma_wait3A = arith.constant 0 : i32
    %dma_wait3A_42 = arith.constant 0 : i32
    %dma_wait3A_43 = tpu.memref_slice %arg13[%dma_wait3A, %dma_wait3A_42] : memref<10000x128xf32, #tpu.memory_space<vmem_shared>> -> memref<10000x128xf32, #tpu.memory_space<vmem_shared>>
    tpu.wait_indirect_dma semaphore(%arg16 : memref<!tpu.dma_semaphore, #tpu.memory_space<semaphore_mem>>) src(%arg10 : memref<80x128xf32, #tpu.memory_space<vmem>>) dst(%dma_wait3A_43 : memref<10000x128xf32, #tpu.memory_space<vmem_shared>>)
    %dma_wait3A_44 = arith.constant 0 : i32
    %dma_wait3A_45 = arith.constant 0 : i32
    %dma_wait3A_46 = tpu.memref_slice %arg13[%dma_wait3A_44, %dma_wait3A_45] : memref<10000x128xf32, #tpu.memory_space<vmem_shared>> -> memref<10000x128xf32, #tpu.memory_space<vmem_shared>>
    tpu.wait_indirect_dma semaphore(%arg17 : memref<!tpu.dma_semaphore, #tpu.memory_space<semaphore_mem>>) src(%arg11 : memref<80x128xf32, #tpu.memory_space<vmem>>) dst(%dma_wait3A_46 : memref<10000x128xf32, #tpu.memory_space<vmem_shared>>)
    %barrier3A_47 = arith.constant 0 : index
    tpu.barrier barrier_id(%barrier3A_47)
    %scan3A_48 = arith.constant 0 : i32
    %scan3A_49 = arith.constant 0 : i32
    %scan3A_50 = arith.constant 8 : i32
    %scan3A_51 = arith.addi %scan3A_49, %scan3A_50 : i32
    %scan3A_52 = arith.constant 1 : i32
    %scan3A_53 = scf.for %scan3A_55 = %scan3A_49 to %scan3A_51 step %scan3A_52 iter_args(%scan3A_56 = %scan3A_48) -> (i32)  : i32 {
      %mul3A_57 = arith.constant 16 : i32
      %mul3A_58 = arith.muli %scan3A_55, %mul3A_57 : i32
      %add3A_59 = arith.addi %mul3A_58, %arg1 : i32
      %lt3A = arith.constant 125 : i32
      %lt3A_60 = arith.cmpi slt, %add3A_59, %lt3A : i32
      %convert_element_type3A = arith.extui %lt3A_60 : i1 to i32
      %cond3A = arith.constant 0 : i32
      %cond3A_61 = arith.cmpi ne, %convert_element_type3A, %cond3A : i32
      scf.if %cond3A_61 {
        %mul3A_63 = arith.constant 80 : i32
        %mul3A_64 = arith.muli %add3A_59, %mul3A_63 : i32
        %mul3A_65 = arith.constant 10000 : i32
        %mul3A_66 = arith.muli %arg0, %mul3A_65 : i32
        %add3A_67 = arith.addi %mul3A_66, %mul3A_64 : i32
        "tpu.region"() ({
          %run_scoped3A = tpu.sem_alloc : memref<!tpu.dma_semaphore, #tpu.memory_space<semaphore_mem>>
          %dma_start3A_68 = arith.constant 0 : i32
          %dma_start3A_69 = tpu.memref_slice %arg5[%add3A_67, %dma_start3A_68] : memref<20000x128xf32, #tpu.memory_space<hbm>> -> memref<80x128xf32, #tpu.memory_space<hbm>>
          %dma_start3A_70 = arith.constant 0 : i32
          %dma_start3A_71 = tpu.memref_slice %arg13[%mul3A_64, %dma_start3A_70] : memref<10000x128xf32, #tpu.memory_space<vmem_shared>> -> memref<80x128xf32, #tpu.memory_space<vmem_shared>>
          tpu.enqueue_dma source(%dma_start3A_71 : memref<80x128xf32, #tpu.memory_space<vmem_shared>>) target(%dma_start3A_69 : memref<80x128xf32, #tpu.memory_space<hbm>>) target_semaphore(%run_scoped3A : memref<!tpu.dma_semaphore, #tpu.memory_space<semaphore_mem>>)
          %dma_wait3A_72 = arith.constant 0 : i32
          %dma_wait3A_73 = tpu.memref_slice %arg5[%add3A_67, %dma_wait3A_72] : memref<20000x128xf32, #tpu.memory_space<hbm>> -> memref<80x128xf32, #tpu.memory_space<hbm>>
          %dma_wait3A_74 = arith.constant 0 : i32
          %dma_wait3A_75 = tpu.memref_slice %arg13[%mul3A_64, %dma_wait3A_74] : memref<10000x128xf32, #tpu.memory_space<vmem_shared>> -> memref<80x128xf32, #tpu.memory_space<vmem_shared>>
          tpu.wait_dma2 semaphore(%run_scoped3A : memref<!tpu.dma_semaphore, #tpu.memory_space<semaphore_mem>>) src(%dma_wait3A_75 : memref<80x128xf32, #tpu.memory_space<vmem_shared>>) dst(%dma_wait3A_73 : memref<80x128xf32, #tpu.memory_space<hbm>>)
          tpu.yield
        }) : () -> ()
      } else {
      }
      %scan3A_62 = arith.constant 0 : i32
      scf.yield %scan3A_62 : i32
    }
    %scan3A_54 = arith.constant 8 : i32
    return
  }
}

module attributes {stable_mosaic.version = 14 : i64} {
  func.func @body(%arg0: i32, %arg1: memref<1000x128xf32, #tpu.memory_space<vmem>>, %arg2: memref<2x1000x128xf32, #tpu.memory_space<vmem>>, %arg3: memref<2x1000x128xf32, #tpu.memory_space<vmem>>, %arg4: memref<128x128xf32, #tpu.memory_space<vmem>>, %arg5: memref<128x128xf32, #tpu.memory_space<vmem>>, %arg6: memref<128x128xf32, #tpu.memory_space<vmem>>, %arg7: memref<128x128xf32, #tpu.memory_space<vmem>>, %arg8: memref<1x128xf32, #tpu.memory_space<vmem>>, %arg9: memref<2x1000x128xf32, #tpu.memory_space<vmem>>) attributes {dimension_semantics = [#tpu.dimension_semantics<arbitrary>], iteration_bounds = array<i64: 10>, scalar_prefetch = 0 : i64, scratch_operands = 0 : i64, tpu.core_type = #tpu.core_type<tc>, window_params = [{transform_indices = @transform_0, window_bounds = array<i64: 1000, 128>}, {transform_indices = @transform_1, window_bounds = array<i64: 2, 1000, 128>}, {transform_indices = @transform_2, window_bounds = array<i64: 2, 1000, 128>}, {pipeline_mode = #tpu.pipeline_mode<synchronous>, transform_indices = @transform_3, window_bounds = array<i64: 128, 128>}, {pipeline_mode = #tpu.pipeline_mode<synchronous>, transform_indices = @transform_4, window_bounds = array<i64: 128, 128>}, {pipeline_mode = #tpu.pipeline_mode<synchronous>, transform_indices = @transform_5, window_bounds = array<i64: 128, 128>}, {pipeline_mode = #tpu.pipeline_mode<synchronous>, transform_indices = @transform_6, window_bounds = array<i64: 128, 128>}, {pipeline_mode = #tpu.pipeline_mode<synchronous>, transform_indices = @transform_7, window_bounds = array<i64: 1, 128>}, {transform_indices = @transform_8, window_bounds = array<i64: 2, 1000, 128>}]} {
    %get3A = arith.constant 0 : index
    %get3A_0 = arith.constant 0 : index
    %get3A_1 = arith.constant 0 : index
    %get3A_2 = vector.load %arg2[%get3A, %get3A_0, %get3A_1] : memref<2x1000x128xf32, #tpu.memory_space<vmem>>, vector<1x1000x128xf32>
    %get3A_3 = vector.shape_cast %get3A_2 : vector<1x1000x128xf32> to vector<1000x128xf32>
    %get3A_4 = arith.constant 1 : index
    %get3A_5 = arith.constant 0 : index
    %get3A_6 = arith.constant 0 : index
    %get3A_7 = vector.load %arg2[%get3A_4, %get3A_5, %get3A_6] : memref<2x1000x128xf32, #tpu.memory_space<vmem>>, vector<1x1000x128xf32>
    %get3A_8 = vector.shape_cast %get3A_7 : vector<1x1000x128xf32> to vector<1000x128xf32>
    %add3A = arith.addf %get3A_3, %get3A_8 : vector<1000x128xf32>
    %get3A_9 = arith.constant 0 : index
    %get3A_10 = arith.constant 0 : index
    %get3A_11 = arith.constant 0 : index
    %get3A_12 = vector.load %arg3[%get3A_9, %get3A_10, %get3A_11] : memref<2x1000x128xf32, #tpu.memory_space<vmem>>, vector<1x1000x128xf32>
    %get3A_13 = vector.shape_cast %get3A_12 : vector<1x1000x128xf32> to vector<1000x128xf32>
    %get3A_14 = arith.constant 1 : index
    %get3A_15 = arith.constant 0 : index
    %get3A_16 = arith.constant 0 : index
    %get3A_17 = vector.load %arg3[%get3A_14, %get3A_15, %get3A_16] : memref<2x1000x128xf32, #tpu.memory_space<vmem>>, vector<1x1000x128xf32>
    %get3A_18 = vector.shape_cast %get3A_17 : vector<1x1000x128xf32> to vector<1000x128xf32>
    %slice3A = vector.extract_strided_slice %get3A_13 {offsets = [0, 16], sizes = [1000, 1], strides = [1, 1]} : vector<1000x128xf32> to vector<1000x1xf32>
    %max3A = arith.constant 1.000000e+00 : f32
    %max3A_19 = vector.broadcast %max3A : f32 to vector<1000x1xf32>
    %max3A_20 = arith.maximumf %slice3A, %max3A_19 : vector<1000x1xf32>
    %get3A_21 = arith.constant 0 : index
    %get3A_22 = arith.constant 0 : index
    %get3A_23 = vector.load %arg4[%get3A_21, %get3A_22] : memref<128x128xf32, #tpu.memory_space<vmem>>, vector<128x128xf32>
    %dot_general3A = arith.constant dense<0.000000e+00> : vector<1000x128xf32>
    %dot_general3A_24 = tpu.matmul %add3A, %get3A_23, %dot_general3A {dimension_numbers = #tpu.dot_dimension_numbers<[1], [0], [0], [1], [0, 0, 1, 1], [], []>, transpose_lhs_hint = false} : vector<1000x128xf32>, vector<128x128xf32>, vector<1000x128xf32> -> vector<1000x128xf32>
    %get3A_25 = arith.constant 0 : index
    %get3A_26 = arith.constant 0 : index
    %get3A_27 = vector.load %arg5[%get3A_25, %get3A_26] : memref<128x128xf32, #tpu.memory_space<vmem>>, vector<128x128xf32>
    %dot_general3A_28 = arith.constant dense<0.000000e+00> : vector<1000x128xf32>
    %dot_general3A_29 = tpu.matmul %get3A_13, %get3A_27, %dot_general3A_28 {dimension_numbers = #tpu.dot_dimension_numbers<[1], [0], [0], [1], [0, 0, 1, 1], [], []>, transpose_lhs_hint = false} : vector<1000x128xf32>, vector<128x128xf32>, vector<1000x128xf32> -> vector<1000x128xf32>
    %add3A_30 = arith.addf %dot_general3A_24, %dot_general3A_29 : vector<1000x128xf32>
    %div3A = vector.broadcast %max3A_20 : vector<1000x1xf32> to vector<1000x128xf32>
    %div3A_31 = arith.divf %add3A_30, %div3A : vector<1000x128xf32>
    %get3A_32 = arith.constant 0 : index
    %get3A_33 = arith.constant 0 : index
    %get3A_34 = vector.load %arg5[%get3A_32, %get3A_33] : memref<128x128xf32, #tpu.memory_space<vmem>>, vector<128x128xf32>
    %dot_general3A_35 = arith.constant dense<0.000000e+00> : vector<1000x128xf32>
    %dot_general3A_36 = tpu.matmul %get3A_18, %get3A_34, %dot_general3A_35 {dimension_numbers = #tpu.dot_dimension_numbers<[1], [0], [0], [1], [0, 0, 1, 1], [], []>, transpose_lhs_hint = false} : vector<1000x128xf32>, vector<128x128xf32>, vector<1000x128xf32> -> vector<1000x128xf32>
    %add3A_37 = arith.addf %dot_general3A_24, %dot_general3A_36 : vector<1000x128xf32>
    %div3A_38 = vector.broadcast %max3A_20 : vector<1000x1xf32> to vector<1000x128xf32>
    %div3A_39 = arith.divf %add3A_37, %div3A_38 : vector<1000x128xf32>
    %get3A_40 = arith.constant 0 : index
    %get3A_41 = arith.constant 0 : index
    %get3A_42 = vector.load %arg1[%get3A_40, %get3A_41] : memref<1000x128xf32, #tpu.memory_space<vmem>>, vector<1000x128xf32>
    %get3A_43 = arith.constant 0 : index
    %get3A_44 = arith.constant 0 : index
    %get3A_45 = vector.load %arg6[%get3A_43, %get3A_44] : memref<128x128xf32, #tpu.memory_space<vmem>>, vector<128x128xf32>
    %dot_general3A_46 = arith.constant dense<0.000000e+00> : vector<1000x128xf32>
    %dot_general3A_47 = tpu.matmul %get3A_42, %get3A_45, %dot_general3A_46 {dimension_numbers = #tpu.dot_dimension_numbers<[1], [0], [0], [1], [0, 0, 1, 1], [], []>, transpose_lhs_hint = false} : vector<1000x128xf32>, vector<128x128xf32>, vector<1000x128xf32> -> vector<1000x128xf32>
    %get3A_48 = arith.constant 0 : index
    %get3A_49 = arith.constant 0 : index
    %get3A_50 = vector.load %arg8[%get3A_48, %get3A_49] : memref<1x128xf32, #tpu.memory_space<vmem>>, vector<1x128xf32>
    %add3A_51 = vector.broadcast %get3A_50 : vector<1x128xf32> to vector<1000x128xf32>
    %add3A_52 = arith.addf %dot_general3A_47, %add3A_51 : vector<1000x128xf32>
    %get3A_53 = arith.constant 0 : index
    %get3A_54 = arith.constant 0 : index
    %get3A_55 = vector.load %arg7[%get3A_53, %get3A_54] : memref<128x128xf32, #tpu.memory_space<vmem>>, vector<128x128xf32>
    %dot_general3A_56 = arith.constant dense<0.000000e+00> : vector<1000x128xf32>
    %dot_general3A_57 = tpu.matmul %div3A_31, %get3A_55, %dot_general3A_56 {dimension_numbers = #tpu.dot_dimension_numbers<[1], [0], [0], [1], [0, 0, 1, 1], [], []>, transpose_lhs_hint = false} : vector<1000x128xf32>, vector<128x128xf32>, vector<1000x128xf32> -> vector<1000x128xf32>
    %add3A_58 = arith.addf %add3A_52, %dot_general3A_57 : vector<1000x128xf32>
    %max3A_59 = arith.constant 0.000000e+00 : f32
    %max3A_60 = vector.broadcast %max3A_59 : f32 to vector<1000x128xf32>
    %max3A_61 = arith.maximumf %add3A_58, %max3A_60 : vector<1000x128xf32>
    %swap3A = arith.constant 0 : index
    %swap3A_62 = arith.constant 0 : index
    %swap3A_63 = arith.constant 0 : index
    %swap3A_64 = vector.load %arg9[%swap3A, %swap3A_62, %swap3A_63] : memref<2x1000x128xf32, #tpu.memory_space<vmem>>, vector<1x1000x128xf32>
    %swap3A_65 = vector.shape_cast %swap3A_64 : vector<1x1000x128xf32> to vector<1000x128xf32>
    %swap3A_66 = vector.shape_cast %max3A_61 : vector<1000x128xf32> to vector<1x1000x128xf32>
    tpu.vector_store %arg9[%swap3A, %swap3A_62, %swap3A_63], %swap3A_66 {strides = array<i32>} : memref<2x1000x128xf32, #tpu.memory_space<vmem>>, vector<1x1000x128xf32>,
    %get3A_67 = arith.constant 0 : index
    %get3A_68 = arith.constant 0 : index
    %get3A_69 = vector.load %arg7[%get3A_67, %get3A_68] : memref<128x128xf32, #tpu.memory_space<vmem>>, vector<128x128xf32>
    %dot_general3A_70 = arith.constant dense<0.000000e+00> : vector<1000x128xf32>
    %dot_general3A_71 = tpu.matmul %div3A_39, %get3A_69, %dot_general3A_70 {dimension_numbers = #tpu.dot_dimension_numbers<[1], [0], [0], [1], [0, 0, 1, 1], [], []>, transpose_lhs_hint = false} : vector<1000x128xf32>, vector<128x128xf32>, vector<1000x128xf32> -> vector<1000x128xf32>
    %add3A_72 = arith.addf %add3A_52, %dot_general3A_71 : vector<1000x128xf32>
    %max3A_73 = arith.constant 0.000000e+00 : f32
    %max3A_74 = vector.broadcast %max3A_73 : f32 to vector<1000x128xf32>
    %max3A_75 = arith.maximumf %add3A_72, %max3A_74 : vector<1000x128xf32>
    %swap3A_76 = arith.constant 1 : index
    %swap3A_77 = arith.constant 0 : index
    %swap3A_78 = arith.constant 0 : index
    %swap3A_79 = vector.load %arg9[%swap3A_76, %swap3A_77, %swap3A_78] : memref<2x1000x128xf32, #tpu.memory_space<vmem>>, vector<1x1000x128xf32>
    %swap3A_80 = vector.shape_cast %swap3A_79 : vector<1x1000x128xf32> to vector<1000x128xf32>
    %swap3A_81 = vector.shape_cast %max3A_75 : vector<1000x128xf32> to vector<1x1000x128xf32>
    tpu.vector_store %arg9[%swap3A_76, %swap3A_77, %swap3A_78], %swap3A_81 {strides = array<i32>} : memref<2x1000x128xf32, #tpu.memory_space<vmem>>, vector<1x1000x128xf32>,
    return
  }
  func.func @transform_0(%arg0: i32) -> (i32, i32) {
    %c0_i32 = arith.constant 0 : i32
    %c0_i32_0 = arith.constant 0 : i32
    return %arg0, %c0_i32 : i32, i32
  }
  func.func @transform_1(%arg0: i32) -> (i32, i32, i32) {
    %c0_i32 = arith.constant 0 : i32
    %c0_i32_0 = arith.constant 0 : i32
    %c0_i32_1 = arith.constant 0 : i32
    return %c0_i32, %arg0, %c0_i32_0 : i32, i32, i32
  }
  func.func @transform_2(%arg0: i32) -> (i32, i32, i32) {
    %c0_i32 = arith.constant 0 : i32
    %c0_i32_0 = arith.constant 0 : i32
    %c0_i32_1 = arith.constant 0 : i32
    return %c0_i32, %arg0, %c0_i32_0 : i32, i32, i32
  }
  func.func @transform_3(%arg0: i32) -> (i32, i32) {
    %c0_i32 = arith.constant 0 : i32
    %c0_i32_0 = arith.constant 0 : i32
    %c0_i32_1 = arith.constant 0 : i32
    return %c0_i32, %c0_i32_0 : i32, i32
  }
  func.func @transform_4(%arg0: i32) -> (i32, i32) {
    %c0_i32 = arith.constant 0 : i32
    %c0_i32_0 = arith.constant 0 : i32
    %c0_i32_1 = arith.constant 0 : i32
    return %c0_i32, %c0_i32_0 : i32, i32
  }
  func.func @transform_5(%arg0: i32) -> (i32, i32) {
    %c0_i32 = arith.constant 0 : i32
    %c0_i32_0 = arith.constant 0 : i32
    %c0_i32_1 = arith.constant 0 : i32
    return %c0_i32, %c0_i32_0 : i32, i32
  }
  func.func @transform_6(%arg0: i32) -> (i32, i32) {
    %c0_i32 = arith.constant 0 : i32
    %c0_i32_0 = arith.constant 0 : i32
    %c0_i32_1 = arith.constant 0 : i32
    return %c0_i32, %c0_i32_0 : i32, i32
  }
  func.func @transform_7(%arg0: i32) -> (i32, i32) {
    %c0_i32 = arith.constant 0 : i32
    %c0_i32_0 = arith.constant 0 : i32
    %c0_i32_1 = arith.constant 0 : i32
    return %c0_i32, %c0_i32_0 : i32, i32
  }
  func.func @transform_8(%arg0: i32) -> (i32, i32, i32) {
    %c0_i32 = arith.constant 0 : i32
    %c0_i32_0 = arith.constant 0 : i32
    %c0_i32_1 = arith.constant 0 : i32
    return %c0_i32, %arg0, %c0_i32_0 : i32, i32, i32
  }
}

module attributes {stable_mosaic.version = 14 : i64} {
  func.func @body(%arg0: i32, %arg1: memref<2x1000x128xf32, #tpu.memory_space<vmem>>, %arg2: memref<2x1000x128xf32, #tpu.memory_space<vmem>>, %arg3: memref<2x1000x128xf32, #tpu.memory_space<vmem>>, %arg4: memref<128x128xf32, #tpu.memory_space<vmem>>, %arg5: memref<128x128xf32, #tpu.memory_space<vmem>>, %arg6: memref<128x128xf32, #tpu.memory_space<vmem>>, %arg7: memref<128x128xf32, #tpu.memory_space<vmem>>, %arg8: memref<1x128xf32, #tpu.memory_space<vmem>>, %arg9: memref<1x1xf32, #tpu.memory_space<vmem>>) attributes {dimension_semantics = [#tpu.dimension_semantics<arbitrary>], iteration_bounds = array<i64: 10>, scalar_prefetch = 0 : i64, scratch_operands = 0 : i64, tpu.core_type = #tpu.core_type<tc>, window_params = [{transform_indices = @transform_0, window_bounds = array<i64: 2, 1000, 128>}, {transform_indices = @transform_1, window_bounds = array<i64: 2, 1000, 128>}, {transform_indices = @transform_2, window_bounds = array<i64: 2, 1000, 128>}, {pipeline_mode = #tpu.pipeline_mode<synchronous>, transform_indices = @transform_3, window_bounds = array<i64: 128, 128>}, {pipeline_mode = #tpu.pipeline_mode<synchronous>, transform_indices = @transform_4, window_bounds = array<i64: 128, 128>}, {pipeline_mode = #tpu.pipeline_mode<synchronous>, transform_indices = @transform_5, window_bounds = array<i64: 128, 128>}, {pipeline_mode = #tpu.pipeline_mode<synchronous>, transform_indices = @transform_6, window_bounds = array<i64: 128, 128>}, {pipeline_mode = #tpu.pipeline_mode<synchronous>, transform_indices = @transform_7, window_bounds = array<i64: 1, 128>}, {pipeline_mode = #tpu.pipeline_mode<synchronous>, transform_indices = @transform_8, window_bounds = array<i64: 1, 1>}]} {
    %get3A = arith.constant 0 : index
    %get3A_0 = arith.constant 0 : index
    %get3A_1 = arith.constant 0 : index
    %get3A_2 = vector.load %arg3[%get3A, %get3A_0, %get3A_1] : memref<2x1000x128xf32, #tpu.memory_space<vmem>>, vector<1x1000x128xf32>
    %get3A_3 = vector.shape_cast %get3A_2 : vector<1x1000x128xf32> to vector<1000x128xf32>
    %get3A_4 = arith.constant 1 : index
    %get3A_5 = arith.constant 0 : index
    %get3A_6 = arith.constant 0 : index
    %get3A_7 = vector.load %arg3[%get3A_4, %get3A_5, %get3A_6] : memref<2x1000x128xf32, #tpu.memory_space<vmem>>, vector<1x1000x128xf32>
    %get3A_8 = vector.shape_cast %get3A_7 : vector<1x1000x128xf32> to vector<1000x128xf32>
    %slice3A = vector.extract_strided_slice %get3A_3 {offsets = [0, 16], sizes = [1000, 1], strides = [1, 1]} : vector<1000x128xf32> to vector<1000x1xf32>
    %max3A = arith.constant 1.000000e+00 : f32
    %max3A_9 = vector.broadcast %max3A : f32 to vector<1000x1xf32>
    %max3A_10 = arith.maximumf %slice3A, %max3A_9 : vector<1000x1xf32>
    %get3A_11 = arith.constant 0 : index
    %get3A_12 = arith.constant 0 : index
    %get3A_13 = arith.constant 0 : index
    %get3A_14 = vector.load %arg2[%get3A_11, %get3A_12, %get3A_13] : memref<2x1000x128xf32, #tpu.memory_space<vmem>>, vector<1x1000x128xf32>
    %get3A_15 = vector.shape_cast %get3A_14 : vector<1x1000x128xf32> to vector<1000x128xf32>
    %get3A_16 = arith.constant 0 : index
    %get3A_17 = arith.constant 0 : index
    %get3A_18 = vector.load %arg4[%get3A_16, %get3A_17] : memref<128x128xf32, #tpu.memory_space<vmem>>, vector<128x128xf32>
    %dot_general3A = arith.constant dense<0.000000e+00> : vector<1000x128xf32>
    %dot_general3A_19 = tpu.matmul %get3A_15, %get3A_18, %dot_general3A {dimension_numbers = #tpu.dot_dimension_numbers<[1], [0], [0], [1], [0, 0, 1, 1], [], []>, transpose_lhs_hint = false} : vector<1000x128xf32>, vector<128x128xf32>, vector<1000x128xf32> -> vector<1000x128xf32>
    %get3A_20 = arith.constant 0 : index
    %get3A_21 = arith.constant 0 : index
    %get3A_22 = vector.load %arg5[%get3A_20, %get3A_21] : memref<128x128xf32, #tpu.memory_space<vmem>>, vector<128x128xf32>
    %dot_general3A_23 = arith.constant dense<0.000000e+00> : vector<1000x128xf32>
    %dot_general3A_24 = tpu.matmul %get3A_3, %get3A_22, %dot_general3A_23 {dimension_numbers = #tpu.dot_dimension_numbers<[1], [0], [0], [1], [0, 0, 1, 1], [], []>, transpose_lhs_hint = false} : vector<1000x128xf32>, vector<128x128xf32>, vector<1000x128xf32> -> vector<1000x128xf32>
    %add3A = arith.addf %dot_general3A_19, %dot_general3A_24 : vector<1000x128xf32>
    %div3A = vector.broadcast %max3A_10 : vector<1000x1xf32> to vector<1000x128xf32>
    %div3A_25 = arith.divf %add3A, %div3A : vector<1000x128xf32>
    %get3A_26 = arith.constant 1 : index
    %get3A_27 = arith.constant 0 : index
    %get3A_28 = arith.constant 0 : index
    %get3A_29 = vector.load %arg2[%get3A_26, %get3A_27, %get3A_28] : memref<2x1000x128xf32, #tpu.memory_space<vmem>>, vector<1x1000x128xf32>
    %get3A_30 = vector.shape_cast %get3A_29 : vector<1x1000x128xf32> to vector<1000x128xf32>
    %get3A_31 = arith.constant 0 : index
    %get3A_32 = arith.constant 0 : index
    %get3A_33 = vector.load %arg4[%get3A_31, %get3A_32] : memref<128x128xf32, #tpu.memory_space<vmem>>, vector<128x128xf32>
    %dot_general3A_34 = arith.constant dense<0.000000e+00> : vector<1000x128xf32>
    %dot_general3A_35 = tpu.matmul %get3A_30, %get3A_33, %dot_general3A_34 {dimension_numbers = #tpu.dot_dimension_numbers<[1], [0], [0], [1], [0, 0, 1, 1], [], []>, transpose_lhs_hint = false} : vector<1000x128xf32>, vector<128x128xf32>, vector<1000x128xf32> -> vector<1000x128xf32>
    %get3A_36 = arith.constant 0 : index
    %get3A_37 = arith.constant 0 : index
    %get3A_38 = vector.load %arg5[%get3A_36, %get3A_37] : memref<128x128xf32, #tpu.memory_space<vmem>>, vector<128x128xf32>
    %dot_general3A_39 = arith.constant dense<0.000000e+00> : vector<1000x128xf32>
    %dot_general3A_40 = tpu.matmul %get3A_8, %get3A_38, %dot_general3A_39 {dimension_numbers = #tpu.dot_dimension_numbers<[1], [0], [0], [1], [0, 0, 1, 1], [], []>, transpose_lhs_hint = false} : vector<1000x128xf32>, vector<128x128xf32>, vector<1000x128xf32> -> vector<1000x128xf32>
    %add3A_41 = arith.addf %dot_general3A_35, %dot_general3A_40 : vector<1000x128xf32>
    %div3A_42 = vector.broadcast %max3A_10 : vector<1000x1xf32> to vector<1000x128xf32>
    %div3A_43 = arith.divf %add3A_41, %div3A_42 : vector<1000x128xf32>
    %get3A_44 = arith.constant 0 : index
    %get3A_45 = arith.constant 0 : index
    %get3A_46 = arith.constant 0 : index
    %get3A_47 = vector.load %arg1[%get3A_44, %get3A_45, %get3A_46] : memref<2x1000x128xf32, #tpu.memory_space<vmem>>, vector<1x1000x128xf32>
    %get3A_48 = vector.shape_cast %get3A_47 : vector<1x1000x128xf32> to vector<1000x128xf32>
    %get3A_49 = arith.constant 0 : index
    %get3A_50 = arith.constant 0 : index
    %get3A_51 = vector.load %arg6[%get3A_49, %get3A_50] : memref<128x128xf32, #tpu.memory_space<vmem>>, vector<128x128xf32>
    %dot_general3A_52 = arith.constant dense<0.000000e+00> : vector<1000x128xf32>
    %dot_general3A_53 = tpu.matmul %get3A_48, %get3A_51, %dot_general3A_52 {dimension_numbers = #tpu.dot_dimension_numbers<[1], [0], [0], [1], [0, 0, 1, 1], [], []>, transpose_lhs_hint = false} : vector<1000x128xf32>, vector<128x128xf32>, vector<1000x128xf32> -> vector<1000x128xf32>
    %get3A_54 = arith.constant 0 : index
    %get3A_55 = arith.constant 0 : index
    %get3A_56 = vector.load %arg7[%get3A_54, %get3A_55] : memref<128x128xf32, #tpu.memory_space<vmem>>, vector<128x128xf32>
    %dot_general3A_57 = arith.constant dense<0.000000e+00> : vector<1000x128xf32>
    %dot_general3A_58 = tpu.matmul %div3A_25, %get3A_56, %dot_general3A_57 {dimension_numbers = #tpu.dot_dimension_numbers<[1], [0], [0], [1], [0, 0, 1, 1], [], []>, transpose_lhs_hint = false} : vector<1000x128xf32>, vector<128x128xf32>, vector<1000x128xf32> -> vector<1000x128xf32>
    %add3A_59 = arith.addf %dot_general3A_53, %dot_general3A_58 : vector<1000x128xf32>
    %get3A_60 = arith.constant 0 : index
    %get3A_61 = arith.constant 0 : index
    %get3A_62 = vector.load %arg8[%get3A_60, %get3A_61] : memref<1x128xf32, #tpu.memory_space<vmem>>, vector<1x128xf32>
    %add3A_63 = vector.broadcast %get3A_62 : vector<1x128xf32> to vector<1000x128xf32>
    %add3A_64 = arith.addf %add3A_59, %add3A_63 : vector<1000x128xf32>
    %max3A_65 = arith.constant 0.000000e+00 : f32
    %max3A_66 = vector.broadcast %max3A_65 : f32 to vector<1000x128xf32>
    %max3A_67 = arith.maximumf %add3A_64, %max3A_66 : vector<1000x128xf32>
    %get3A_68 = arith.constant 1 : index
    %get3A_69 = arith.constant 0 : index
    %get3A_70 = arith.constant 0 : index
    %get3A_71 = vector.load %arg1[%get3A_68, %get3A_69, %get3A_70] : memref<2x1000x128xf32, #tpu.memory_space<vmem>>, vector<1x1000x128xf32>
    %get3A_72 = vector.shape_cast %get3A_71 : vector<1x1000x128xf32> to vector<1000x128xf32>
    %get3A_73 = arith.constant 0 : index
    %get3A_74 = arith.constant 0 : index
    %get3A_75 = vector.load %arg6[%get3A_73, %get3A_74] : memref<128x128xf32, #tpu.memory_space<vmem>>, vector<128x128xf32>
    %dot_general3A_76 = arith.constant dense<0.000000e+00> : vector<1000x128xf32>
    %dot_general3A_77 = tpu.matmul %get3A_72, %get3A_75, %dot_general3A_76 {dimension_numbers = #tpu.dot_dimension_numbers<[1], [0], [0], [1], [0, 0, 1, 1], [], []>, transpose_lhs_hint = false} : vector<1000x128xf32>, vector<128x128xf32>, vector<1000x128xf32> -> vector<1000x128xf32>
    %get3A_78 = arith.constant 0 : index
    %get3A_79 = arith.constant 0 : index
    %get3A_80 = vector.load %arg7[%get3A_78, %get3A_79] : memref<128x128xf32, #tpu.memory_space<vmem>>, vector<128x128xf32>
    %dot_general3A_81 = arith.constant dense<0.000000e+00> : vector<1000x128xf32>
    %dot_general3A_82 = tpu.matmul %div3A_43, %get3A_80, %dot_general3A_81 {dimension_numbers = #tpu.dot_dimension_numbers<[1], [0], [0], [1], [0, 0, 1, 1], [], []>, transpose_lhs_hint = false} : vector<1000x128xf32>, vector<128x128xf32>, vector<1000x128xf32> -> vector<1000x128xf32>
    %add3A_83 = arith.addf %dot_general3A_77, %dot_general3A_82 : vector<1000x128xf32>
    %get3A_84 = arith.constant 0 : index
    %get3A_85 = arith.constant 0 : index
    %get3A_86 = vector.load %arg8[%get3A_84, %get3A_85] : memref<1x128xf32, #tpu.memory_space<vmem>>, vector<1x128xf32>
    %add3A_87 = vector.broadcast %get3A_86 : vector<1x128xf32> to vector<1000x128xf32>
    %add3A_88 = arith.addf %add3A_83, %add3A_87 : vector<1000x128xf32>
    %max3A_89 = arith.constant 0.000000e+00 : f32
    %max3A_90 = vector.broadcast %max3A_89 : f32 to vector<1000x128xf32>
    %max3A_91 = arith.maximumf %add3A_88, %max3A_90 : vector<1000x128xf32>
    %max3A_92 = arith.constant 0.000000e+00 : f32
    %max3A_93 = vector.broadcast %max3A_92 : f32 to vector<1000x128xf32>
    %max3A_94 = arith.maximumf %max3A_67, %max3A_93 : vector<1000x128xf32>
    %sub3A = arith.subf %max3A_94, %max3A_67 : vector<1000x128xf32>
    %abs3A = math.absf %max3A_67 : vector<1000x128xf32>
    %neg3A = arith.constant 0.000000e+00 : f32
    %neg3A_95 = vector.broadcast %neg3A : f32 to vector<1000x128xf32>
    %neg3A_96 = arith.subf %neg3A_95, %abs3A : vector<1000x128xf32>
    %exp3A = math.exp %neg3A_96 : vector<1000x128xf32>
    %log1p3A = math.log1p %exp3A : vector<1000x128xf32>
    %add3A_97 = arith.addf %sub3A, %log1p3A : vector<1000x128xf32>
    %max3A_98 = arith.constant 0.000000e+00 : f32
    %max3A_99 = vector.broadcast %max3A_98 : f32 to vector<1000x128xf32>
    %max3A_100 = arith.maximumf %max3A_91, %max3A_99 : vector<1000x128xf32>
    %abs3A_101 = math.absf %max3A_91 : vector<1000x128xf32>
    %neg3A_102 = arith.constant 0.000000e+00 : f32
    %neg3A_103 = vector.broadcast %neg3A_102 : f32 to vector<1000x128xf32>
    %neg3A_104 = arith.subf %neg3A_103, %abs3A_101 : vector<1000x128xf32>
    %exp3A_105 = math.exp %neg3A_104 : vector<1000x128xf32>
    %log1p3A_106 = math.log1p %exp3A_105 : vector<1000x128xf32>
    %add3A_107 = arith.addf %max3A_100, %log1p3A_106 : vector<1000x128xf32>
    %reduce_sum3A = vector.shape_cast %add3A_97 : vector<1000x128xf32> to vector<1x1000x128xf32>
    %reduce_sum3A_108 = arith.constant dense<0.000000e+00> : vector<1xf32>
    %reduce_sum3A_109 = vector.multi_reduction <add>, %reduce_sum3A, %reduce_sum3A_108 [1, 2] : vector<1x1000x128xf32> to vector<1xf32>
    %reduce_sum3A_110 = vector.shape_cast %reduce_sum3A_109 : vector<1xf32> to vector<1x1x1xf32>
    %reduce_sum3A_111 = vector.extract %reduce_sum3A_110[0, 0, 0] : f32 from vector<1x1x1xf32>
    %reduce_sum3A_112 = vector.shape_cast %add3A_107 : vector<1000x128xf32> to vector<1x1000x128xf32>
    %reduce_sum3A_113 = arith.constant dense<0.000000e+00> : vector<1xf32>
    %reduce_sum3A_114 = vector.multi_reduction <add>, %reduce_sum3A_112, %reduce_sum3A_113 [1, 2] : vector<1x1000x128xf32> to vector<1xf32>
    %reduce_sum3A_115 = vector.shape_cast %reduce_sum3A_114 : vector<1xf32> to vector<1x1x1xf32>
    %reduce_sum3A_116 = vector.extract %reduce_sum3A_115[0, 0, 0] : f32 from vector<1x1x1xf32>
    %add3A_117 = arith.addf %reduce_sum3A_111, %reduce_sum3A_116 : f32
    %eq3A = arith.constant 0 : i32
    %eq3A_118 = arith.cmpi eq, %arg0, %eq3A : i32
    %convert_element_type3A = arith.extui %eq3A_118 : i1 to i32
    %cond3A = arith.constant 0 : i32
    %cond3A_119 = arith.cmpi ne, %convert_element_type3A, %cond3A : i32
    scf.if %cond3A_119 {
      %broadcast_in_dim3A_131 = arith.constant 0.000000e+00 : f32
      %broadcast_in_dim3A_132 = vector.broadcast %broadcast_in_dim3A_131 : f32 to vector<1x1xf32>
      %swap3A_133 = arith.constant 0 : index
      %swap3A_134 = arith.constant 0 : index
      %swap3A_135 = vector.load %arg9[%swap3A_133, %swap3A_134] : memref<1x1xf32, #tpu.memory_space<vmem>>, vector<1x1xf32>
      tpu.vector_store %arg9[%swap3A_133, %swap3A_134], %broadcast_in_dim3A_132 {strides = array<i32>} : memref<1x1xf32, #tpu.memory_space<vmem>>, vector<1x1xf32>,
    } else {
    }
    %get3A_120 = arith.constant 0 : index
    %get3A_121 = arith.constant 0 : index
    %get3A_122 = vector.load %arg9[%get3A_120, %get3A_121] : memref<1x1xf32, #tpu.memory_space<vmem>>, vector<1x1xf32>
    %broadcast_in_dim3A = vector.broadcast %add3A_117 : f32 to vector<1x1xf32>
    %add3A_123 = arith.addf %get3A_122, %broadcast_in_dim3A : vector<1x1xf32>
    %swap3A = arith.constant 0 : index
    %swap3A_124 = arith.constant 0 : index
    %swap3A_125 = vector.load %arg9[%swap3A, %swap3A_124] : memref<1x1xf32, #tpu.memory_space<vmem>>, vector<1x1xf32>
    tpu.vector_store %arg9[%swap3A, %swap3A_124], %add3A_123 {strides = array<i32>} : memref<1x1xf32, #tpu.memory_space<vmem>>, vector<1x1xf32>,
    %eq3A_126 = arith.constant 9 : i32
    %eq3A_127 = arith.cmpi eq, %arg0, %eq3A_126 : i32
    %convert_element_type3A_128 = arith.extui %eq3A_127 : i1 to i32
    %cond3A_129 = arith.constant 0 : i32
    %cond3A_130 = arith.cmpi ne, %convert_element_type3A_128, %cond3A_129 : i32
    scf.if %cond3A_130 {
      %get3A_131 = arith.constant 0 : index
      %get3A_132 = arith.constant 0 : index
      %get3A_133 = vector.load %arg9[%get3A_131, %get3A_132] : memref<1x1xf32, #tpu.memory_space<vmem>>, vector<1x1xf32>
      %mul3A = arith.constant 7.812500e-07 : f32
      %mul3A_134 = vector.broadcast %mul3A : f32 to vector<1x1xf32>
      %mul3A_135 = arith.mulf %get3A_133, %mul3A_134 : vector<1x1xf32>
      %swap3A_136 = arith.constant 0 : index
      %swap3A_137 = arith.constant 0 : index
      %swap3A_138 = vector.load %arg9[%swap3A_136, %swap3A_137] : memref<1x1xf32, #tpu.memory_space<vmem>>, vector<1x1xf32>
      tpu.vector_store %arg9[%swap3A_136, %swap3A_137], %mul3A_135 {strides = array<i32>} : memref<1x1xf32, #tpu.memory_space<vmem>>, vector<1x1xf32>,
    } else {
    }
    return
  }
  func.func @transform_0(%arg0: i32) -> (i32, i32, i32) {
    %c0_i32 = arith.constant 0 : i32
    %c0_i32_0 = arith.constant 0 : i32
    %c0_i32_1 = arith.constant 0 : i32
    return %c0_i32, %arg0, %c0_i32_0 : i32, i32, i32
  }
  func.func @transform_1(%arg0: i32) -> (i32, i32, i32) {
    %c0_i32 = arith.constant 0 : i32
    %c0_i32_0 = arith.constant 0 : i32
    %c0_i32_1 = arith.constant 0 : i32
    return %c0_i32, %arg0, %c0_i32_0 : i32, i32, i32
  }
  func.func @transform_2(%arg0: i32) -> (i32, i32, i32) {
    %c0_i32 = arith.constant 0 : i32
    %c0_i32_0 = arith.constant 0 : i32
    %c0_i32_1 = arith.constant 0 : i32
    return %c0_i32, %arg0, %c0_i32_0 : i32, i32, i32
  }
  func.func @transform_3(%arg0: i32) -> (i32, i32) {
    %c0_i32 = arith.constant 0 : i32
    %c0_i32_0 = arith.constant 0 : i32
    %c0_i32_1 = arith.constant 0 : i32
    return %c0_i32, %c0_i32_0 : i32, i32
  }
  func.func @transform_4(%arg0: i32) -> (i32, i32) {
    %c0_i32 = arith.constant 0 : i32
    %c0_i32_0 = arith.constant 0 : i32
    %c0_i32_1 = arith.constant 0 : i32
    return %c0_i32, %c0_i32_0 : i32, i32
  }
  func.func @transform_5(%arg0: i32) -> (i32, i32) {
    %c0_i32 = arith.constant 0 : i32
    %c0_i32_0 = arith.constant 0 : i32
    %c0_i32_1 = arith.constant 0 : i32
    return %c0_i32, %c0_i32_0 : i32, i32
  }
  func.func @transform_6(%arg0: i32) -> (i32, i32) {
    %c0_i32 = arith.constant 0 : i32
    %c0_i32_0 = arith.constant 0 : i32
    %c0_i32_1 = arith.constant 0 : i32
    return %c0_i32, %c0_i32_0 : i32, i32
  }
  func.func @transform_7(%arg0: i32) -> (i32, i32) {
    %c0_i32 = arith.constant 0 : i32
    %c0_i32_0 = arith.constant 0 : i32
    %c0_i32_1 = arith.constant 0 : i32
    return %c0_i32, %c0_i32_0 : i32, i32
  }
  func.func @transform_8(%arg0: i32) -> (i32, i32) {
    %c0_i32 = arith.constant 0 : i32
    %c0_i32_0 = arith.constant 0 : i32
    %c0_i32_1 = arith.constant 0 : i32
    return %c0_i32, %c0_i32_0 : i32, i32
  }
}

</mosaic_0001>

<sc_bundles>
// kernel: gather_offload_async_start
scs
__scs_entry_jumppad:
0x0: {  	(pc) =	sbr.rel $0x88, $3  }
0x1: {  	(tag) =	ssettag $0x0;
	lr =	simm.s32 $0x1  }
0x2: {  	[smem:$0x3F96] =	sst lr;
	_ =	strace $0xD0000000  }
0x3: {  	_ = 	snop  }
0x4: {  	_ = 	snop  }
0x5: {  	_ = 	snop  }
0x6: {  	_ = 	snop  }
0x7: {  	_ = 	snop  }
__scs_overlays_trampoline_lowered:
0x8: {  	[smem:$0x3FA5] =	sst s0  }
0x9: {  	[smem:$0x3FA6] =	sst s1  }
0xa: {  	[smem:$0x3FA7] =	sst s2  }
0xb: {  	[smem:$0x3FA8] =	sst s3  }
0xc: {  	[smem:$0x3FA9] =	sst s4  }
0xd: {  	[smem:$0x3FAA] =	sst s5  }
0xe: {  	[smem:$0x3FAB] =	sst s6  }
0xf: {  	[smem:$0x3FAC] =	sst s7  }
0x10: {  	[smem:$0x3FAD] =	sst s8  }
0x11: {  	[smem:$0x3FAE] =	sst s9;
	s0 =	simm.s32 @!p0 $0x0  }
0x12: {  	s1 =	sld [smem:$0x3F94];
	s0 =	simm.s32 @p0 $0x1  }
0x13: {  	[smem:$0x3FAF] =	sst s0;
	s0 =	simm.s32 @!p1 $0x0  }
0x14: {  	s2 =	sld [smem:$0x3F93];
	s0 =	simm.s32 @p1 $0x1  }
0x15: {  	[smem:$0x3FB0] =	sst s0;
	s0 =	simm.s32 @!p2 $0x0  }
0x16: {  	s3 =	sld [smem:$0x3FDB];
	s0 =	simm.s32 @p2 $0x1  }
0x17: {  	s4 =	simm.s32 $0x1BF5;
	[smem:$0x3FB2] =	sst s0  }
0x18: {  	s0 =	sld [smem:$0x3F95];
	_ =	swait.ge [sflag:s4], $0x0  }
0x19: {  	s7 =	sld [smem:$0x3F96]  }
0x1a: {  	s8 =	sadd.s32 $0xFFFFE003, lr  }
0x1b: {  	s9 =	sadd.s32 $0xFFFFFEF7, lr;
	s5 =	simm.s32 $0xFFFFFFFF;
	p2 =	slt.u32 s8, $0xFFFFF086  }
0x1c: {  	p1 =	slt.u32 s9, $0xF7A;
	s5 =	simm.s32 @!p2 $0x0  }
0x1d: {  	s5 =	simm.s32 @p1 $0x1;
	p0 =	seq.s32 s7, s2  }
0x1e: {  	s7 =	smul.u32 @!p0 $0xF7A, s2;
	p2 =	seq.s32 @!p0 s5, $0x0  }
0x1f: {  	s9 =	smul.u32 $0xF7A, s1;
	s8 =	simm.s32 @!p0 $0x1BF5;
	p2 =	por !p2, p0  }
0x20: {  	[sflag:s8] =	ssyncset.s32 @!p0 $0xFFFFF086;
	s6 =	sadd.s32 @!p0 s3, s7;
	s7 =	simm.s32 @!p0 $0x108  }
0x21: {  	s3 =	sadd.s32 s3, s9;
	s6 =	sadd.s32 @!p0 $0x88, s6;
	s7 =	simm.s32 @p2 $0x1082  }
0x22: {  	[simem:s7], [sflag:s8] =	dma.local @!p0 [hbm:s6], $0xF7A  }
0x23: {  	s9 =	sor.u32 $0xD0000000, s2;
	s6 =	simm.s32 $0x108;
	_ =	swait.ge @!p0 [sflag:s8], $0x0  }
0x24: {  	s3 =	sadd.s32 $0x88, s3;
	s6 =	simm.s32 @!p1 $0x1082;
	[sflag:s4] =	ssyncset.s32 $0xFFFFF086  }
0x25: {  	[simem:s6], [sflag:s4] =	dma.local [hbm:s3], $0xF7A  }
0x26: {  	[smem:$0x3F96] =	sst s1;
	(tag) =	ssettag s2;
	_ =	strace s9  }
0x27: {  	s1 =	sld [smem:$0x3FA6]  }
0x28: {  	s2 =	sld [smem:$0x3FA7]  }
0x29: {  	s4 =	sld [smem:$0x3FA9]  }
0x2a: {  	p0 =	seq.s32 s5, $0x0;
	s5 =	sld [smem:$0x3FAA]  }
0x2b: {  	s6 =	sld [smem:$0x3FAB]  }
0x2c: {  	s7 =	sld [smem:$0x3FAC]  }
0x2d: {  	s3 =	simm.s32 $0x108;
	s8 =	sld [smem:$0x3FAD]  }
0x2e: {  	s3 =	simm.s32 @!p0 $0x1082;
	s9 =	sld [smem:$0x3FAE]  }
0x2f: {  	lr =	sadd.s32 s0, s3;
	s0 =	sld [smem:$0x3FA5]  }
0x30: {  	s3 =	sld [smem:$0x3FA8]  }
0x31: {  	[smem:$0x3FB1] =	sst s10  }
0x32: {  	s10 =	sld [smem:$0x3FAF];
	_ =	sdelay $0x3  }
0x33: {  	p0 =	seq.s32 s10, $0x1;
	s10 =	sld [smem:$0x3FB1];
	_ =	sdelay $0x3  }
0x34: {  	[smem:$0x3FB1] =	sst s10  }
0x35: {  	s10 =	sld [smem:$0x3FB0];
	_ =	sdelay $0x3  }
0x36: {  	p1 =	seq.s32 s10, $0x1;
	s10 =	sld [smem:$0x3FB1];
	_ =	sdelay $0x3  }
0x37: {  	[smem:$0x3FB1] =	sst s10  }
0x38: {  	s10 =	sld [smem:$0x3FB2]  }
0x39: {  	_ = 	snop;
	(pc) =	sbr.ind lr, $3  }
0x3a: {  	_ = 	snop  }
0x3b: {  	_ = 	snop  }
0x3c: {  	p2 =	seq.s32 s10, $0x1;
	s10 =	sld [smem:$0x3FB1]  }
0x3d: {  	_ =	shalt  }
0x3e: {  	_ =	shalt  }
0x3f: {  	_ =	shalt  }
0x40: {  	_ =	shalt  }
0x41: {  	_ =	shalt  }
0x42: {  	_ =	shalt  }
0x43: {  	_ =	shalt  }
0x44: {  	_ =	shalt  }
0x45: {  	_ =	shalt  }
0x46: {  	_ =	shalt  }
0x47: {  	_ =	shalt  }
0x48: {  	_ =	shalt  }
0x49: {  	_ =	shalt  }
0x4a: {  	_ =	shalt  }
0x4b: {  	_ =	shalt  }
0x4c: {  	_ =	shalt  }
0x4d: {  	_ =	shalt  }
0x4e: {  	_ =	shalt  }
0x4f: {  	_ =	shalt  }
0x50: {  	_ =	shalt  }
0x51: {  	_ =	shalt  }
0x52: {  	_ =	shalt  }
0x53: {  	_ =	shalt  }
0x54: {  	_ =	shalt  }
0x55: {  	_ =	shalt  }
0x56: {  	_ =	shalt  }
0x57: {  	_ =	shalt  }
0x58: {  	_ =	shalt  }
0x59: {  	_ =	shalt  }
0x5a: {  	_ =	shalt  }
0x5b: {  	_ =	shalt  }
0x5c: {  	_ =	shalt  }
0x5d: {  	_ =	shalt  }
0x5e: {  	_ =	shalt  }
0x5f: {  	_ =	shalt  }
0x60: {  	_ =	shalt  }
0x61: {  	_ =	shalt  }
0x62: {  	_ =	shalt  }
0x63: {  	_ =	shalt  }
0x64: {  	_ =	shalt  }
0x65: {  	_ =	shalt  }
0x66: {  	_ =	shalt  }
0x67: {  	_ =	shalt  }
0x68: {  	_ =	shalt  }
0x69: {  	_ =	shalt  }
0x6a: {  	_ =	shalt  }
0x6b: {  	_ =	shalt  }
0x6c: {  	_ =	shalt  }
0x6d: {  	_ =	shalt  }
0x6e: {  	_ =	shalt  }
0x6f: {  	_ =	shalt  }
0x70: {  	_ =	shalt  }
0x71: {  	_ =	shalt  }
0x72: {  	_ =	shalt  }
0x73: {  	_ =	shalt  }
0x74: {  	_ =	shalt  }
0x75: {  	_ =	shalt  }
0x76: {  	_ =	shalt  }
0x77: {  	_ =	shalt  }
0x78: {  	_ =	shalt  }
0x79: {  	_ =	shalt  }
0x7a: {  	_ =	shalt  }
0x7b: {  	_ =	shalt  }
0x7c: {  	_ =	shalt  }
0x7d: {  	_ =	shalt  }
0x7e: {  	_ =	shalt  }
0x7f: {  	_ =	shalt  }
0x80: {  	_ =	shalt  }
0x81: {  	_ =	shalt  }
0x82: {  	_ =	shalt  }
0x83: {  	_ =	shalt  }
0x84: {  	_ =	shalt  }
0x85: {  	_ =	shalt  }
0x86: {  	_ =	shalt  }
0x87: {  	_ =	shalt  }
.Lfunc_end0:
.L_simem_size_0:
called_computation_lowered:
.L_overlay_start_0:
0x88: {  	s2 =	sld [smem:$0x3FD9]  }
0x89: {  	s3 =	sld [smem:$0x3FFE];
	_ =	sdelay $0x1  }
0x8a: {  	s1 =	srdreg.scid  }
0x8b: {  	s0 =	sand.u32 $0x1, s1  }
0x8c: {  	s16 =	sshll.u32 s0, $0xA;
	s2 =	sadd.s32 s3, s2  }
0x8d: {  	s2 =	sadd.s32 s2, s16  }
0x8e: {  	[smem:$0x3FBD] =	sst s2  }
0x8f: {  	_ = 	snop  }
0x90: {  	(tm) =	ssettm $0x1  }
0x91: {  	s17 =	sld [smem:$0x3FFB];
	_ =	sdelay $0x3  }
0x92: {  	_ =	strace s17  }
0x93: {  	s2 =	sld [smem:$0x3FFC];
	_ =	sdelay $0x3  }
0x94: {  	_ =	strace s2  }
0x95: {  	s2 =	sld [smem:$0x3FFD];
	_ =	sdelay $0x3  }
0x96: {  	_ =	strace s2  }
0x97: {  	_ =	strace $0x8FFFFFFF  }
0x98: {  	s18 =	sld [smem:$0x3FDB];
	_ =	sdelay $0x1  }
0x99: {  	s19 =	simm.s32 $_scs_section_size  }
0x9a: {  	s4 =	simm.s32 $_size__tile_overlayer_lowered;
	s5 =	simm.s32 $_tile_overlayer_lowered  }
0x9b: {  	s22 =	simm.s32 $0x1BFF;
	s21 =	sshll.u32 s5, $0x1;
	s2 =	sadd.s32 s19, s18  }
0x9c: {  	s6 =	simm.s32 $0x0;
	s20 =	sshll.u32 s4, $0x1;
	s4 =	sadd.s32 s21, s2  }
0x9d: {  	[timem:s6], [sflag:s22] =	dma.local [hbm:s4], s20  }
0x9e: {  	_ =	swait.ge [sflag:s22], s20  }
0x9f: {  	s3 =	ssub.s32 $0x0, s20;
	[sflag:s22] =	ssyncset.done $0x0  }
0xa0: {  	[sflag:s22] =	ssyncadd.s32 s3;
	_ =	sdelay $0x1  }
0xa1: {  	s23 =	simm.s32 $0x1B8B  }
0xa2: {  	_ =	swait.ge [sflag:s23], $0x1  }
0xa3: {  	[sflag:s23] =	ssyncset.done $0x0  }
0xa4: {  	s25 =	simm.s32 $0x1B8E;
	s24 =	sld [smem:$0x3FFE];
	[sflag:s23] =	ssyncadd.s32 $0xFFFFFFFF  }
0xa5: {  	s26 =	simm.s32 $execute0_lowered;
	[smem:$0x3FD2] =	sst s25  }
0xa6: {  	s4 =	sshll.u32 s26, $0x1;
	_ =	strace $0x80000046;
	[dreg:$0x1] =	wrdreg $0xFFFFFFFF  }
0xa7: {  	s28 =	simm.s32 $_size_execute0_lowered;
	s2 =	sadd.s32 s2, s4;
	[dreg:$0x0] =	wrdreg $0x0  }
0xa8: {  	s4 =	sshll.u32 s28, $0x1;
	[dreg:$0x2] =	wrdreg s2  }
0xa9: {  	[dreg:$0x3] =	wrdreg s4  }
0xaa: {  	[dreg:$0x4] =	wrdreg $0xC0  }
0xab: {  	_ =	task [dreg:s6], $0x5FFFF  }
0xac: {  	[dreg:$0x1] =	wrdreg $0xFFFFFFFF  }
0xad: {  	[dreg:$0x0] =	wrdreg $0x60  }
0xae: {  	[dreg:$0x2] =	wrdreg s24  }
0xaf: {  	[dreg:$0x3] =	wrdreg $0xA  }
0xb0: {  	_ =	task.clear_ibuf [dreg:s6], $0x4FFFF;
	_ =	strace $0x90000046  }
0xb1: {  	s29 =	simm.s32 $0xA;
	_ =	strace $0x80000048  }
0xb2: {  	_ =	swait.ge [sflag:s29], $0x1  }
0xb3: {  	[sflag:s29] =	ssyncadd.s32 $0xFFFFFFFF  }
0xb4: {  	_ =	strace $0x90000048  }
0xb5: {  	_ =	sfence  }
0xb6: {  	s30 =	sld [smem:$0x0];
	_ =	sdelay $0x2  }
0xb7: {  	s31 =	sshll.u32 s1, $0xD;
	s1 =	sshrl.u32 s1, $0x2  }
0xb8: {  	s3 =	sand.u32 $0x4000, s31;
	s1 =	sadd.s32 s1, s30  }
0xb9: {  	s0 =	sor.u32 s3, s0;
	s1 =	sshll.u32 s1, $0x11  }
0xba: {  	s0 =	sor.u32 s1, s0  }
0xbb: {  	s0 =	sadd.s32 $0x8F2B, s0  }
0xbc: {  	[sflag:s0] =	ssyncadd.remote.s32 $0x1  }
0xbd: {  	_ =	sfence.sel $0xFFFF  }
0xbe: {  	[dreg:$0x0] =	wrdreg $0xFFFFFFFF;
	(pc) =	sbr.abs _section_cstart, $3  }
0xbf: {  	[dreg:$0x1] =	wrdreg $0xFFFFFFFF  }
0xc0: {  	_ =	task.clear_ibuf [dreg:s6], $0x2FFFF;
	_ =	strace $0x9FFFFFFF  }
0xc1: {  	(tm) =	ssettm $0x7FFFFFFF  }
tec
execute0_lowered:
.L_overlay_start_1:
0x0: {  	(tag) =	ssettag $0x1  }
0x1: {  	s8 =	rddreg [dreg:$0x0]  }
0x2: {  	s0 =	rddreg [dreg:$0x1];
	_ =	strace $0x80000047;
	s1 =	stileid.u32  }
0x3: {  	s3 =	srdreg.scid;
	s4 =	simm.s32 $0x1;
	s7 =	simm.s32 $0x1  }
0x4: {  	s9 =	simm.s32 $0x1;
	s10 =	simm.s32 $0x3;
	s13 =	simm.s32 $0x0  }
0x5: {  	s12 =	simm.s32 $0x0;
	s5 =	sand.u32 $0x1, s3;
	s6 =	sshll.u32 s1, $0x1  }
0x6: {  	s2 =	sadd.s32 $0x15400, s8;
	s3 =	sadd.s32 $0xB600, s8;
	s5 =	sor.u32 s6, s5  }
.Ltmp0:
0x7: {  	[sflag:s4] =	ssyncpa.u1 $0x0;
	p0 =	slt.u32 s5, $0x9;
	(pc) =	sbr.rel .LBB2_1-.Ltmp0, $4  }
0x8: {  	s6 =	simm.s32 $0x2;
	s7 =	simm.s32 @!p0 $0x0;
	p0 =	sne.s32 s5, $0x8  }
0x9: {  	[sflag:s6] =	ssyncpa.u1 $0x0;
	s5 =	smul.u32 $0x1F40, s5;
	s9 =	simm.s32 @!p0 $0x0  }
0xa: {  	s8 =	sadd.s32 $0x29000, s8;
	[sflag:s10] =	ssyncpa.u1 $0x0;
	s7 =	sadd.s32 s9, s7  }
0xb: {  	vm0 =	vmmov $0xffff;
	s10 =	simm.s32 $0x0;
	s11 =	smov.u32 s5;
	s9 =	sadd.s32 $0x1, s7  }
.LBB2_4:
0xc: {  	v2 =	vnsel vm1, $0x0, v2  }
0xd: {  	vm1 =	vgt.s32 v0, $0x0;
	v2 =	vmin.u32 v2, $0x4E1FF  }
0xe: {  	v0 =	vnsel vm1, $0x0, v0  }
0xf: {  	v0 =	vmin.u32 v0, $0x4E1FF  }
0x10: {  	[tilespmem:s18], [sflag:$0x1] =	stream.indirect_vreg.gather [hbm4b:s2+s10], $0x1, v1, vm0, $0x4038;
	[tilespmem:$0x7D00] =	vst v63  }
0x11: {  	(ifvalue) =	ssetifvalue $0x7FFFFFFF  }
0x12: {  	[tilespmem:s15], [sflag:$0x1] =	stream.indirect_vreg.gather [hbm4b:s2+s10], $0x1, v2, vm0, $0x4038;
	[tilespmem:$0x7D00] =	vst v63  }
0x13: {  	s29 =	sadd.s32 $0x10, s15;
	(ifvalue) =	ssetifvalue $0x7FFFFFFF  }
0x14: {  	[tilespmem:s29], [sflag:$0x1] =	stream.indirect_vreg.gather [hbm4b:s2+s10], $0x1, v0, vm0, $0x4038;
	[tilespmem:$0x7D00] =	vst v63  }
0x15: {  	_ =	swait.ge [sflag:s4], $0x1F40  }
0x16: {  	s30 =	sshrl.u32 s13, $0x3;
	[sflag:s4] =	ssyncset.done $0x0  }
0x17: {  	s31 =	sand.u32 $0x7, s13;
	s15 =	sadd.s32 s8, s30;
	[sflag:s4] =	ssyncadd.s32 $0xFFFFE0C0  }
0x18: {  	[hbm4b:s15+s31] =	stream.linear.scatter [tilespmem:s14], [sflag:$0x3], $0x1F40, $0x38;
	[tilespmem:$0x7D00] =	vst v63  }
.LBB2_5:
0x19: {  	s15 =	sadd.s32 $0x3E800, s11  }
0x1a: {  	p1 =	sgt.s32 s15, $0x4E1FF  }
0x1b: {  	s15 =	smov.u32 @p1 s5;
	p1 =	sne.s32 s12, s9  }
.Ltmp1:
0x1c: {  	p0 =	slt.u32 s12, $0x2;
	(pc) =	sbr.rel @!p1 .LBB2_6-.Ltmp1, $4  }
0x1d: {  	s14 =	simm.s32 @!p0 $0x3  }
0x1e: {  	_ =	swait.ge @!p0 [sflag:s14], $0x1F40  }
0x1f: {  	s16 =	sadd.s32 $0x1, s12;
	s13 =	smov.u32 s11;
	[sflag:s14] =	ssyncset.done @!p0 $0x0  }
0x20: {  	s12 =	smov.u32 s16;
	s11 =	smov.u32 s15;
	[sflag:s14] =	ssyncadd.s32 @!p0 $0xFFFFE0C0  }
.LBB2_1:
0x21: {  	p0 =	sge.u32 s12, s7  }
0x22: {  	s14 =	sxor.u32 @!p0 $0x1, s12  }
0x23: {  	s14 =	smul.u32 @!p0 $0x7D00, s14  }
0x24: {  	s31 =	sadd.s32 $0xFFFFFFFF, s12;
	s15 =	sshrl.u32 @!p0 s11, $0x3  }
0x25: {  	s16 =	sand.u32 @!p0 $0x7, s11;
	s15 =	sadd.s32 @!p0 s3, s15;
	s14 =	sshra.s32 @!p0 s14, $0x2  }
0x26: {  	[tilespmem:s14], [sflag:$0x2] =	stream.linear.gather @!p0 [hbm4b:s15+s16], $0x1F40, $0x38;
	[tilespmem:$0x7D00] =	vst v63  }
0x27: {  	p0 =	sge.u32 s31, s7  }
.Ltmp2:
0x28: {  	_ = 	snop;
	(pc) =	sbr.rel @p0 .LBB2_5-.Ltmp2, $1  }
0x29: {  	_ =	sdelay $0x3  }
0x2a: {  	s14 =	sand.u32 $0x1, s12  }
0x2b: {  	_ =	swait.ge [sflag:s6], $0x1F40;
	p0 =	seq.s32 s14, $0x1;
	s14 =	simm.s32 $0x1F40  }
0x2c: {  	[sflag:s6] =	ssyncset.done $0x0;
	s14 =	simm.s32 @!p0 $0x0  }
0x2d: {  	[sflag:s6] =	ssyncadd.s32 $0xFFFFE0C0;
	(ifvalue) =	ssetifvalue $0x7FFFFFFF;
	v0 =	vld.msk [tilespmem:s14+$0x0 ss:$0x1], $0xffff;
	_ =	sdelay $0x4  }
0x2e: {  	s15 =	sadd.s32 $0x10, s14;
	vm1 =	vgt.s32 v0, $0x0  }
0x2f: {  	v2 =	vld.msk [tilespmem:s15+$0x0 ss:$0x1], $0xffff;
	v1 =	vnsel vm1, $0x0, v0  }
0x30: {  	v1 =	vmin.u32 v1, $0x4E1FF;
	_ =	sdelay $0x2  }
0x31: {  	s17 =	simm.s32 $0x20;
	s14 =	sadd.s32 $0x3E80, s14;
	s16 =	sadd.s32 $0x10, s15  }
0x32: {  	s15 =	sadd.s32 $0x10, s14;
	s18 =	smov.u32 s14;
	v0 =	vld.msk [tilespmem:s16+$0x0 ss:$0x1], $0xffff;
	vm1 =	vgt.s32 v2, $0x0;
	(ifvalue) =	ssetifvalue $0x7FFFFFFF  }
.LBB2_3:
0x33: {  	[tilespmem:s18], [sflag:$0x1] =	stream.indirect_vreg.gather [hbm4b:s2+s10], $0x1, v1, vm0, $0x4038;
	[tilespmem:$0x7D00] =	vst v63  }
0x34: {  	s17 =	sadd.s32 $0x10, s17  }
0x35: {  	v2 =	vnsel vm1, $0x0, v2;
	p0 =	slt.u32 s17, $0x1F30  }
.Ltmp3:
0x36: {  	s18 =	smov.u32 s15;
	v1 =	vmin.u32 v2, $0x4E1FF;
	(pc) =	sbr.rel @p0 .LBB2_3-.Ltmp3, $3  }
0x37: {  	_ =	sdelay $0x1  }
0x38: {  	s16 =	sadd.s32 $0x10, s16  }
0x39: {  	vm1 =	vgt.s32 v0, $0x0;
	s15 =	sadd.s32 $0x10, s15;
	v2 =	vmov v0;
	(ifvalue) =	ssetifvalue $0x7FFFFFFF;
	v0 =	vld.msk [tilespmem:s16+$0x0 ss:$0x1], $0xffff  }
.Ltmp4:
0x3a: {  	_ = 	snop;
	(pc) =	sbr.rel .LBB2_4-.Ltmp4, $1  }
0x3b: {  	_ =	sdelay $0x3  }
.LBB2_6:
0x3c: {  	_ =	sfence.sel $0x180000  }
0x3d: {  	s2 =	simm.s32 $0x2;
	[bflag:$0x0] =	sbarrier.arrive $0xFFFF  }
0x3e: {  	s30 =	simm.s32 $0x3;
	[sflag:s2] =	ssyncpa.u1 $0x1  }
0x3f: {  	s31 =	simm.s32 $0x1;
	[sflag:s30] =	ssyncpa.u1 $0x1  }
0x40: {  	[sflag:s31] =	ssyncpa.u1 $0x1  }
0x41: {  	p0 =	sne.s32 s1, $0x0;
	_ =	strace $0x90000047  }
0x42: {  	s0 =	sadd.s32 @!p0 $0x100000, s0;
	[bflag:$0x2] =	sbarrier.arrive $0xFFFF  }
0x43: {  	[sflag:s0] =	ssyncadd.tile.s32 @!p0 $0x1;
	_ =	shalt  }
.Lfunc_end2:
_tile_overlayer_lowered:
.L_overlay_start_2:
0x44: {  	(tag) =	ssettag $0x2  }
0x45: {  	s0 =	rddreg [dreg:$0x0];
	s2 =	stileid.u32  }
0x46: {  	s1 =	rddreg [dreg:$0x1];
	p0 =	sne.s32 s2, $0x0  }
0x47: {  	s3 =	rddreg [dreg:$0x2];
	[bflag:$0x3] =	sbarrier.arrive $0xFFFF;
	s2 =	simm.s32 @!p0 $0x1C01  }
0x48: {  	[timem:s3], [sflag:s2] =	dma.local @!p0 [hbm:s0], s1  }
0x49: {  	s0 =	simm.s32 @!p0 $0x1  }
0x4a: {  	_ =	swait.ge @!p0 [sflag:s0], s1  }
0x4b: {  	s1 =	ssub.s32 @!p0 $0x0, s1;
	[sflag:s0] =	ssyncset.done @!p0 $0x0  }
0x4c: {  	[sflag:s0] =	ssyncadd.s32 @!p0 s1  }
0x4d: {  	[bflag:$0x3] =	sbarrier.arrive $0xFFFF  }
0x4e: {  	_ =	shalt  }

// kernel: kernel.10.cloned.1.call-start
scs
__scs_entry_jumppad:
0x0: {  	(pc) =	sbr.rel $0x88, $3  }
0x1: {  	(tag) =	ssettag $0x0;
	lr =	simm.s32 $0x1  }
0x2: {  	[smem:$0x3F96] =	sst lr;
	_ =	strace $0xD0000000  }
0x3: {  	_ = 	snop  }
0x4: {  	_ = 	snop  }
0x5: {  	_ = 	snop  }
0x6: {  	_ = 	snop  }
0x7: {  	_ = 	snop  }
__scs_overlays_trampoline_lowered:
0x8: {  	[smem:$0x3FA5] =	sst s0  }
0x9: {  	[smem:$0x3FA6] =	sst s1  }
0xa: {  	[smem:$0x3FA7] =	sst s2  }
0xb: {  	[smem:$0x3FA8] =	sst s3  }
0xc: {  	[smem:$0x3FA9] =	sst s4  }
0xd: {  	[smem:$0x3FAA] =	sst s5  }
0xe: {  	[smem:$0x3FAB] =	sst s6  }
0xf: {  	[smem:$0x3FAC] =	sst s7  }
0x10: {  	[smem:$0x3FAD] =	sst s8  }
0x11: {  	[smem:$0x3FAE] =	sst s9;
	s0 =	simm.s32 @!p0 $0x0  }
0x12: {  	s1 =	sld [smem:$0x3F94];
	s0 =	simm.s32 @p0 $0x1  }
0x13: {  	[smem:$0x3FAF] =	sst s0;
	s0 =	simm.s32 @!p1 $0x0  }
0x14: {  	s2 =	sld [smem:$0x3F93];
	s0 =	simm.s32 @p1 $0x1  }
0x15: {  	[smem:$0x3FB0] =	sst s0;
	s0 =	simm.s32 @!p2 $0x0  }
0x16: {  	s3 =	sld [smem:$0x3FDB];
	s0 =	simm.s32 @p2 $0x1  }
0x17: {  	s4 =	simm.s32 $0x1BF5;
	[smem:$0x3FB2] =	sst s0  }
0x18: {  	s0 =	sld [smem:$0x3F95];
	_ =	swait.ge [sflag:s4], $0x0  }
0x19: {  	s7 =	sld [smem:$0x3F96]  }
0x1a: {  	s8 =	sadd.s32 $0xFFFFE003, lr  }
0x1b: {  	s9 =	sadd.s32 $0xFFFFFEF7, lr;
	s5 =	simm.s32 $0xFFFFFFFF;
	p2 =	slt.u32 s8, $0xFFFFF086  }
0x1c: {  	p1 =	slt.u32 s9, $0xF7A;
	s5 =	simm.s32 @!p2 $0x0  }
0x1d: {  	s5 =	simm.s32 @p1 $0x1;
	p0 =	seq.s32 s7, s2  }
0x1e: {  	s7 =	smul.u32 @!p0 $0xF7A, s2;
	p2 =	seq.s32 @!p0 s5, $0x0  }
0x1f: {  	s9 =	smul.u32 $0xF7A, s1;
	s8 =	simm.s32 @!p0 $0x1BF5;
	p2 =	por !p2, p0  }
0x20: {  	[sflag:s8] =	ssyncset.s32 @!p0 $0xFFFFF086;
	s6 =	sadd.s32 @!p0 s3, s7;
	s7 =	simm.s32 @!p0 $0x108  }
0x21: {  	s3 =	sadd.s32 s3, s9;
	s6 =	sadd.s32 @!p0 $0x88, s6;
	s7 =	simm.s32 @p2 $0x1082  }
0x22: {  	[simem:s7], [sflag:s8] =	dma.local @!p0 [hbm:s6], $0xF7A  }
0x23: {  	s9 =	sor.u32 $0xD0000000, s2;
	s6 =	simm.s32 $0x108;
	_ =	swait.ge @!p0 [sflag:s8], $0x0  }
0x24: {  	s3 =	sadd.s32 $0x88, s3;
	s6 =	simm.s32 @!p1 $0x1082;
	[sflag:s4] =	ssyncset.s32 $0xFFFFF086  }
0x25: {  	[simem:s6], [sflag:s4] =	dma.local [hbm:s3], $0xF7A  }
0x26: {  	[smem:$0x3F96] =	sst s1;
	(tag) =	ssettag s2;
	_ =	strace s9  }
0x27: {  	s1 =	sld [smem:$0x3FA6]  }
0x28: {  	s2 =	sld [smem:$0x3FA7]  }
0x29: {  	s4 =	sld [smem:$0x3FA9]  }
0x2a: {  	p0 =	seq.s32 s5, $0x0;
	s5 =	sld [smem:$0x3FAA]  }
0x2b: {  	s6 =	sld [smem:$0x3FAB]  }
0x2c: {  	s7 =	sld [smem:$0x3FAC]  }
0x2d: {  	s3 =	simm.s32 $0x108;
	s8 =	sld [smem:$0x3FAD]  }
0x2e: {  	s3 =	simm.s32 @!p0 $0x1082;
	s9 =	sld [smem:$0x3FAE]  }
0x2f: {  	lr =	sadd.s32 s0, s3;
	s0 =	sld [smem:$0x3FA5]  }
0x30: {  	s3 =	sld [smem:$0x3FA8]  }
0x31: {  	[smem:$0x3FB1] =	sst s10  }
0x32: {  	s10 =	sld [smem:$0x3FAF];
	_ =	sdelay $0x3  }
0x33: {  	p0 =	seq.s32 s10, $0x1;
	s10 =	sld [smem:$0x3FB1];
	_ =	sdelay $0x3  }
0x34: {  	[smem:$0x3FB1] =	sst s10  }
0x35: {  	s10 =	sld [smem:$0x3FB0];
	_ =	sdelay $0x3  }
0x36: {  	p1 =	seq.s32 s10, $0x1;
	s10 =	sld [smem:$0x3FB1];
	_ =	sdelay $0x3  }
0x37: {  	[smem:$0x3FB1] =	sst s10  }
0x38: {  	s10 =	sld [smem:$0x3FB2]  }
0x39: {  	_ = 	snop;
	(pc) =	sbr.ind lr, $3  }
0x3a: {  	_ = 	snop  }
0x3b: {  	_ = 	snop  }
0x3c: {  	p2 =	seq.s32 s10, $0x1;
	s10 =	sld [smem:$0x3FB1]  }
0x3d: {  	_ =	shalt  }
0x3e: {  	_ =	shalt  }
0x3f: {  	_ =	shalt  }
0x40: {  	_ =	shalt  }
0x41: {  	_ =	shalt  }
0x42: {  	_ =	shalt  }
0x43: {  	_ =	shalt  }
0x44: {  	_ =	shalt  }
0x45: {  	_ =	shalt  }
0x46: {  	_ =	shalt  }
0x47: {  	_ =	shalt  }
0x48: {  	_ =	shalt  }
0x49: {  	_ =	shalt  }
0x4a: {  	_ =	shalt  }
0x4b: {  	_ =	shalt  }
0x4c: {  	_ =	shalt  }
0x4d: {  	_ =	shalt  }
0x4e: {  	_ =	shalt  }
0x4f: {  	_ =	shalt  }
0x50: {  	_ =	shalt  }
0x51: {  	_ =	shalt  }
0x52: {  	_ =	shalt  }
0x53: {  	_ =	shalt  }
0x54: {  	_ =	shalt  }
0x55: {  	_ =	shalt  }
0x56: {  	_ =	shalt  }
0x57: {  	_ =	shalt  }
0x58: {  	_ =	shalt  }
0x59: {  	_ =	shalt  }
0x5a: {  	_ =	shalt  }
0x5b: {  	_ =	shalt  }
0x5c: {  	_ =	shalt  }
0x5d: {  	_ =	shalt  }
0x5e: {  	_ =	shalt  }
0x5f: {  	_ =	shalt  }
0x60: {  	_ =	shalt  }
0x61: {  	_ =	shalt  }
0x62: {  	_ =	shalt  }
0x63: {  	_ =	shalt  }
0x64: {  	_ =	shalt  }
0x65: {  	_ =	shalt  }
0x66: {  	_ =	shalt  }
0x67: {  	_ =	shalt  }
0x68: {  	_ =	shalt  }
0x69: {  	_ =	shalt  }
0x6a: {  	_ =	shalt  }
0x6b: {  	_ =	shalt  }
0x6c: {  	_ =	shalt  }
0x6d: {  	_ =	shalt  }
0x6e: {  	_ =	shalt  }
0x6f: {  	_ =	shalt  }
0x70: {  	_ =	shalt  }
0x71: {  	_ =	shalt  }
0x72: {  	_ =	shalt  }
0x73: {  	_ =	shalt  }
0x74: {  	_ =	shalt  }
0x75: {  	_ =	shalt  }
0x76: {  	_ =	shalt  }
0x77: {  	_ =	shalt  }
0x78: {  	_ =	shalt  }
0x79: {  	_ =	shalt  }
0x7a: {  	_ =	shalt  }
0x7b: {  	_ =	shalt  }
0x7c: {  	_ =	shalt  }
0x7d: {  	_ =	shalt  }
0x7e: {  	_ =	shalt  }
0x7f: {  	_ =	shalt  }
0x80: {  	_ =	shalt  }
0x81: {  	_ =	shalt  }
0x82: {  	_ =	shalt  }
0x83: {  	_ =	shalt  }
0x84: {  	_ =	shalt  }
0x85: {  	_ =	shalt  }
0x86: {  	_ =	shalt  }
0x87: {  	_ =	shalt  }
.Lfunc_end0:
.L_simem_size_0:
called_computation.2_lowered:
.L_overlay_start_0:
0x88: {  	s2 =	sld [smem:$0x3FD9]  }
0x89: {  	s3 =	sld [smem:$0x3FFE];
	_ =	sdelay $0x1  }
0x8a: {  	s1 =	srdreg.scid  }
0x8b: {  	s0 =	sand.u32 $0x1, s1  }
0x8c: {  	s17 =	sshll.u32 s0, $0xA;
	s2 =	sadd.s32 s3, s2  }
0x8d: {  	s2 =	sadd.s32 s2, s17  }
0x8e: {  	[smem:$0x3FBD] =	sst s2  }
0x8f: {  	_ = 	snop  }
0x90: {  	(tm) =	ssettm $0x1  }
0x91: {  	s18 =	sld [smem:$0x3FFB];
	_ =	sdelay $0x3  }
0x92: {  	_ =	strace s18  }
0x93: {  	s2 =	sld [smem:$0x3FFC];
	_ =	sdelay $0x3  }
0x94: {  	_ =	strace s2  }
0x95: {  	s2 =	sld [smem:$0x3FFD];
	_ =	sdelay $0x3  }
0x96: {  	_ =	strace s2  }
0x97: {  	_ =	strace $0x8FFFFFFF  }
0x98: {  	s19 =	sld [smem:$0x3FDB];
	_ =	sdelay $0x1  }
0x99: {  	s20 =	simm.s32 $_scs_section_size  }
0x9a: {  	s4 =	simm.s32 $_size__tile_overlayer_lowered;
	s5 =	simm.s32 $_tile_overlayer_lowered  }
0x9b: {  	s6 =	simm.s32 $0x1BFF;
	s21 =	sshll.u32 s5, $0x1;
	s3 =	sadd.s32 s20, s19  }
0x9c: {  	s22 =	simm.s32 $0x0;
	s4 =	sshll.u32 s4, $0x1;
	s5 =	sadd.s32 s21, s3  }
0x9d: {  	[timem:s22], [sflag:s6] =	dma.local [hbm:s5], s4  }
0x9e: {  	_ =	swait.ge [sflag:s6], s4  }
0x9f: {  	s4 =	ssub.s32 $0x0, s4;
	[sflag:s6] =	ssyncset.done $0x0  }
0xa0: {  	[sflag:s6] =	ssyncadd.s32 s4;
	_ =	sdelay $0x1  }
0xa1: {  	s23 =	simm.s32 $0x1B8B  }
0xa2: {  	_ =	swait.ge [sflag:s23], $0x1  }
0xa3: {  	[sflag:s23] =	ssyncset.done $0x0  }
0xa4: {  	[sflag:s23] =	ssyncadd.s32 $0xFFFFFFFF  }
0xa5: {  	s4 =	sld [smem:$0x0]  }
0xa6: {  	s5 =	sand.u32 $0xFFFFFFFE, s1  }
0xa7: {  	p0 =	sne.s32 s1, s5  }
0xa8: {  	s5 =	sshll.u32 @p0 s5, $0xE  }
0xa9: {  	s5 =	sadd.s32 @p0 $0x11B8D, s5;
	s6 =	sshll.u32 @p0 s4, $0x11  }
0xaa: {  	s5 =	sor.u32 @p0 s6, s5  }
0xab: {  	[sflag:s5] =	ssyncadd.remote.s32 @p0 $0x1;
	_ =	sdelay $0x1  }
0xac: {  	s5 =	simm.s32 @p0 $0x1B8D  }
0xad: {  	_ =	swait.eq @p0 [sflag:s5], $0x1  }
0xae: {  	[sflag:s5] =	ssyncadd.s32 @p0 $0xFFFFFFFF  }
0xaf: {  	s6 =	sshll.u32 @!p0 s1, $0xE  }
0xb0: {  	s6 =	sor.u32 @!p0 $0x4000, s6;
	s5 =	simm.s32 @!p0 $0x1B8D  }
0xb1: {  	s4 =	sshll.u32 @!p0 s4, $0x11;
	s6 =	sadd.s32 @!p0 $0x11B8D, s6;
	_ =	swait.eq @!p0 [sflag:s5], $0x1  }
0xb2: {  	s4 =	sor.u32 @!p0 s4, s6;
	[sflag:s5] =	ssyncadd.s32 @!p0 $0xFFFFFFFF  }
0xb3: {  	s25 =	simm.s32 $0x1B8E;
	s24 =	sld [smem:$0x3FFE];
	[sflag:s4] =	ssyncadd.remote.s32 @!p0 $0x1  }
0xb4: {  	s26 =	simm.s32 $execute0_lowered;
	[smem:$0x3FD2] =	sst s25  }
0xb5: {  	s5 =	sshll.u32 s26, $0x1;
	_ =	strace $0x8000004C;
	[dreg:$0x1] =	wrdreg $0xFFFFFFFF  }
0xb6: {  	s28 =	simm.s32 $_size_execute0_lowered;
	s3 =	sadd.s32 s3, s5;
	[dreg:$0x0] =	wrdreg $0x0  }
0xb7: {  	s5 =	sshll.u32 s28, $0x1;
	[dreg:$0x2] =	wrdreg s3  }
0xb8: {  	[dreg:$0x3] =	wrdreg s5  }
0xb9: {  	[dreg:$0x4] =	wrdreg $0xC0  }
0xba: {  	_ =	task [dreg:s22], $0x5FFFF  }
0xbb: {  	[dreg:$0x1] =	wrdreg $0xFFFFFFFF  }
0xbc: {  	[dreg:$0x0] =	wrdreg $0x60  }
0xbd: {  	[dreg:$0x2] =	wrdreg s24  }
0xbe: {  	[dreg:$0x3] =	wrdreg $0x83000  }
0xbf: {  	[dreg:$0x4] =	wrdreg $0xA  }
0xc0: {  	_ =	task.clear_ibuf [dreg:s22], $0x5FFFF;
	_ =	strace $0x9000004C  }
0xc1: {  	s29 =	simm.s32 $0xA;
	_ =	strace $0x8000004E  }
0xc2: {  	_ =	swait.ge [sflag:s29], $0x1  }
0xc3: {  	[sflag:s29] =	ssyncadd.s32 $0xFFFFFFFF  }
0xc4: {  	_ =	strace $0x9000004E  }
0xc5: {  	_ =	sfence  }
0xc6: {  	s30 =	sld [smem:$0x0];
	_ =	sdelay $0x2  }
0xc7: {  	s31 =	sshll.u32 s1, $0xD;
	s1 =	sshrl.u32 s1, $0x2  }
0xc8: {  	s4 =	sand.u32 $0x4000, s31;
	s1 =	sadd.s32 s1, s30  }
0xc9: {  	s0 =	sor.u32 s4, s0;
	s1 =	sshll.u32 s1, $0x11  }
0xca: {  	s0 =	sor.u32 s1, s0  }
0xcb: {  	s0 =	sadd.s32 $0x8F2B, s0  }
0xcc: {  	[sflag:s0] =	ssyncadd.remote.s32 $0x1  }
0xcd: {  	_ =	sfence.sel $0xFFFF  }
0xce: {  	[dreg:$0x0] =	wrdreg $0xFFFFFFFF;
	(pc) =	sbr.abs _section_cstart, $3  }
0xcf: {  	[dreg:$0x1] =	wrdreg $0xFFFFFFFF  }
0xd0: {  	_ =	task.clear_ibuf [dreg:s22], $0x2FFFF;
	_ =	strace $0x9FFFFFFF  }
0xd1: {  	(tm) =	ssettm $0x7FFFFFFF  }
tec
execute0_lowered:
.L_overlay_start_1:
0x0: {  	(tag) =	ssettag $0x1  }
0x1: {  	s0 =	rddreg [dreg:$0x0];
	s18 =	stileid.u32  }
0x2: {  	s1 =	rddreg [dreg:$0x1];
	s5 =	smul.u32 $0x4E20, s18  }
0x3: {  	s2 =	simm.s32 $0x0;
	s3 =	srdreg.scid;
	s8 =	smul.u32 $0x9C40, s18  }
0x4: {  	s28 =	simm.s32 $0x5B00;
	s3 =	sand.u32 $0x1, s3;
	s11 =	smul.u32 $0x500, s18  }
0x5: {  	s29 =	simm.s32 $0x5;
	s10 =	sor.u32 $0x10, s18;
	s6 =	smul.u32 $0x27100, s3  }
0x6: {  	s31 =	simm.s32 $0x1;
	s14 =	sor.u32 $0x40, s18;
	s12 =	smul.u32 $0x500, s10  }
0x7: {  	s30 =	simm.s32 $0x50;
	s17 =	sor.u32 $0x50, s18;
	s16 =	smul.u32 $0x500, s14  }
0x8: {  	[smem:$0x7FF] =	sst s2;
	s22 =	sor.u32 $0x60, s18;
	s24 =	smul.u32 $0x500, s17  }
0x9: {  	s23 =	sor.u32 $0x70, s18;
	s7 =	ssub.s32 $0x2, s3;
	s26 =	smul.u32 $0x500, s22  }
0xa: {  	p0 =	seq.s32 s3, $0x0;
	s3 =	sor.u32 $0x30, s18;
	s21 =	smul.u32 $0x500, s23  }
0xb: {  	s4 =	sadd.s32 $0x563000, s0;
	_ =	strace $0x8000004D;
	s15 =	smul.u32 $0x500, s3  }
0xc: {  	s9 =	sshrl.u32 s7, $0x1;
	s8 =	sadd.s32 s4, s8;
	s3 =	smul.u32 $0xA000, s3  }
0xd: {  	s6 =	sadd.s32 s6, s0;
	s7 =	ssub.s32 s7, s9;
	s9 =	sor.u32 $0x20, s18  }
0xe: {  	[dreg:$0xb] =	wrdreg s8;
	s8 =	simm.s32 $0x3300;
	s13 =	smul.u32 $0x500, s9  }
0xf: {  	s6 =	sadd.s32 $0x81000, s6;
	s7 =	smax.u32 s7, $0x1;
	s9 =	smul.u32 $0xA000, s9  }
0x10: {  	s3 =	sshrl.u32 s3, $0x2;
	s11 =	sadd.s32 s6, s11;
	[dreg:$0xc] =	wrdreg s7  }
0x11: {  	s12 =	sadd.s32 s6, s12;
	s19 =	sadd.s32 s6, s15;
	[dreg:$0x3] =	wrdreg s11  }
0x12: {  	s20 =	sadd.s32 s6, s16;
	s16 =	sadd.s32 $0x50, s5;
	[dreg:$0x4] =	wrdreg s12  }
0x13: {  	s11 =	sadd.s32 s6, s24;
	s24 =	sadd.s32 s6, s26;
	s26 =	smul.u32 $0xA000, s10  }
0x14: {  	s7 =	simm.s32 $0x2;
	[dreg:$0x6] =	wrdreg s19;
	s12 =	smul.u32 $0xA000, s14  }
0x15: {  	s25 =	sadd.s32 s6, s13;
	[dreg:$0x7] =	wrdreg s20;
	s13 =	smul.u32 $0xA000, s17  }
0x16: {  	s6 =	sadd.s32 s6, s21;
	s14 =	smul.u32 $0xA000, s22;
	[dreg:$0x5] =	wrdreg s25  }
0x17: {  	s21 =	sadd.s32 s3, s1;
	s19 =	smul.u32 $0xA000, s23;
	[dreg:$0x8] =	wrdreg s11  }
0x18: {  	s3 =	simm.s32 $0xB00;
	[dreg:$0x9] =	wrdreg s24;
	s11 =	simm.s32 $0x15400  }
0x19: {  	[dreg:$0xa] =	wrdreg s6;
	s25 =	smul.u32 $0xA000, s18;
	s11 =	simm.s32 @!p0 $0x1800  }
0x1a: {  	s10 =	sshrl.u32 s26, $0x2;
	s17 =	sshrl.u32 s12, $0x2;
	p0 =	sgt.u32 s23, $0x7C  }
0x1b: {  	s26 =	sshrl.u32 s19, $0x2;
	s15 =	sadd.s32 s11, s0;
	s6 =	sshrl.u32 s25, $0x2  }
0x1c: {  	s11 =	sadd.s32 s10, s1;
	s0 =	sshrl.u32 s9, $0x2;
	s22 =	sadd.s32 s17, s1  }
0x1d: {  	s25 =	sshrl.u32 s13, $0x2;
	s18 =	sadd.s32 s6, s1;
	[dreg:$0xd] =	wrdreg s11  }
0x1e: {  	s20 =	sadd.s32 s0, s1;
	s0 =	sshrl.u32 s14, $0x2;
	s23 =	sadd.s32 s25, s1  }
0x1f: {  	s25 =	sadd.s32 s26, s1;
	s26 =	sadd.s32 $0xA0, s5;
	s6 =	simm.s32 $0x80  }
0x20: {  	v0 =	vimm.f32 $0.0e+00;
	v1 =	vimm.f32 $1.000000000e+00;
	s11 =	simm.s32 $0x0;
	s24 =	sadd.s32 s0, s1;
	s0 =	simm.s32 $0x600  }
.LBB2_1:
0x21: {  	s12 =	simm.s32 $0x70;
	s13 =	simm.s32 $0x3C0  }
.LBB2_2:
0x22: {  	p1 =	sne.s32 s13, $0x9FC0;
	[tilespmem:s12+$0x5B00] =	vst v0  }
0x23: {  	[tilespmem:s12+$0x5A90] =	vst v0  }
0x24: {  	[tilespmem:s12+$0x5AA0] =	vst v0  }
.Ltmp0:
0x25: {  	[tilespmem:s12+$0x5AB0] =	vst v0;
	(pc) =	sbr.rel @p1 .LBB2_2-.Ltmp0, $4  }
0x26: {  	[tilespmem:s12+$0x5AC0] =	vst v0  }
0x27: {  	[tilespmem:s12+$0x5AD0] =	vst v0  }
0x28: {  	[tilespmem:s12+$0x5AE0] =	vst v0  }
0x29: {  	[tilespmem:s12+$0x5AF0] =	vst v0;
	s12 =	sshra.s32 s13, $0x2;
	s13 =	sadd.s32 $0x200, s13  }
0x2a: {  	[tilespmem:s12+$0x5B00] =	vst v0  }
0x2b: {  	[tilespmem:s12+$0x5A90] =	vst v0  }
0x2c: {  	[tilespmem:s12+$0x5AA0] =	vst v0  }
0x2d: {  	[tilespmem:s12+$0x5AB0] =	vst v0  }
0x2e: {  	[tilespmem:s12+$0x5AC0] =	vst v0  }
0x2f: {  	[tilespmem:s12+$0x5AD0] =	vst v0  }
0x30: {  	[tilespmem:s12+$0x5AE0] =	vst v0  }
0x31: {  	[tilespmem:s12+$0x5AF0] =	vst v0;
	s12 =	simm.s32 $0x70;
	s13 =	simm.s32 $0x3C0  }
.LBB2_4:
0x32: {  	p1 =	sne.s32 s13, $0x9FC0;
	[tilespmem:s12+$0xAA0] =	vst v1  }
0x33: {  	[tilespmem:s12+$0xA90] =	vst v0  }
0x34: {  	[tilespmem:s12+$0xAB0] =	vst v0  }
.Ltmp1:
0x35: {  	[tilespmem:s12+$0xAC0] =	vst v0;
	(pc) =	sbr.rel @p1 .LBB2_4-.Ltmp1, $4  }
0x36: {  	[tilespmem:s12+$0xAD0] =	vst v0  }
0x37: {  	[tilespmem:s12+$0xAE0] =	vst v0  }
0x38: {  	[tilespmem:s12+$0xAF0] =	vst v0  }
0x39: {  	[tilespmem:s12+$0xB00] =	vst v0;
	s12 =	sshra.s32 s13, $0x2;
	s13 =	sadd.s32 $0x200, s13  }
0x3a: {  	[tilespmem:s12+$0xAA0] =	vst v1  }
0x3b: {  	[tilespmem:s12+$0xA90] =	vst v0  }
0x3c: {  	[tilespmem:s12+$0xAB0] =	vst v0  }
0x3d: {  	[tilespmem:s12+$0xAC0] =	vst v0  }
0x3e: {  	[tilespmem:s12+$0xAD0] =	vst v0  }
0x3f: {  	[tilespmem:s12+$0xAE0] =	vst v0  }
0x40: {  	[tilespmem:s12+$0xAF0] =	vst v0  }
0x41: {  	[tilespmem:s12+$0xB00] =	vst v0;
	s12 =	simm.s32 $0x70;
	s13 =	simm.s32 $0x3C0  }
.LBB2_6:
0x42: {  	p1 =	sne.s32 s13, $0x9FC0;
	[tilespmem:s12+$0x32A0] =	vst v1  }
0x43: {  	[tilespmem:s12+$0x3290] =	vst v0  }
0x44: {  	[tilespmem:s12+$0x32B0] =	vst v0  }
.Ltmp2:
0x45: {  	[tilespmem:s12+$0x32C0] =	vst v0;
	(pc) =	sbr.rel @p1 .LBB2_6-.Ltmp2, $4  }
0x46: {  	[tilespmem:s12+$0x32D0] =	vst v0  }
0x47: {  	[tilespmem:s12+$0x32E0] =	vst v0  }
0x48: {  	[tilespmem:s12+$0x32F0] =	vst v0  }
0x49: {  	[tilespmem:s12+$0x3300] =	vst v0;
	s12 =	sshra.s32 s13, $0x2;
	s13 =	sadd.s32 $0x200, s13  }
0x4a: {  	[tilespmem:s12+$0x32A0] =	vst v1  }
0x4b: {  	[tilespmem:s12+$0x3290] =	vst v0  }
0x4c: {  	[tilespmem:s12+$0x32B0] =	vst v0  }
0x4d: {  	[tilespmem:s12+$0x32C0] =	vst v0  }
0x4e: {  	[tilespmem:s12+$0x32D0] =	vst v0  }
0x4f: {  	[tilespmem:s12+$0x32E0] =	vst v0  }
0x50: {  	[tilespmem:s12+$0x32F0] =	vst v0  }
0x51: {  	[tilespmem:s12+$0x3300] =	vst v0  }
0x52: {  	[spmem:s18] =	stream.linear.scatter [tilespmem:s28], [sflag:$0x5], $0x2800, $0x38;
	[tilespmem:$0x1BB80] =	vst v63  }
0x53: {  	_ =	swait.ge [sflag:s29], $0x2800  }
0x54: {  	[sflag:s29] =	ssyncset.done $0x0  }
0x55: {  	s9 =	rddreg [dreg:$0xd];
	[sflag:s29] =	ssyncadd.s32 $0xFFFFD800  }
0x56: {  	[spmem:s9] =	stream.linear.scatter [tilespmem:s28], [sflag:$0x5], $0x2800, $0x38;
	[tilespmem:$0x1BB80] =	vst v63  }
0x57: {  	_ =	swait.ge [sflag:s29], $0x2800  }
0x58: {  	[sflag:s29] =	ssyncset.done $0x0  }
0x59: {  	[sflag:s29] =	ssyncadd.s32 $0xFFFFD800  }
0x5a: {  	[spmem:s20] =	stream.linear.scatter [tilespmem:s28], [sflag:$0x5], $0x2800, $0x38;
	[tilespmem:$0x1BB80] =	vst v63  }
0x5b: {  	_ =	swait.ge [sflag:s29], $0x2800  }
0x5c: {  	[sflag:s29] =	ssyncset.done $0x0  }
0x5d: {  	[sflag:s29] =	ssyncadd.s32 $0xFFFFD800  }
0x5e: {  	[spmem:s21] =	stream.linear.scatter [tilespmem:s28], [sflag:$0x5], $0x2800, $0x38;
	[tilespmem:$0x1BB80] =	vst v63  }
0x5f: {  	_ =	swait.ge [sflag:s29], $0x2800  }
0x60: {  	[sflag:s29] =	ssyncset.done $0x0  }
0x61: {  	[sflag:s29] =	ssyncadd.s32 $0xFFFFD800  }
0x62: {  	[spmem:s22] =	stream.linear.scatter [tilespmem:s28], [sflag:$0x5], $0x2800, $0x38;
	[tilespmem:$0x1BB80] =	vst v63  }
0x63: {  	_ =	swait.ge [sflag:s29], $0x2800  }
0x64: {  	[sflag:s29] =	ssyncset.done $0x0  }
0x65: {  	[sflag:s29] =	ssyncadd.s32 $0xFFFFD800  }
0x66: {  	[spmem:s23] =	stream.linear.scatter [tilespmem:s28], [sflag:$0x5], $0x2800, $0x38;
	[tilespmem:$0x1BB80] =	vst v63  }
0x67: {  	_ =	swait.ge [sflag:s29], $0x2800  }
0x68: {  	[sflag:s29] =	ssyncset.done $0x0  }
0x69: {  	[sflag:s29] =	ssyncadd.s32 $0xFFFFD800  }
0x6a: {  	[spmem:s24] =	stream.linear.scatter [tilespmem:s28], [sflag:$0x5], $0x2800, $0x38;
	[tilespmem:$0x1BB80] =	vst v63  }
0x6b: {  	_ =	swait.ge [sflag:s29], $0x2800  }
0x6c: {  	[sflag:s29] =	ssyncset.done $0x0  }
0x6d: {  	s9 =	simm.s32 @!p0 $0x5B00;
	[sflag:s29] =	ssyncadd.s32 $0xFFFFD800  }
0x6e: {  	[spmem:s25] =	stream.linear.scatter @!p0 [tilespmem:s9], [sflag:$0x5], $0x2800, $0x38;
	[tilespmem:$0x1BB80] =	vst v63  }
0x6f: {  	s9 =	simm.s32 @!p0 $0x5  }
0x70: {  	_ =	swait.ge @!p0 [sflag:s9], $0x2800  }
0x71: {  	[sflag:s9] =	ssyncset.done @!p0 $0x0  }
0x72: {  	[sflag:s9] =	ssyncadd.s32 @!p0 $0xFFFFD800  }
0x73: {  	s19 =	smov.u32 s18;
	s12 =	simm.s32 $0x0;
	[bflag:$0x0] =	sbarrier.arrive $0xFFFF  }
0x74: {  	s10 =	simm.s32 $0x100;
	s13 =	simm.s32 $0x0;
	s18 =	rddreg [dreg:$0xb]  }
0x75: {  	[tilespmem:s10], [sflag:$0x1] =	stream.linear.gather [hbm4b:s18+s12], $0x500, $0x38;
	[tilespmem:$0x1BB80] =	vst v63  }
.LBB2_8:
0x76: {  	p1 =	seq.s32 s13, $0x0;
	s14 =	smul.u32 $0xA0, s13  }
0x77: {  	s9 =	simm.s32 @!p1 $0x3  }
0x78: {  	_ =	swait.ge @!p1 [sflag:s9], $0x2800;
	s10 =	sadd.s32 s5, s14  }
0x79: {  	[sflag:s9] =	ssyncset.done @!p1 $0x0;
	s10 =	sshrl.u32 s10, $0x3  }
0x7a: {  	[sflag:s9] =	ssyncadd.s32 @!p1 $0xFFFFD800;
	s17 =	sadd.s32 s15, s10  }
0x7b: {  	[tilespmem:s12], [sflag:$0x5] =	stream.linear.gather [hbm4b:s17+s12], $0x50, $0x38;
	[tilespmem:$0x1BB80] =	vst v63  }
0x7c: {  	_ =	swait.ge [sflag:s29], $0x50  }
0x7d: {  	[sflag:s29] =	ssyncset.done $0x0  }
0x7e: {  	[sflag:s29] =	ssyncadd.s32 $0xFFFFFFB0  }
0x7f: {  	s17 =	sadd.s32 s14, s16;
	_ =	swait.ge [sflag:s31], $0x500  }
0x80: {  	s18 =	sshll.u32 s17, $0x1;
	[sflag:s31] =	ssyncset.done $0x0  }
0x81: {  	s9 =	sadd.s32 s4, s18;
	s18 =	simm.s32 $0x0;
	[sflag:s31] =	ssyncadd.s32 $0xFFFFFB00  }
0x82: {  	[tilespmem:s0], [sflag:$0x2] =	stream.linear.gather [hbm4b:s9+s12], $0x500, $0x38;
	[tilespmem:$0x1BB80] =	vst v63  }
0x83: {  	v2 =	vld [tilespmem:s18+$0x100];
	_ =	sdelay $0x3  }
0x84: {  	s10 =	simm.s32 $0x40;
	s9 =	simm.s32 $0xB00  }
.LBB2_9:
0x85: {  	s18 =	sshra.s32 s10, $0x2;
	p2 =	sne.s32 s10, $0x13C0;
	s10 =	sadd.s32 $0x40, s10;
	[tilespmem:s9+$0x0] =	vst v2  }
.Ltmp3:
0x86: {  	v2 =	vld [tilespmem:s18+$0x100];
	(pc) =	sbr.rel @p2 .LBB2_9-.Ltmp3, $2  }
0x87: {  	_ =	sdelay $0x2  }
0x88: {  	s9 =	sadd.s32 $0x80, s9  }
0x89: {  	[tilespmem:s9+$0x0] =	vst v2;
	s9 =	simm.s32 @!p1 $0x4  }
0x8a: {  	[spmem:s1] =	stream.indirect.scatter.add.f32 [tilespmem:s3], [sflag:$0x3], $0x80, s2, s30, $0xb8;
	[tilespmem:$0x1BB80] =	vst v63  }
0x8b: {  	_ =	swait.ge @!p1 [sflag:s9], $0x2800  }
0x8c: {  	s10 =	sshrl.u32 s17, $0x3;
	[sflag:s9] =	ssyncset.done @!p1 $0x0  }
0x8d: {  	s17 =	sadd.s32 s15, s10;
	[sflag:s9] =	ssyncadd.s32 @!p1 $0xFFFFD800  }
0x8e: {  	[tilespmem:s6], [sflag:$0x5] =	stream.linear.gather [hbm4b:s17+s2], $0x50, $0x38;
	[tilespmem:$0x1BB80] =	vst v63  }
0x8f: {  	_ =	swait.ge [sflag:s29], $0x50  }
0x90: {  	[sflag:s29] =	ssyncset.done $0x0  }
0x91: {  	p1 =	seq.s32 s13, $0x7C;
	[sflag:s29] =	ssyncadd.s32 $0xFFFFFFB0  }
0x92: {  	s18 =	simm.s32 $0x0;
	s9 =	sadd.s32 @!p1 s14, s26;
	_ =	swait.ge [sflag:s7], $0x500  }
0x93: {  	s10 =	simm.s32 @!p1 $0x0;
	s9 =	sshll.u32 @!p1 s9, $0x1;
	[sflag:s7] =	ssyncset.done $0x0  }
0x94: {  	s14 =	simm.s32 @!p1 $0x100;
	s9 =	sadd.s32 @!p1 s4, s9;
	[sflag:s7] =	ssyncadd.s32 $0xFFFFFB00  }
0x95: {  	[tilespmem:s14], [sflag:$0x1] =	stream.linear.gather @!p1 [hbm4b:s9+s10], $0x500, $0x38;
	[tilespmem:$0x1BB80] =	vst v63  }
0x96: {  	v2 =	vld [tilespmem:s18+$0x600];
	_ =	sdelay $0x3  }
0x97: {  	s9 =	simm.s32 $0x3300;
	s10 =	simm.s32 $0x40  }
.LBB2_11:
0x98: {  	s14 =	sshra.s32 s10, $0x2;
	p1 =	sne.s32 s10, $0x13C0;
	s10 =	sadd.s32 $0x40, s10;
	[tilespmem:s9+$0x0] =	vst v2  }
.Ltmp4:
0x99: {  	v2 =	vld [tilespmem:s14+$0x600];
	(pc) =	sbr.rel @p1 .LBB2_11-.Ltmp4, $2  }
0x9a: {  	_ =	sdelay $0x2  }
0x9b: {  	s9 =	sadd.s32 $0x80, s9  }
0x9c: {  	s13 =	sadd.s32 $0x1, s13  }
0x9d: {  	p1 =	sne.s32 s13, $0x7D  }
.Ltmp5:
0x9e: {  	_ = 	snop;
	(pc) =	sbr.rel @p1 .LBB2_8-.Ltmp5, $3  }
0x9f: {  	_ =	sdelay $0x1  }
0xa0: {  	[tilespmem:s9+$0x0] =	vst v2  }
0xa1: {  	[spmem:s1] =	stream.indirect.scatter.add.f32 [tilespmem:s8], [sflag:$0x4], $0x80, s6, s30, $0xb8;
	[tilespmem:$0x1BB80] =	vst v63  }
0xa2: {  	s9 =	simm.s32 $0x3  }
0xa3: {  	_ =	swait.ge [sflag:s9], $0x2800  }
0xa4: {  	[sflag:s9] =	ssyncset.done $0x0  }
0xa5: {  	s10 =	simm.s32 $0x4;
	[sflag:s9] =	ssyncadd.s32 $0xFFFFD800  }
0xa6: {  	_ =	swait.ge [sflag:s10], $0x2800  }
0xa7: {  	[sflag:s10] =	ssyncset.done $0x0  }
0xa8: {  	s12 =	stileid.u32;
	[sflag:s10] =	ssyncadd.s32 $0xFFFFD800  }
0xa9: {  	s9 =	sshll.u32 s12, $0x6;
	[bflag:$0x0] =	sbarrier.arrive $0xFFFF  }
0xaa: {  	s9 =	sor.u32 $0x1C05, s9;
	s10 =	sshrl.u32 s19, $0x3;
	s12 =	rddreg [dreg:$0x3]  }
0xab: {  	[hbm:s12], [sflag:s9] =	dma.local [spmem:s10], $0x500  }
0xac: {  	_ =	swait.ge [sflag:s29], $0x500  }
0xad: {  	[sflag:s29] =	ssyncset.done $0x0;
	s13 =	rddreg [dreg:$0xd]  }
0xae: {  	s14 =	rddreg [dreg:$0x4];
	[sflag:s29] =	ssyncadd.s32 $0xFFFFFB00;
	s10 =	sshrl.u32 s13, $0x3  }
0xaf: {  	[hbm:s14], [sflag:s9] =	dma.local [spmem:s10], $0x500  }
0xb0: {  	_ =	swait.ge [sflag:s29], $0x500  }
0xb1: {  	s18 =	smov.u32 s19;
	[sflag:s29] =	ssyncset.done $0x0  }
0xb2: {  	s17 =	sshrl.u32 s20, $0x3;
	s19 =	rddreg [dreg:$0x5];
	[sflag:s29] =	ssyncadd.s32 $0xFFFFFB00  }
0xb3: {  	[hbm:s19], [sflag:s9] =	dma.local [spmem:s17], $0x500  }
0xb4: {  	_ =	swait.ge [sflag:s29], $0x500  }
0xb5: {  	[sflag:s29] =	ssyncset.done $0x0  }
0xb6: {  	s13 =	sshrl.u32 s21, $0x3;
	s14 =	rddreg [dreg:$0x6];
	[sflag:s29] =	ssyncadd.s32 $0xFFFFFB00  }
0xb7: {  	[hbm:s14], [sflag:s9] =	dma.local [spmem:s13], $0x500  }
0xb8: {  	_ =	swait.ge [sflag:s29], $0x500  }
0xb9: {  	[sflag:s29] =	ssyncset.done $0x0  }
0xba: {  	s17 =	sshrl.u32 s22, $0x3;
	s19 =	rddreg [dreg:$0x7];
	[sflag:s29] =	ssyncadd.s32 $0xFFFFFB00  }
0xbb: {  	[hbm:s19], [sflag:s9] =	dma.local [spmem:s17], $0x500  }
0xbc: {  	_ =	swait.ge [sflag:s29], $0x500  }
0xbd: {  	[sflag:s29] =	ssyncset.done $0x0  }
0xbe: {  	s12 =	sshrl.u32 s23, $0x3;
	s13 =	rddreg [dreg:$0x8];
	[sflag:s29] =	ssyncadd.s32 $0xFFFFFB00  }
0xbf: {  	[hbm:s13], [sflag:s9] =	dma.local [spmem:s12], $0x500  }
0xc0: {  	_ =	swait.ge [sflag:s29], $0x500  }
0xc1: {  	[sflag:s29] =	ssyncset.done $0x0  }
0xc2: {  	s14 =	sshrl.u32 s24, $0x3;
	s17 =	rddreg [dreg:$0x9];
	[sflag:s29] =	ssyncadd.s32 $0xFFFFFB00  }
0xc3: {  	[hbm:s17], [sflag:s9] =	dma.local [spmem:s14], $0x500  }
0xc4: {  	_ =	swait.ge [sflag:s29], $0x500  }
0xc5: {  	[sflag:s29] =	ssyncset.done $0x0  }
0xc6: {  	s10 =	sshrl.u32 @!p0 s25, $0x3;
	s12 =	rddreg [dreg:$0xa];
	[sflag:s29] =	ssyncadd.s32 $0xFFFFFB00  }
0xc7: {  	[hbm:s12], [sflag:s9] =	dma.local @!p0 [spmem:s10], $0x500  }
0xc8: {  	s9 =	simm.s32 @!p0 $0x5  }
0xc9: {  	_ =	swait.ge @!p0 [sflag:s9], $0x500  }
0xca: {  	s11 =	sadd.s32 $0x1, s11;
	s19 =	rddreg [dreg:$0xc]  }
0xcb: {  	p1 =	sne.s32 s11, s19  }
.Ltmp6:
0xcc: {  	_ = 	snop;
	(pc) =	sbr.rel @p1 .LBB2_1-.Ltmp6, $3  }
0xcd: {  	_ =	sdelay $0x1  }
0xce: {  	[sflag:s9] =	ssyncset.done @!p0 $0x0  }
0xcf: {  	[sflag:s9] =	ssyncadd.s32 @!p0 $0xFFFFFB00  }
0xd0: {  	_ =	sfence.sel $0x180000  }
0xd1: {  	[bflag:$0x0] =	sbarrier.arrive $0xFFFF  }
0xd2: {  	_ =	strace $0x9000004D  }
0xd3: {  	s0 =	stileid.u32;
	[bflag:$0x2] =	sbarrier.arrive $0xFFFF  }
0xd4: {  	p0 =	sne.s32 s0, $0x0;
	s0 =	rddreg [dreg:$0x2]  }
0xd5: {  	s0 =	sadd.s32 @!p0 $0x100000, s0  }
0xd6: {  	[sflag:s0] =	ssyncadd.tile.s32 @!p0 $0x1;
	_ =	shalt  }
.Lfunc_end2:
_tile_overlayer_lowered:
.L_overlay_start_2:
0xd7: {  	(tag) =	ssettag $0x2  }
0xd8: {  	s0 =	rddreg [dreg:$0x0];
	s2 =	stileid.u32  }
0xd9: {  	s1 =	rddreg [dreg:$0x1];
	p0 =	sne.s32 s2, $0x0  }
0xda: {  	s3 =	rddreg [dreg:$0x2];
	[bflag:$0x3] =	sbarrier.arrive $0xFFFF;
	s2 =	simm.s32 @!p0 $0x1C05  }
0xdb: {  	[timem:s3], [sflag:s2] =	dma.local @!p0 [hbm:s0], s1  }
0xdc: {  	s0 =	simm.s32 @!p0 $0x5  }
0xdd: {  	_ =	swait.ge @!p0 [sflag:s0], s1  }
0xde: {  	s1 =	ssub.s32 @!p0 $0x0, s1;
	[sflag:s0] =	ssyncset.done @!p0 $0x0  }
0xdf: {  	[sflag:s0] =	ssyncadd.s32 @!p0 s1  }
0xe0: {  	[bflag:$0x3] =	sbarrier.arrive $0xFFFF  }
0xe1: {  	_ =	shalt  }

// kernel: kernel.13.cloned.1.call-start
scs
__scs_entry_jumppad:
0x0: {  	(pc) =	sbr.rel $0x88, $3  }
0x1: {  	(tag) =	ssettag $0x0;
	lr =	simm.s32 $0x1  }
0x2: {  	[smem:$0x3F96] =	sst lr;
	_ =	strace $0xD0000000  }
0x3: {  	_ = 	snop  }
0x4: {  	_ = 	snop  }
0x5: {  	_ = 	snop  }
0x6: {  	_ = 	snop  }
0x7: {  	_ = 	snop  }
__scs_overlays_trampoline_lowered:
0x8: {  	[smem:$0x3FA5] =	sst s0  }
0x9: {  	[smem:$0x3FA6] =	sst s1  }
0xa: {  	[smem:$0x3FA7] =	sst s2  }
0xb: {  	[smem:$0x3FA8] =	sst s3  }
0xc: {  	[smem:$0x3FA9] =	sst s4  }
0xd: {  	[smem:$0x3FAA] =	sst s5  }
0xe: {  	[smem:$0x3FAB] =	sst s6  }
0xf: {  	[smem:$0x3FAC] =	sst s7  }
0x10: {  	[smem:$0x3FAD] =	sst s8  }
0x11: {  	[smem:$0x3FAE] =	sst s9;
	s0 =	simm.s32 @!p0 $0x0  }
0x12: {  	s1 =	sld [smem:$0x3F94];
	s0 =	simm.s32 @p0 $0x1  }
0x13: {  	[smem:$0x3FAF] =	sst s0;
	s0 =	simm.s32 @!p1 $0x0  }
0x14: {  	s2 =	sld [smem:$0x3F93];
	s0 =	simm.s32 @p1 $0x1  }
0x15: {  	[smem:$0x3FB0] =	sst s0;
	s0 =	simm.s32 @!p2 $0x0  }
0x16: {  	s3 =	sld [smem:$0x3FDB];
	s0 =	simm.s32 @p2 $0x1  }
0x17: {  	s4 =	simm.s32 $0x1BF5;
	[smem:$0x3FB2] =	sst s0  }
0x18: {  	s0 =	sld [smem:$0x3F95];
	_ =	swait.ge [sflag:s4], $0x0  }
0x19: {  	s7 =	sld [smem:$0x3F96]  }
0x1a: {  	s8 =	sadd.s32 $0xFFFFE003, lr  }
0x1b: {  	s9 =	sadd.s32 $0xFFFFFEF7, lr;
	s5 =	simm.s32 $0xFFFFFFFF;
	p2 =	slt.u32 s8, $0xFFFFF086  }
0x1c: {  	p1 =	slt.u32 s9, $0xF7A;
	s5 =	simm.s32 @!p2 $0x0  }
0x1d: {  	s5 =	simm.s32 @p1 $0x1;
	p0 =	seq.s32 s7, s2  }
0x1e: {  	s7 =	smul.u32 @!p0 $0xF7A, s2;
	p2 =	seq.s32 @!p0 s5, $0x0  }
0x1f: {  	s9 =	smul.u32 $0xF7A, s1;
	s8 =	simm.s32 @!p0 $0x1BF5;
	p2 =	por !p2, p0  }
0x20: {  	[sflag:s8] =	ssyncset.s32 @!p0 $0xFFFFF086;
	s6 =	sadd.s32 @!p0 s3, s7;
	s7 =	simm.s32 @!p0 $0x108  }
0x21: {  	s3 =	sadd.s32 s3, s9;
	s6 =	sadd.s32 @!p0 $0x88, s6;
	s7 =	simm.s32 @p2 $0x1082  }
0x22: {  	[simem:s7], [sflag:s8] =	dma.local @!p0 [hbm:s6], $0xF7A  }
0x23: {  	s9 =	sor.u32 $0xD0000000, s2;
	s6 =	simm.s32 $0x108;
	_ =	swait.ge @!p0 [sflag:s8], $0x0  }
0x24: {  	s3 =	sadd.s32 $0x88, s3;
	s6 =	simm.s32 @!p1 $0x1082;
	[sflag:s4] =	ssyncset.s32 $0xFFFFF086  }
0x25: {  	[simem:s6], [sflag:s4] =	dma.local [hbm:s3], $0xF7A  }
0x26: {  	[smem:$0x3F96] =	sst s1;
	(tag) =	ssettag s2;
	_ =	strace s9  }
0x27: {  	s1 =	sld [smem:$0x3FA6]  }
0x28: {  	s2 =	sld [smem:$0x3FA7]  }
0x29: {  	s4 =	sld [smem:$0x3FA9]  }
0x2a: {  	p0 =	seq.s32 s5, $0x0;
	s5 =	sld [smem:$0x3FAA]  }
0x2b: {  	s6 =	sld [smem:$0x3FAB]  }
0x2c: {  	s7 =	sld [smem:$0x3FAC]  }
0x2d: {  	s3 =	simm.s32 $0x108;
	s8 =	sld [smem:$0x3FAD]  }
0x2e: {  	s3 =	simm.s32 @!p0 $0x1082;
	s9 =	sld [smem:$0x3FAE]  }
0x2f: {  	lr =	sadd.s32 s0, s3;
	s0 =	sld [smem:$0x3FA5]  }
0x30: {  	s3 =	sld [smem:$0x3FA8]  }
0x31: {  	[smem:$0x3FB1] =	sst s10  }
0x32: {  	s10 =	sld [smem:$0x3FAF];
	_ =	sdelay $0x3  }
0x33: {  	p0 =	seq.s32 s10, $0x1;
	s10 =	sld [smem:$0x3FB1];
	_ =	sdelay $0x3  }
0x34: {  	[smem:$0x3FB1] =	sst s10  }
0x35: {  	s10 =	sld [smem:$0x3FB0];
	_ =	sdelay $0x3  }
0x36: {  	p1 =	seq.s32 s10, $0x1;
	s10 =	sld [smem:$0x3FB1];
	_ =	sdelay $0x3  }
0x37: {  	[smem:$0x3FB1] =	sst s10  }
0x38: {  	s10 =	sld [smem:$0x3FB2]  }
0x39: {  	_ = 	snop;
	(pc) =	sbr.ind lr, $3  }
0x3a: {  	_ = 	snop  }
0x3b: {  	_ = 	snop  }
0x3c: {  	p2 =	seq.s32 s10, $0x1;
	s10 =	sld [smem:$0x3FB1]  }
0x3d: {  	_ =	shalt  }
0x3e: {  	_ =	shalt  }
0x3f: {  	_ =	shalt  }
0x40: {  	_ =	shalt  }
0x41: {  	_ =	shalt  }
0x42: {  	_ =	shalt  }
0x43: {  	_ =	shalt  }
0x44: {  	_ =	shalt  }
0x45: {  	_ =	shalt  }
0x46: {  	_ =	shalt  }
0x47: {  	_ =	shalt  }
0x48: {  	_ =	shalt  }
0x49: {  	_ =	shalt  }
0x4a: {  	_ =	shalt  }
0x4b: {  	_ =	shalt  }
0x4c: {  	_ =	shalt  }
0x4d: {  	_ =	shalt  }
0x4e: {  	_ =	shalt  }
0x4f: {  	_ =	shalt  }
0x50: {  	_ =	shalt  }
0x51: {  	_ =	shalt  }
0x52: {  	_ =	shalt  }
0x53: {  	_ =	shalt  }
0x54: {  	_ =	shalt  }
0x55: {  	_ =	shalt  }
0x56: {  	_ =	shalt  }
0x57: {  	_ =	shalt  }
0x58: {  	_ =	shalt  }
0x59: {  	_ =	shalt  }
0x5a: {  	_ =	shalt  }
0x5b: {  	_ =	shalt  }
0x5c: {  	_ =	shalt  }
0x5d: {  	_ =	shalt  }
0x5e: {  	_ =	shalt  }
0x5f: {  	_ =	shalt  }
0x60: {  	_ =	shalt  }
0x61: {  	_ =	shalt  }
0x62: {  	_ =	shalt  }
0x63: {  	_ =	shalt  }
0x64: {  	_ =	shalt  }
0x65: {  	_ =	shalt  }
0x66: {  	_ =	shalt  }
0x67: {  	_ =	shalt  }
0x68: {  	_ =	shalt  }
0x69: {  	_ =	shalt  }
0x6a: {  	_ =	shalt  }
0x6b: {  	_ =	shalt  }
0x6c: {  	_ =	shalt  }
0x6d: {  	_ =	shalt  }
0x6e: {  	_ =	shalt  }
0x6f: {  	_ =	shalt  }
0x70: {  	_ =	shalt  }
0x71: {  	_ =	shalt  }
0x72: {  	_ =	shalt  }
0x73: {  	_ =	shalt  }
0x74: {  	_ =	shalt  }
0x75: {  	_ =	shalt  }
0x76: {  	_ =	shalt  }
0x77: {  	_ =	shalt  }
0x78: {  	_ =	shalt  }
0x79: {  	_ =	shalt  }
0x7a: {  	_ =	shalt  }
0x7b: {  	_ =	shalt  }
0x7c: {  	_ =	shalt  }
0x7d: {  	_ =	shalt  }
0x7e: {  	_ =	shalt  }
0x7f: {  	_ =	shalt  }
0x80: {  	_ =	shalt  }
0x81: {  	_ =	shalt  }
0x82: {  	_ =	shalt  }
0x83: {  	_ =	shalt  }
0x84: {  	_ =	shalt  }
0x85: {  	_ =	shalt  }
0x86: {  	_ =	shalt  }
0x87: {  	_ =	shalt  }
.Lfunc_end0:
.L_simem_size_0:
called_computation.3_lowered:
.L_overlay_start_0:
0x88: {  	s2 =	sld [smem:$0x3FD9]  }
0x89: {  	s3 =	sld [smem:$0x3FFE];
	_ =	sdelay $0x1  }
0x8a: {  	s1 =	srdreg.scid  }
0x8b: {  	s0 =	sand.u32 $0x1, s1  }
0x8c: {  	s16 =	sshll.u32 s0, $0xA;
	s2 =	sadd.s32 s3, s2  }
0x8d: {  	s2 =	sadd.s32 s2, s16  }
0x8e: {  	[smem:$0x3FBD] =	sst s2  }
0x8f: {  	_ = 	snop  }
0x90: {  	(tm) =	ssettm $0x1  }
0x91: {  	s17 =	sld [smem:$0x3FFB];
	_ =	sdelay $0x3  }
0x92: {  	_ =	strace s17  }
0x93: {  	s2 =	sld [smem:$0x3FFC];
	_ =	sdelay $0x3  }
0x94: {  	_ =	strace s2  }
0x95: {  	s2 =	sld [smem:$0x3FFD];
	_ =	sdelay $0x3  }
0x96: {  	_ =	strace s2  }
0x97: {  	_ =	strace $0x8FFFFFFF  }
0x98: {  	s18 =	sld [smem:$0x3FDB];
	_ =	sdelay $0x1  }
0x99: {  	s19 =	simm.s32 $_scs_section_size  }
0x9a: {  	s4 =	simm.s32 $_size__tile_overlayer_lowered;
	s5 =	simm.s32 $_tile_overlayer_lowered  }
0x9b: {  	s22 =	simm.s32 $0x1BFF;
	s21 =	sshll.u32 s5, $0x1;
	s2 =	sadd.s32 s19, s18  }
0x9c: {  	s6 =	simm.s32 $0x0;
	s20 =	sshll.u32 s4, $0x1;
	s4 =	sadd.s32 s21, s2  }
0x9d: {  	[timem:s6], [sflag:s22] =	dma.local [hbm:s4], s20  }
0x9e: {  	_ =	swait.ge [sflag:s22], s20  }
0x9f: {  	s3 =	ssub.s32 $0x0, s20;
	[sflag:s22] =	ssyncset.done $0x0  }
0xa0: {  	[sflag:s22] =	ssyncadd.s32 s3;
	_ =	sdelay $0x1  }
0xa1: {  	s23 =	simm.s32 $0x1B8B  }
0xa2: {  	_ =	swait.ge [sflag:s23], $0x1  }
0xa3: {  	[sflag:s23] =	ssyncset.done $0x0  }
0xa4: {  	s25 =	simm.s32 $0x1B8E;
	s24 =	sld [smem:$0x3FFE];
	[sflag:s23] =	ssyncadd.s32 $0xFFFFFFFF  }
0xa5: {  	s26 =	simm.s32 $execute0_lowered;
	[smem:$0x3FD2] =	sst s25  }
0xa6: {  	s4 =	sshll.u32 s26, $0x1;
	_ =	strace $0x8000004F;
	[dreg:$0x1] =	wrdreg $0xFFFFFFFF  }
0xa7: {  	s28 =	simm.s32 $_size_execute0_lowered;
	s2 =	sadd.s32 s2, s4;
	[dreg:$0x0] =	wrdreg $0x0  }
0xa8: {  	s4 =	sshll.u32 s28, $0x1;
	[dreg:$0x2] =	wrdreg s2  }
0xa9: {  	[dreg:$0x3] =	wrdreg s4  }
0xaa: {  	[dreg:$0x4] =	wrdreg $0xC0  }
0xab: {  	_ =	task [dreg:s6], $0x5FFFF  }
0xac: {  	[dreg:$0x1] =	wrdreg $0xFFFFFFFF  }
0xad: {  	[dreg:$0x0] =	wrdreg $0x60  }
0xae: {  	[dreg:$0x2] =	wrdreg s24  }
0xaf: {  	[dreg:$0x3] =	wrdreg $0x7B000  }
0xb0: {  	[dreg:$0x4] =	wrdreg $0x9  }
0xb1: {  	_ =	task.clear_ibuf [dreg:s6], $0x5FFFF;
	_ =	strace $0x9000004F  }
0xb2: {  	s29 =	simm.s32 $0x9;
	_ =	strace $0x80000051  }
0xb3: {  	_ =	swait.ge [sflag:s29], $0x1  }
0xb4: {  	[sflag:s29] =	ssyncadd.s32 $0xFFFFFFFF  }
0xb5: {  	_ =	strace $0x90000051  }
0xb6: {  	_ =	sfence  }
0xb7: {  	s30 =	sld [smem:$0x0];
	_ =	sdelay $0x2  }
0xb8: {  	s31 =	sshll.u32 s1, $0xD;
	s1 =	sshrl.u32 s1, $0x2  }
0xb9: {  	s3 =	sand.u32 $0x4000, s31;
	s1 =	sadd.s32 s1, s30  }
0xba: {  	s0 =	sor.u32 s3, s0;
	s1 =	sshll.u32 s1, $0x11  }
0xbb: {  	s0 =	sor.u32 s1, s0  }
0xbc: {  	s0 =	sadd.s32 $0x8F2B, s0  }
0xbd: {  	[sflag:s0] =	ssyncadd.remote.s32 $0x1  }
0xbe: {  	_ =	sfence.sel $0xFFFF  }
0xbf: {  	[dreg:$0x0] =	wrdreg $0xFFFFFFFF;
	(pc) =	sbr.abs _section_cstart, $3  }
0xc0: {  	[dreg:$0x1] =	wrdreg $0xFFFFFFFF  }
0xc1: {  	_ =	task.clear_ibuf [dreg:s6], $0x2FFFF;
	_ =	strace $0x9FFFFFFF  }
0xc2: {  	(tm) =	ssettm $0x7FFFFFFF  }
0xc3: {  	_ =	shalt  }
tec
execute0_lowered:
.L_overlay_start_1:
0x0: {  	(tag) =	ssettag $0x1  }
0x1: {  	s0 =	rddreg [dreg:$0x0]  }
0x2: {  	s2 =	rddreg [dreg:$0x1];
	s16 =	stileid.u32  }
0x3: {  	s1 =	srdreg.scid;
	s5 =	smul.u32 $0x4E20, s16  }
0x4: {  	s28 =	simm.s32 $0x9;
	s1 =	sand.u32 $0x1, s1;
	s9 =	smul.u32 $0x50, s16  }
0x5: {  	s29 =	simm.s32 $0x100;
	s11 =	sor.u32 $0x30, s16;
	s10 =	smul.u32 $0x2710, s1  }
0x6: {  	s30 =	simm.s32 $0x1;
	s12 =	sor.u32 $0x40, s16;
	s15 =	smul.u32 $0x50, s11  }
0x7: {  	s31 =	simm.s32 $0x3;
	s17 =	sor.u32 $0x50, s16;
	s19 =	smul.u32 $0x50, s12  }
0x8: {  	s3 =	sadd.s32 $0x1F200, s0;
	s21 =	sor.u32 $0x60, s16;
	s23 =	smul.u32 $0x50, s17  }
0x9: {  	s6 =	sadd.s32 $0x15400, s0;
	s22 =	sor.u32 $0x70, s16;
	s25 =	smul.u32 $0x50, s21  }
0xa: {  	s7 =	sadd.s32 $0xCF200, s0;
	s4 =	ssub.s32 $0x2, s1;
	s26 =	smul.u32 $0x50, s22  }
0xb: {  	s8 =	sshrl.u32 s4, $0x1;
	s1 =	sshrl.u32 s5, $0x3;
	s5 =	sor.u32 $0x10, s16  }
0xc: {  	p0 =	sgt.u32 s22, $0x7C;
	s4 =	ssub.s32 s4, s8;
	s13 =	smul.u32 $0x50, s5  }
0xd: {  	s24 =	sadd.s32 s10, s19;
	s19 =	sadd.s32 s10, s25;
	s25 =	smul.u32 $0x9C4, s16  }
0xe: {  	s8 =	sor.u32 $0x20, s16;
	s9 =	sadd.s32 s10, s9;
	s5 =	smul.u32 $0xA000, s5  }
0xf: {  	s18 =	sadd.s32 s10, s15;
	s14 =	smul.u32 $0x50, s8;
	s9 =	sshll.u32 s9, $0x4  }
0x10: {  	s20 =	sshll.u32 s18, $0x4;
	s4 =	smax.u32 s4, $0x1;
	s13 =	sadd.s32 s10, s13  }
0x11: {  	s9 =	sadd.s32 s7, s9;
	s15 =	sadd.s32 s25, s3;
	s13 =	sshll.u32 s13, $0x4  }
0x12: {  	[dreg:$0x3] =	wrdreg s9;
	s14 =	sadd.s32 s10, s14;
	s13 =	sadd.s32 s7, s13  }
0x13: {  	s9 =	sshll.u32 s14, $0x4;
	s14 =	simm.s32 $0x0;
	[dreg:$0x4] =	wrdreg s13  }
0x14: {  	s9 =	sadd.s32 s7, s9;
	s13 =	sadd.s32 s10, s23;
	[smem:$0x7FF] =	sst s14  }
0x15: {  	s23 =	sadd.s32 s10, s26;
	s26 =	sadd.s32 s3, s1;
	[dreg:$0x5] =	wrdreg s9  }
0x16: {  	s1 =	sadd.s32 s6, s1;
	s9 =	sadd.s32 s7, s20;
	[dreg:$0xb] =	wrdreg s26  }
0x17: {  	s18 =	sshll.u32 s13, $0x4;
	s20 =	sshll.u32 s19, $0x4;
	[dreg:$0xc] =	wrdreg s1  }
0x18: {  	s13 =	sadd.s32 s25, s6;
	s6 =	smul.u32 $0xA000, s16;
	s16 =	sadd.s32 $0x29000, s0  }
0x19: {  	s1 =	sshrl.u32 s5, $0x2;
	[dreg:$0x6] =	wrdreg s9;
	s9 =	sshll.u32 s24, $0x4  }
0x1a: {  	s19 =	smul.u32 $0xA000, s22;
	s5 =	simm.s32 $0x50;
	s9 =	sadd.s32 s7, s9  }
0x1b: {  	s24 =	sshll.u32 s23, $0x4;
	[dreg:$0x7] =	wrdreg s9;
	s9 =	sadd.s32 s7, s18  }
0x1c: {  	[dreg:$0x8] =	wrdreg s9;
	s9 =	sadd.s32 s7, s20;
	s7 =	sadd.s32 s7, s24  }
0x1d: {  	s1 =	sadd.s32 s1, s2;
	[dreg:$0xa] =	wrdreg s7;
	s7 =	smul.u32 $0xA000, s8  }
0x1e: {  	s3 =	sshrl.u32 s6, $0x2;
	s26 =	sshrl.u32 s19, $0x2;
	s8 =	smul.u32 $0xA000, s11  }
0x1f: {  	s6 =	simm.s32 $0x2B00;
	[dreg:$0x9] =	wrdreg s9;
	s9 =	smul.u32 $0xA000, s12  }
0x20: {  	s11 =	smul.u32 $0xA000, s17;
	_ =	strace $0x80000050;
	[dreg:$0xd] =	wrdreg s4  }
0x21: {  	s18 =	sadd.s32 s3, s2;
	s17 =	smul.u32 $0xA000, s21;
	[dreg:$0xe] =	wrdreg s1  }
0x22: {  	s1 =	simm.s32 $0x180;
	s4 =	simm.s32 $0x4;
	s0 =	sshrl.u32 s7, $0x2  }
0x23: {  	s12 =	sshrl.u32 s8, $0x2;
	s3 =	sshrl.u32 s9, $0x2;
	s24 =	sshrl.u32 s11, $0x2  }
.Ltmp0:
0x24: {  	s25 =	sshrl.u32 s17, $0x2;
	s7 =	simm.s32 $0x5;
	(pc) =	sbr.rel .LBB2_1-.Ltmp0, $4  }
0x25: {  	s8 =	simm.s32 $0x200;
	s9 =	simm.s32 $0x300;
	s17 =	simm.s32 $0x0  }
0x26: {  	s20 =	sadd.s32 s0, s2;
	s21 =	sadd.s32 s12, s2;
	s22 =	sadd.s32 s3, s2  }
0x27: {  	s23 =	sadd.s32 s24, s2;
	s24 =	sadd.s32 s25, s2;
	s25 =	sadd.s32 s26, s2  }
0x28: {  	v1 =	vimm.f32 $0.0e+00;
	v0 =	vmov s10;
	s26 =	simm.s32 $0x5300;
	s0 =	simm.s32 $0x80;
	s3 =	simm.s32 $0x2  }
.LBB2_6:
0x29: {  	s10 =	simm.s32 $0x6  }
0x2a: {  	_ =	swait.ge [sflag:s10], $0x2800  }
0x2b: {  	[sflag:s10] =	ssyncset.done $0x0  }
0x2c: {  	[sflag:s10] =	ssyncadd.s32 $0xFFFFD800  }
0x2d: {  	v2 =	vld [tilespmem:$0x180]  }
0x2e: {  	v3 =	vld [tilespmem:$0x190]  }
0x2f: {  	v4 =	vld [tilespmem:$0x1A0]  }
0x30: {  	v5 =	vld [tilespmem:$0x1B0]  }
0x31: {  	v6 =	vld [tilespmem:$0x1C0]  }
0x32: {  	[tilespmem:$0x280] =	vst v2  }
0x33: {  	[tilespmem:$0x290] =	vst v3  }
0x34: {  	[tilespmem:$0x2A0] =	vst v4  }
0x35: {  	[tilespmem:$0x2B0] =	vst v5  }
0x36: {  	s11 =	simm.s32 $0x280;
	s12 =	simm.s32 $0x7;
	[tilespmem:$0x2C0] =	vst v6  }
0x37: {  	[spmem:s2] =	stream.indirect.scatter.add.f32 [tilespmem:s6], [sflag:$0x8], $0x80, s11, s5, $0xb8;
	[tilespmem:$0x1B380] =	vst v63  }
0x38: {  	_ =	swait.ge [sflag:s12], $0x2800  }
0x39: {  	[sflag:s12] =	ssyncset.done $0x0  }
0x3a: {  	s18 =	simm.s32 $0x8;
	[sflag:s12] =	ssyncadd.s32 $0xFFFFD800  }
0x3b: {  	_ =	swait.ge [sflag:s18], $0x2800  }
0x3c: {  	[sflag:s18] =	ssyncset.done $0x0  }
0x3d: {  	s11 =	stileid.u32;
	[sflag:s18] =	ssyncadd.s32 $0xFFFFD800  }
0x3e: {  	s10 =	sshll.u32 s11, $0x6;
	[bflag:$0x0] =	sbarrier.arrive $0xFFFF  }
0x3f: {  	s11 =	sshrl.u32 s19, $0x3;
	s10 =	sor.u32 $0x1C09, s10;
	s12 =	rddreg [dreg:$0x3]  }
0x40: {  	[hbm:s12], [sflag:s10] =	dma.local [spmem:s11], $0x500  }
0x41: {  	_ =	swait.ge [sflag:s28], $0x500  }
0x42: {  	s18 =	smov.u32 s19;
	[sflag:s28] =	ssyncset.done $0x0;
	s12 =	rddreg [dreg:$0xe]  }
0x43: {  	s19 =	rddreg [dreg:$0x4];
	[sflag:s28] =	ssyncadd.s32 $0xFFFFFB00;
	s11 =	sshrl.u32 s12, $0x3  }
0x44: {  	[hbm:s19], [sflag:s10] =	dma.local [spmem:s11], $0x500  }
0x45: {  	_ =	swait.ge [sflag:s28], $0x500  }
0x46: {  	[sflag:s28] =	ssyncset.done $0x0  }
0x47: {  	s12 =	sshrl.u32 s20, $0x3;
	s19 =	rddreg [dreg:$0x5];
	[sflag:s28] =	ssyncadd.s32 $0xFFFFFB00  }
0x48: {  	[hbm:s19], [sflag:s10] =	dma.local [spmem:s12], $0x500  }
0x49: {  	_ =	swait.ge [sflag:s28], $0x500  }
0x4a: {  	[sflag:s28] =	ssyncset.done $0x0  }
0x4b: {  	s12 =	sshrl.u32 s21, $0x3;
	s19 =	rddreg [dreg:$0x6];
	[sflag:s28] =	ssyncadd.s32 $0xFFFFFB00  }
0x4c: {  	[hbm:s19], [sflag:s10] =	dma.local [spmem:s12], $0x500  }
0x4d: {  	_ =	swait.ge [sflag:s28], $0x500  }
0x4e: {  	[sflag:s28] =	ssyncset.done $0x0  }
0x4f: {  	s12 =	sshrl.u32 s22, $0x3;
	s19 =	rddreg [dreg:$0x7];
	[sflag:s28] =	ssyncadd.s32 $0xFFFFFB00  }
0x50: {  	[hbm:s19], [sflag:s10] =	dma.local [spmem:s12], $0x500  }
0x51: {  	_ =	swait.ge [sflag:s28], $0x500  }
0x52: {  	[sflag:s28] =	ssyncset.done $0x0  }
0x53: {  	s12 =	sshrl.u32 s23, $0x3;
	s19 =	rddreg [dreg:$0x8];
	[sflag:s28] =	ssyncadd.s32 $0xFFFFFB00  }
0x54: {  	[hbm:s19], [sflag:s10] =	dma.local [spmem:s12], $0x500  }
0x55: {  	_ =	swait.ge [sflag:s28], $0x500  }
0x56: {  	[sflag:s28] =	ssyncset.done $0x0  }
0x57: {  	s12 =	sshrl.u32 s24, $0x3;
	s19 =	rddreg [dreg:$0x9];
	[sflag:s28] =	ssyncadd.s32 $0xFFFFFB00  }
0x58: {  	[hbm:s19], [sflag:s10] =	dma.local [spmem:s12], $0x500  }
0x59: {  	_ =	swait.ge [sflag:s28], $0x500  }
0x5a: {  	[sflag:s28] =	ssyncset.done $0x0  }
0x5b: {  	s11 =	sshrl.u32 @!p0 s25, $0x3;
	s12 =	rddreg [dreg:$0xa];
	[sflag:s28] =	ssyncadd.s32 $0xFFFFFB00  }
0x5c: {  	[hbm:s12], [sflag:s10] =	dma.local @!p0 [spmem:s11], $0x500  }
0x5d: {  	s10 =	simm.s32 @!p0 $0x9  }
0x5e: {  	_ =	swait.ge @!p0 [sflag:s10], $0x500  }
0x5f: {  	s17 =	sadd.s32 $0x1, s17;
	s19 =	rddreg [dreg:$0xd]  }
0x60: {  	p1 =	sne.s32 s17, s19  }
.Ltmp1:
0x61: {  	_ = 	snop;
	(pc) =	sbr.rel @!p1 .LBB2_7-.Ltmp1, $3  }
0x62: {  	_ =	sdelay $0x1  }
0x63: {  	[sflag:s10] =	ssyncset.done @!p0 $0x0  }
0x64: {  	[sflag:s10] =	ssyncadd.s32 @!p0 $0xFFFFFB00  }
.LBB2_1:
0x65: {  	s10 =	simm.s32 $0x70;
	s11 =	simm.s32 $0x3C0  }
.LBB2_2:
0x66: {  	p1 =	sne.s32 s11, $0x9FC0;
	[tilespmem:s10+$0x5300] =	vst v1  }
0x67: {  	[tilespmem:s10+$0x5290] =	vst v1  }
0x68: {  	[tilespmem:s10+$0x52A0] =	vst v1  }
.Ltmp2:
0x69: {  	[tilespmem:s10+$0x52B0] =	vst v1;
	(pc) =	sbr.rel @p1 .LBB2_2-.Ltmp2, $4  }
0x6a: {  	[tilespmem:s10+$0x52C0] =	vst v1  }
0x6b: {  	[tilespmem:s10+$0x52D0] =	vst v1  }
0x6c: {  	[tilespmem:s10+$0x52E0] =	vst v1  }
0x6d: {  	[tilespmem:s10+$0x52F0] =	vst v1;
	s10 =	sshra.s32 s11, $0x2;
	s11 =	sadd.s32 $0x200, s11  }
0x6e: {  	[tilespmem:s10+$0x5300] =	vst v1  }
0x6f: {  	[tilespmem:s10+$0x5290] =	vst v1  }
0x70: {  	[tilespmem:s10+$0x52A0] =	vst v1  }
0x71: {  	[tilespmem:s10+$0x52B0] =	vst v1  }
0x72: {  	[tilespmem:s10+$0x52C0] =	vst v1  }
0x73: {  	[tilespmem:s10+$0x52D0] =	vst v1  }
0x74: {  	[tilespmem:s10+$0x52E0] =	vst v1  }
0x75: {  	[tilespmem:s10+$0x52F0] =	vst v1  }
0x76: {  	[spmem:s18] =	stream.linear.scatter [tilespmem:s26], [sflag:$0x9], $0x2800, $0x38;
	[tilespmem:$0x1B380] =	vst v63  }
0x77: {  	_ =	swait.ge [sflag:s28], $0x2800  }
0x78: {  	[sflag:s28] =	ssyncset.done $0x0  }
0x79: {  	s12 =	rddreg [dreg:$0xe];
	[sflag:s28] =	ssyncadd.s32 $0xFFFFD800  }
0x7a: {  	[spmem:s12] =	stream.linear.scatter [tilespmem:s26], [sflag:$0x9], $0x2800, $0x38;
	[tilespmem:$0x1B380] =	vst v63  }
0x7b: {  	_ =	swait.ge [sflag:s28], $0x2800  }
0x7c: {  	[sflag:s28] =	ssyncset.done $0x0  }
0x7d: {  	[sflag:s28] =	ssyncadd.s32 $0xFFFFD800  }
0x7e: {  	[spmem:s20] =	stream.linear.scatter [tilespmem:s26], [sflag:$0x9], $0x2800, $0x38;
	[tilespmem:$0x1B380] =	vst v63  }
0x7f: {  	_ =	swait.ge [sflag:s28], $0x2800  }
0x80: {  	[sflag:s28] =	ssyncset.done $0x0  }
0x81: {  	[sflag:s28] =	ssyncadd.s32 $0xFFFFD800  }
0x82: {  	[spmem:s21] =	stream.linear.scatter [tilespmem:s26], [sflag:$0x9], $0x2800, $0x38;
	[tilespmem:$0x1B380] =	vst v63  }
0x83: {  	_ =	swait.ge [sflag:s28], $0x2800  }
0x84: {  	[sflag:s28] =	ssyncset.done $0x0  }
0x85: {  	[sflag:s28] =	ssyncadd.s32 $0xFFFFD800  }
0x86: {  	[spmem:s22] =	stream.linear.scatter [tilespmem:s26], [sflag:$0x9], $0x2800, $0x38;
	[tilespmem:$0x1B380] =	vst v63  }
0x87: {  	_ =	swait.ge [sflag:s28], $0x2800  }
0x88: {  	[sflag:s28] =	ssyncset.done $0x0  }
0x89: {  	[sflag:s28] =	ssyncadd.s32 $0xFFFFD800  }
0x8a: {  	[spmem:s23] =	stream.linear.scatter [tilespmem:s26], [sflag:$0x9], $0x2800, $0x38;
	[tilespmem:$0x1B380] =	vst v63  }
0x8b: {  	_ =	swait.ge [sflag:s28], $0x2800  }
0x8c: {  	[sflag:s28] =	ssyncset.done $0x0  }
0x8d: {  	[sflag:s28] =	ssyncadd.s32 $0xFFFFD800  }
0x8e: {  	[spmem:s24] =	stream.linear.scatter [tilespmem:s26], [sflag:$0x9], $0x2800, $0x38;
	[tilespmem:$0x1B380] =	vst v63  }
0x8f: {  	_ =	swait.ge [sflag:s28], $0x2800  }
0x90: {  	[sflag:s28] =	ssyncset.done $0x0  }
0x91: {  	s10 =	simm.s32 @!p0 $0x5300;
	[sflag:s28] =	ssyncadd.s32 $0xFFFFD800  }
0x92: {  	[spmem:s25] =	stream.linear.scatter @!p0 [tilespmem:s10], [sflag:$0x9], $0x2800, $0x38;
	[tilespmem:$0x1B380] =	vst v63  }
0x93: {  	s10 =	simm.s32 @!p0 $0x9  }
0x94: {  	_ =	swait.ge @!p0 [sflag:s10], $0x2800  }
0x95: {  	[sflag:s10] =	ssyncset.done @!p0 $0x0  }
0x96: {  	[sflag:s10] =	ssyncadd.s32 @!p0 $0xFFFFD800  }
0x97: {  	[bflag:$0x0] =	sbarrier.arrive $0xFFFF  }
0x98: {  	s10 =	simm.s32 $0x0;
	s11 =	rddreg [dreg:$0xb]  }
0x99: {  	[tilespmem:s10], [sflag:$0x1] =	stream.linear.gather [hbm4b:s11+s10], $0x50, $0x38;
	[tilespmem:$0x1B380] =	vst v63  }
0x9a: {  	s19 =	smov.u32 s18;
	s18 =	rddreg [dreg:$0xc]  }
0x9b: {  	[tilespmem:s29], [sflag:$0x3] =	stream.linear.gather [hbm4b:s18+s10], $0x50, $0x38;
	[tilespmem:$0x1B380] =	vst v63  }
.LBB2_4:
0x9c: {  	_ =	swait.ge [sflag:s30], $0x50  }
0x9d: {  	[sflag:s30] =	ssyncset.done $0x0  }
0x9e: {  	[sflag:s30] =	ssyncadd.s32 $0xFFFFFFB0  }
0x9f: {  	_ =	swait.ge [sflag:s31], $0x50  }
0xa0: {  	[sflag:s31] =	ssyncset.done $0x0  }
0xa1: {  	[sflag:s31] =	ssyncadd.s32 $0xFFFFFFB0  }
0xa2: {  	v2 =	vld [tilespmem:$0x0]  }
0xa3: {  	v3 =	vld [tilespmem:$0x10]  }
0xa4: {  	v4 =	vld [tilespmem:$0x20]  }
0xa5: {  	v5 =	vld [tilespmem:$0x30]  }
0xa6: {  	v6 =	vld [tilespmem:$0x40]  }
0xa7: {  	v2 =	vadd.s32 v0, v2  }
0xa8: {  	[tilespmem:$0x0] =	vst v2;
	v2 =	vadd.s32 v0, v3  }
0xa9: {  	[tilespmem:$0x10] =	vst v2;
	v2 =	vadd.s32 v0, v4  }
0xaa: {  	[tilespmem:$0x20] =	vst v2;
	v2 =	vadd.s32 v0, v5  }
0xab: {  	p1 =	sne.s32 s10, $0x0;
	[tilespmem:$0x30] =	vst v2;
	v2 =	vadd.s32 v0, v6  }
0xac: {  	s11 =	simm.s32 @p1 $0x7;
	[tilespmem:$0x40] =	vst v2  }
0xad: {  	_ =	swait.ge @p1 [sflag:s11], $0x2800  }
0xae: {  	s12 =	simm.s32 @p1 $0x0;
	[sflag:s11] =	ssyncset.done @p1 $0x0  }
0xaf: {  	s18 =	simm.s32 @p1 $0x300;
	[sflag:s11] =	ssyncadd.s32 @p1 $0xFFFFD800;
	s11 =	simm.s32 @p1 $0x50  }
0xb0: {  	[tilespmem:s18], [sflag:$0x5] =	stream.indirect.gather @p1 [hbm4b:s16+s11], $0x80, s12, s11, $0xb8;
	[tilespmem:$0x1B380] =	vst v63  }
0xb1: {  	s12 =	simm.s32 @p1 $0x6  }
0xb2: {  	_ =	swait.ge @p1 [sflag:s12], $0x2800  }
0xb3: {  	[sflag:s12] =	ssyncset.done @p1 $0x0  }
0xb4: {  	[sflag:s12] =	ssyncadd.s32 @p1 $0xFFFFD800  }
0xb5: {  	v2 =	vld @p1 [tilespmem:$0x180]  }
0xb6: {  	v3 =	vld @p1 [tilespmem:$0x190]  }
0xb7: {  	v4 =	vld @p1 [tilespmem:$0x1A0]  }
0xb8: {  	v5 =	vld @p1 [tilespmem:$0x1B0]  }
0xb9: {  	v6 =	vld @p1 [tilespmem:$0x1C0]  }
0xba: {  	[tilespmem:$0x280] =	vst @p1 v2  }
0xbb: {  	[tilespmem:$0x290] =	vst @p1 v3  }
0xbc: {  	[tilespmem:$0x2A0] =	vst @p1 v4  }
0xbd: {  	[tilespmem:$0x2B0] =	vst @p1 v5  }
0xbe: {  	s18 =	simm.s32 @p1 $0x2B00;
	s12 =	simm.s32 @p1 $0x280;
	[tilespmem:$0x2C0] =	vst @p1 v6  }
0xbf: {  	[spmem:s2] =	stream.indirect.scatter.add.f32 @p1 [tilespmem:s18], [sflag:$0x8], $0x80, s12, s11, $0xb8;
	[tilespmem:$0x1B380] =	vst v63  }
0xc0: {  	s11 =	simm.s32 @!p1 $0x50;
	s12 =	simm.s32 @!p1 $0x0;
	s18 =	simm.s32 @!p1 $0x300  }
0xc1: {  	[tilespmem:s18], [sflag:$0x5] =	stream.indirect.gather @!p1 [hbm4b:s16+s11], $0x80, s12, s11, $0xb8;
	[tilespmem:$0x1B380] =	vst v63  }
0xc2: {  	s11 =	sadd.s32 s10, s15  }
0xc3: {  	s12 =	sadd.s32 s10, s13;
	s18 =	sadd.s32 $0xA, s11  }
0xc4: {  	[tilespmem:s0], [sflag:$0x2] =	stream.linear.gather [hbm4b:s18+s14], $0x50, $0x38;
	[tilespmem:$0x1B380] =	vst v63  }
0xc5: {  	s18 =	sadd.s32 $0xA, s12  }
0xc6: {  	[tilespmem:s1], [sflag:$0x4] =	stream.linear.gather [hbm4b:s18+s14], $0x50, $0x38;
	[tilespmem:$0x1B380] =	vst v63  }
0xc7: {  	_ =	swait.ge [sflag:s3], $0x50  }
0xc8: {  	[sflag:s3] =	ssyncset.done $0x0  }
0xc9: {  	[sflag:s3] =	ssyncadd.s32 $0xFFFFFFB0  }
0xca: {  	_ =	swait.ge [sflag:s4], $0x50  }
0xcb: {  	[sflag:s4] =	ssyncset.done $0x0  }
0xcc: {  	[sflag:s4] =	ssyncadd.s32 $0xFFFFFFB0  }
0xcd: {  	v2 =	vld [tilespmem:$0x80]  }
0xce: {  	v3 =	vld [tilespmem:$0x90]  }
0xcf: {  	v58 =	vld [tilespmem:$0xA0]  }
0xd0: {  	v59 =	vld [tilespmem:$0xB0]  }
0xd1: {  	v60 =	vld [tilespmem:$0xC0]  }
0xd2: {  	v2 =	vadd.s32 v0, v2  }
0xd3: {  	[tilespmem:$0x80] =	vst v2;
	v2 =	vadd.s32 v0, v3  }
0xd4: {  	[tilespmem:$0x90] =	vst v2;
	v2 =	vadd.s32 v0, v58  }
0xd5: {  	[tilespmem:$0xA0] =	vst v2;
	v2 =	vadd.s32 v0, v59  }
0xd6: {  	p1 =	seq.s32 s10, $0x0;
	[tilespmem:$0xB0] =	vst v2;
	v2 =	vadd.s32 v0, v60  }
0xd7: {  	s18 =	simm.s32 @!p1 $0x8;
	[tilespmem:$0xC0] =	vst v2  }
0xd8: {  	_ =	swait.ge @!p1 [sflag:s18], $0x2800  }
0xd9: {  	[sflag:s18] =	ssyncset.done @!p1 $0x0  }
0xda: {  	[sflag:s18] =	ssyncadd.s32 @!p1 $0xFFFFD800  }
0xdb: {  	[tilespmem:s6], [sflag:$0x6] =	stream.indirect.gather [hbm4b:s16+s5], $0x80, s0, s5, $0xb8;
	[tilespmem:$0x1B380] =	vst v63  }
0xdc: {  	_ =	swait.ge [sflag:s7], $0x2800  }
0xdd: {  	[sflag:s7] =	ssyncset.done $0x0  }
0xde: {  	[sflag:s7] =	ssyncadd.s32 $0xFFFFD800  }
0xdf: {  	v2 =	vld [tilespmem:$0x100]  }
0xe0: {  	v3 =	vld [tilespmem:$0x110]  }
0xe1: {  	v61 =	vld [tilespmem:$0x120]  }
0xe2: {  	v62 =	vld [tilespmem:$0x130]  }
0xe3: {  	v63 =	vld [tilespmem:$0x140]  }
0xe4: {  	p1 =	seq.s32 s10, $0x9B0;
	[tilespmem:$0x200] =	vst v2  }
.Ltmp3:
0xe5: {  	[tilespmem:$0x210] =	vst v3;
	(pc) =	sbr.rel @p1 .LBB2_6-.Ltmp3, $4  }
0xe6: {  	[tilespmem:$0x220] =	vst v61  }
0xe7: {  	[tilespmem:$0x230] =	vst v62  }
0xe8: {  	[tilespmem:$0x240] =	vst v63  }
0xe9: {  	[spmem:s2] =	stream.indirect.scatter.add.f32 [tilespmem:s9], [sflag:$0x7], $0x80, s8, s5, $0xb8;
	[tilespmem:$0x1B380] =	vst v63  }
.Ltmp4:
0xea: {  	(pc) =	sbr.rel .LBB2_4-.Ltmp4, $4  }
0xeb: {  	s11 =	sadd.s32 $0x14, s11  }
0xec: {  	[tilespmem:s14], [sflag:$0x1] =	stream.linear.gather [hbm4b:s11+s14], $0x50, $0x38;
	[tilespmem:$0x1B380] =	vst v63  }
0xed: {  	s18 =	sadd.s32 $0x14, s12;
	s10 =	sadd.s32 $0x14, s10  }
0xee: {  	[tilespmem:s29], [sflag:$0x3] =	stream.linear.gather [hbm4b:s18+s14], $0x50, $0x38;
	[tilespmem:$0x1B380] =	vst v63  }
.LBB2_7:
0xef: {  	_ =	sfence.sel $0x180000  }
0xf0: {  	[bflag:$0x0] =	sbarrier.arrive $0xFFFF  }
0xf1: {  	_ =	strace $0x90000050  }
0xf2: {  	s0 =	stileid.u32;
	[bflag:$0x2] =	sbarrier.arrive $0xFFFF  }
0xf3: {  	p0 =	sne.s32 s0, $0x0;
	s0 =	rddreg [dreg:$0x2]  }
0xf4: {  	s0 =	sadd.s32 @!p0 $0x100000, s0  }
0xf5: {  	[sflag:s0] =	ssyncadd.tile.s32 @!p0 $0x1;
	_ =	shalt  }
.Lfunc_end2:
_tile_overlayer_lowered:
.L_overlay_start_2:
0xf6: {  	(tag) =	ssettag $0x2  }
0xf7: {  	s0 =	rddreg [dreg:$0x0];
	s2 =	stileid.u32  }
0xf8: {  	s1 =	rddreg [dreg:$0x1];
	p0 =	sne.s32 s2, $0x0  }
0xf9: {  	s3 =	rddreg [dreg:$0x2];
	[bflag:$0x3] =	sbarrier.arrive $0xFFFF;
	s2 =	simm.s32 @!p0 $0x1C09  }
0xfa: {  	[timem:s3], [sflag:s2] =	dma.local @!p0 [hbm:s0], s1  }
0xfb: {  	s0 =	simm.s32 @!p0 $0x9  }
0xfc: {  	_ =	swait.ge @!p0 [sflag:s0], s1  }
0xfd: {  	s1 =	ssub.s32 @!p0 $0x0, s1;
	[sflag:s0] =	ssyncset.done @!p0 $0x0  }
0xfe: {  	[sflag:s0] =	ssyncadd.s32 @!p0 s1  }
0xff: {  	[bflag:$0x3] =	sbarrier.arrive $0xFFFF  }
0x100: {  	_ =	shalt  }

// kernel: kernel.7.cloned.1.call-start
scs
__scs_entry_jumppad:
0x0: {  	(pc) =	sbr.rel $0x88, $3  }
0x1: {  	(tag) =	ssettag $0x0;
	lr =	simm.s32 $0x1  }
0x2: {  	[smem:$0x3F96] =	sst lr;
	_ =	strace $0xD0000000  }
0x3: {  	_ = 	snop  }
0x4: {  	_ = 	snop  }
0x5: {  	_ = 	snop  }
0x6: {  	_ = 	snop  }
0x7: {  	_ = 	snop  }
__scs_overlays_trampoline_lowered:
0x8: {  	[smem:$0x3FA5] =	sst s0  }
0x9: {  	[smem:$0x3FA6] =	sst s1  }
0xa: {  	[smem:$0x3FA7] =	sst s2  }
0xb: {  	[smem:$0x3FA8] =	sst s3  }
0xc: {  	[smem:$0x3FA9] =	sst s4  }
0xd: {  	[smem:$0x3FAA] =	sst s5  }
0xe: {  	[smem:$0x3FAB] =	sst s6  }
0xf: {  	[smem:$0x3FAC] =	sst s7  }
0x10: {  	[smem:$0x3FAD] =	sst s8  }
0x11: {  	[smem:$0x3FAE] =	sst s9;
	s0 =	simm.s32 @!p0 $0x0  }
0x12: {  	s1 =	sld [smem:$0x3F94];
	s0 =	simm.s32 @p0 $0x1  }
0x13: {  	[smem:$0x3FAF] =	sst s0;
	s0 =	simm.s32 @!p1 $0x0  }
0x14: {  	s2 =	sld [smem:$0x3F93];
	s0 =	simm.s32 @p1 $0x1  }
0x15: {  	[smem:$0x3FB0] =	sst s0;
	s0 =	simm.s32 @!p2 $0x0  }
0x16: {  	s3 =	sld [smem:$0x3FDB];
	s0 =	simm.s32 @p2 $0x1  }
0x17: {  	s4 =	simm.s32 $0x1BF5;
	[smem:$0x3FB2] =	sst s0  }
0x18: {  	s0 =	sld [smem:$0x3F95];
	_ =	swait.ge [sflag:s4], $0x0  }
0x19: {  	s7 =	sld [smem:$0x3F96]  }
0x1a: {  	s8 =	sadd.s32 $0xFFFFE003, lr  }
0x1b: {  	s9 =	sadd.s32 $0xFFFFFEF7, lr;
	s5 =	simm.s32 $0xFFFFFFFF;
	p2 =	slt.u32 s8, $0xFFFFF086  }
0x1c: {  	p1 =	slt.u32 s9, $0xF7A;
	s5 =	simm.s32 @!p2 $0x0  }
0x1d: {  	s5 =	simm.s32 @p1 $0x1;
	p0 =	seq.s32 s7, s2  }
0x1e: {  	s7 =	smul.u32 @!p0 $0xF7A, s2;
	p2 =	seq.s32 @!p0 s5, $0x0  }
0x1f: {  	s9 =	smul.u32 $0xF7A, s1;
	s8 =	simm.s32 @!p0 $0x1BF5;
	p2 =	por !p2, p0  }
0x20: {  	[sflag:s8] =	ssyncset.s32 @!p0 $0xFFFFF086;
	s6 =	sadd.s32 @!p0 s3, s7;
	s7 =	simm.s32 @!p0 $0x108  }
0x21: {  	s3 =	sadd.s32 s3, s9;
	s6 =	sadd.s32 @!p0 $0x88, s6;
	s7 =	simm.s32 @p2 $0x1082  }
0x22: {  	[simem:s7], [sflag:s8] =	dma.local @!p0 [hbm:s6], $0xF7A  }
0x23: {  	s9 =	sor.u32 $0xD0000000, s2;
	s6 =	simm.s32 $0x108;
	_ =	swait.ge @!p0 [sflag:s8], $0x0  }
0x24: {  	s3 =	sadd.s32 $0x88, s3;
	s6 =	simm.s32 @!p1 $0x1082;
	[sflag:s4] =	ssyncset.s32 $0xFFFFF086  }
0x25: {  	[simem:s6], [sflag:s4] =	dma.local [hbm:s3], $0xF7A  }
0x26: {  	[smem:$0x3F96] =	sst s1;
	(tag) =	ssettag s2;
	_ =	strace s9  }
0x27: {  	s1 =	sld [smem:$0x3FA6]  }
0x28: {  	s2 =	sld [smem:$0x3FA7]  }
0x29: {  	s4 =	sld [smem:$0x3FA9]  }
0x2a: {  	p0 =	seq.s32 s5, $0x0;
	s5 =	sld [smem:$0x3FAA]  }
0x2b: {  	s6 =	sld [smem:$0x3FAB]  }
0x2c: {  	s7 =	sld [smem:$0x3FAC]  }
0x2d: {  	s3 =	simm.s32 $0x108;
	s8 =	sld [smem:$0x3FAD]  }
0x2e: {  	s3 =	simm.s32 @!p0 $0x1082;
	s9 =	sld [smem:$0x3FAE]  }
0x2f: {  	lr =	sadd.s32 s0, s3;
	s0 =	sld [smem:$0x3FA5]  }
0x30: {  	s3 =	sld [smem:$0x3FA8]  }
0x31: {  	[smem:$0x3FB1] =	sst s10  }
0x32: {  	s10 =	sld [smem:$0x3FAF];
	_ =	sdelay $0x3  }
0x33: {  	p0 =	seq.s32 s10, $0x1;
	s10 =	sld [smem:$0x3FB1];
	_ =	sdelay $0x3  }
0x34: {  	[smem:$0x3FB1] =	sst s10  }
0x35: {  	s10 =	sld [smem:$0x3FB0];
	_ =	sdelay $0x3  }
0x36: {  	p1 =	seq.s32 s10, $0x1;
	s10 =	sld [smem:$0x3FB1];
	_ =	sdelay $0x3  }
0x37: {  	[smem:$0x3FB1] =	sst s10  }
0x38: {  	s10 =	sld [smem:$0x3FB2]  }
0x39: {  	_ = 	snop;
	(pc) =	sbr.ind lr, $3  }
0x3a: {  	_ = 	snop  }
0x3b: {  	_ = 	snop  }
0x3c: {  	p2 =	seq.s32 s10, $0x1;
	s10 =	sld [smem:$0x3FB1]  }
0x3d: {  	_ =	shalt  }
0x3e: {  	_ =	shalt  }
0x3f: {  	_ =	shalt  }
0x40: {  	_ =	shalt  }
0x41: {  	_ =	shalt  }
0x42: {  	_ =	shalt  }
0x43: {  	_ =	shalt  }
0x44: {  	_ =	shalt  }
0x45: {  	_ =	shalt  }
0x46: {  	_ =	shalt  }
0x47: {  	_ =	shalt  }
0x48: {  	_ =	shalt  }
0x49: {  	_ =	shalt  }
0x4a: {  	_ =	shalt  }
0x4b: {  	_ =	shalt  }
0x4c: {  	_ =	shalt  }
0x4d: {  	_ =	shalt  }
0x4e: {  	_ =	shalt  }
0x4f: {  	_ =	shalt  }
0x50: {  	_ =	shalt  }
0x51: {  	_ =	shalt  }
0x52: {  	_ =	shalt  }
0x53: {  	_ =	shalt  }
0x54: {  	_ =	shalt  }
0x55: {  	_ =	shalt  }
0x56: {  	_ =	shalt  }
0x57: {  	_ =	shalt  }
0x58: {  	_ =	shalt  }
0x59: {  	_ =	shalt  }
0x5a: {  	_ =	shalt  }
0x5b: {  	_ =	shalt  }
0x5c: {  	_ =	shalt  }
0x5d: {  	_ =	shalt  }
0x5e: {  	_ =	shalt  }
0x5f: {  	_ =	shalt  }
0x60: {  	_ =	shalt  }
0x61: {  	_ =	shalt  }
0x62: {  	_ =	shalt  }
0x63: {  	_ =	shalt  }
0x64: {  	_ =	shalt  }
0x65: {  	_ =	shalt  }
0x66: {  	_ =	shalt  }
0x67: {  	_ =	shalt  }
0x68: {  	_ =	shalt  }
0x69: {  	_ =	shalt  }
0x6a: {  	_ =	shalt  }
0x6b: {  	_ =	shalt  }
0x6c: {  	_ =	shalt  }
0x6d: {  	_ =	shalt  }
0x6e: {  	_ =	shalt  }
0x6f: {  	_ =	shalt  }
0x70: {  	_ =	shalt  }
0x71: {  	_ =	shalt  }
0x72: {  	_ =	shalt  }
0x73: {  	_ =	shalt  }
0x74: {  	_ =	shalt  }
0x75: {  	_ =	shalt  }
0x76: {  	_ =	shalt  }
0x77: {  	_ =	shalt  }
0x78: {  	_ =	shalt  }
0x79: {  	_ =	shalt  }
0x7a: {  	_ =	shalt  }
0x7b: {  	_ =	shalt  }
0x7c: {  	_ =	shalt  }
0x7d: {  	_ =	shalt  }
0x7e: {  	_ =	shalt  }
0x7f: {  	_ =	shalt  }
0x80: {  	_ =	shalt  }
0x81: {  	_ =	shalt  }
0x82: {  	_ =	shalt  }
0x83: {  	_ =	shalt  }
0x84: {  	_ =	shalt  }
0x85: {  	_ =	shalt  }
0x86: {  	_ =	shalt  }
0x87: {  	_ =	shalt  }
.Lfunc_end0:
.L_simem_size_0:
called_computation.1_lowered:
.L_overlay_start_0:
0x88: {  	s2 =	sld [smem:$0x3FD9]  }
0x89: {  	s3 =	sld [smem:$0x3FFE];
	_ =	sdelay $0x1  }
0x8a: {  	s1 =	srdreg.scid  }
0x8b: {  	s0 =	sand.u32 $0x1, s1  }
0x8c: {  	s17 =	sshll.u32 s0, $0xA;
	s2 =	sadd.s32 s3, s2  }
0x8d: {  	s2 =	sadd.s32 s2, s17  }
0x8e: {  	[smem:$0x3FBD] =	sst s2  }
0x8f: {  	_ = 	snop  }
0x90: {  	s18 =	sld [smem:$0x3FC9];
	(tm) =	ssettm $0x1  }
0x91: {  	s19 =	sld [smem:$0x3FFB];
	_ =	sdelay $0x3  }
0x92: {  	_ =	strace s19  }
0x93: {  	s2 =	sld [smem:$0x3FFC];
	_ =	sdelay $0x3  }
0x94: {  	_ =	strace s2  }
0x95: {  	s2 =	sld [smem:$0x3FFD];
	_ =	sdelay $0x3  }
0x96: {  	_ =	strace s2  }
0x97: {  	_ =	strace $0x8FFFFFFF  }
0x98: {  	s20 =	sld [smem:$0x3FDB];
	_ =	sdelay $0x1  }
0x99: {  	s4 =	simm.s32 $_scs_section_size  }
0x9a: {  	s5 =	simm.s32 $_size__tile_overlayer_lowered;
	s6 =	simm.s32 $_tile_overlayer_lowered  }
0x9b: {  	s7 =	simm.s32 $0x1BFF;
	s21 =	sshll.u32 s6, $0x1;
	s4 =	sadd.s32 s4, s20  }
0x9c: {  	s22 =	simm.s32 $0x0;
	s5 =	sshll.u32 s5, $0x1;
	s6 =	sadd.s32 s21, s4  }
0x9d: {  	[timem:s22], [sflag:s7] =	dma.local [hbm:s6], s5  }
0x9e: {  	_ =	swait.ge [sflag:s7], s5  }
0x9f: {  	s5 =	ssub.s32 $0x0, s5;
	[sflag:s7] =	ssyncset.done $0x0  }
0xa0: {  	[sflag:s7] =	ssyncadd.s32 s5;
	_ =	sdelay $0x1  }
0xa1: {  	s23 =	simm.s32 $0x1B8B  }
0xa2: {  	_ =	swait.ge [sflag:s23], $0x1  }
0xa3: {  	[sflag:s23] =	ssyncset.done $0x0  }
0xa4: {  	[sflag:s23] =	ssyncadd.s32 $0xFFFFFFFF  }
0xa5: {  	s5 =	sld [smem:$0x0]  }
0xa6: {  	s6 =	sand.u32 $0xFFFFFFFE, s1  }
0xa7: {  	p0 =	sne.s32 s1, s6  }
0xa8: {  	s6 =	sshll.u32 @p0 s6, $0xE  }
0xa9: {  	s6 =	sadd.s32 @p0 $0x11B8D, s6;
	s7 =	sshll.u32 @p0 s5, $0x11  }
0xaa: {  	s6 =	sor.u32 @p0 s7, s6  }
0xab: {  	[sflag:s6] =	ssyncadd.remote.s32 @p0 $0x1;
	_ =	sdelay $0x1  }
0xac: {  	s6 =	simm.s32 @p0 $0x1B8D  }
0xad: {  	_ =	swait.eq @p0 [sflag:s6], $0x1  }
0xae: {  	[sflag:s6] =	ssyncadd.s32 @p0 $0xFFFFFFFF  }
0xaf: {  	s7 =	sshll.u32 @!p0 s1, $0xE  }
0xb0: {  	s7 =	sor.u32 @!p0 $0x4000, s7;
	s6 =	simm.s32 @!p0 $0x1B8D  }
0xb1: {  	s5 =	sshll.u32 @!p0 s5, $0x11;
	s7 =	sadd.s32 @!p0 $0x11B8D, s7;
	_ =	swait.eq @!p0 [sflag:s6], $0x1  }
0xb2: {  	s5 =	sor.u32 @!p0 s5, s7;
	[sflag:s6] =	ssyncadd.s32 @!p0 $0xFFFFFFFF  }
0xb3: {  	s25 =	simm.s32 $0x1B8E;
	s24 =	sld [smem:$0x3FFE];
	[sflag:s5] =	ssyncadd.remote.s32 @!p0 $0x1  }
0xb4: {  	s26 =	simm.s32 $execute0_lowered;
	[smem:$0x3FD2] =	sst s25  }
0xb5: {  	s6 =	sshll.u32 s26, $0x1;
	_ =	strace $0x80000049;
	[dreg:$0x1] =	wrdreg $0xFFFFFFFF  }
0xb6: {  	s28 =	simm.s32 $_size_execute0_lowered;
	s4 =	sadd.s32 s4, s6;
	[dreg:$0x0] =	wrdreg $0x0  }
0xb7: {  	s6 =	sshll.u32 s28, $0x1;
	[dreg:$0x2] =	wrdreg s4  }
0xb8: {  	[dreg:$0x3] =	wrdreg s6  }
0xb9: {  	[dreg:$0x4] =	wrdreg $0xC0  }
0xba: {  	_ =	task [dreg:s22], $0x5FFFF  }
0xbb: {  	[dreg:$0x1] =	wrdreg $0xFFFFFFFF  }
0xbc: {  	[dreg:$0x0] =	wrdreg $0x60  }
0xbd: {  	[dreg:$0x2] =	wrdreg s24  }
0xbe: {  	[dreg:$0x3] =	wrdreg s18  }
0xbf: {  	[dreg:$0x4] =	wrdreg $0x7B000  }
0xc0: {  	[dreg:$0x5] =	wrdreg $0x9  }
0xc1: {  	_ =	task.clear_ibuf [dreg:s22], $0x6FFFF;
	_ =	strace $0x90000049  }
0xc2: {  	s29 =	simm.s32 $0x9;
	_ =	strace $0x8000004B  }
0xc3: {  	_ =	swait.ge [sflag:s29], $0x1  }
0xc4: {  	[sflag:s29] =	ssyncadd.s32 $0xFFFFFFFF  }
0xc5: {  	_ =	strace $0x9000004B  }
0xc6: {  	_ =	sfence  }
0xc7: {  	s30 =	sld [smem:$0x0];
	_ =	sdelay $0x2  }
0xc8: {  	s31 =	sshll.u32 s1, $0xD;
	s1 =	sshrl.u32 s1, $0x2  }
0xc9: {  	s4 =	sand.u32 $0x4000, s31;
	s1 =	sadd.s32 s1, s30  }
0xca: {  	s0 =	sor.u32 s4, s0;
	s1 =	sshll.u32 s1, $0x11  }
0xcb: {  	s0 =	sor.u32 s1, s0  }
0xcc: {  	s0 =	sadd.s32 $0x8F2B, s0  }
0xcd: {  	[sflag:s0] =	ssyncadd.remote.s32 $0x1  }
0xce: {  	_ =	sfence.sel $0xFFFF  }
0xcf: {  	[dreg:$0x0] =	wrdreg $0xFFFFFFFF;
	(pc) =	sbr.abs _section_cstart, $3  }
0xd0: {  	[dreg:$0x1] =	wrdreg $0xFFFFFFFF  }
0xd1: {  	_ =	task.clear_ibuf [dreg:s22], $0x2FFFF;
	_ =	strace $0x9FFFFFFF  }
0xd2: {  	(tm) =	ssettm $0x7FFFFFFF  }
0xd3: {  	_ =	shalt  }
tec
execute0_lowered:
.L_overlay_start_1:
0x0: {  	(tag) =	ssettag $0x1  }
0x1: {  	s0 =	rddreg [dreg:$0x0]  }
0x2: {  	s1 =	rddreg [dreg:$0x1]  }
0x3: {  	s2 =	srdreg.scid;
	s3 =	rddreg [dreg:$0x2]  }
0x4: {  	s20 =	stileid.u32;
	s4 =	simm.s32 $0x0;
	s28 =	simm.s32 $0x5300  }
0x5: {  	s29 =	simm.s32 $0x9;
	s30 =	simm.s32 $0x100;
	s8 =	smul.u32 $0x500, s20  }
0x6: {  	s31 =	simm.s32 $0x1;
	s2 =	sand.u32 $0x1, s2;
	s25 =	smul.u32 $0x2710, s20  }
0x7: {  	[smem:$0x7FF] =	sst s4;
	s7 =	sor.u32 $0x10, s20;
	s6 =	smul.u32 $0x27100, s2  }
0x8: {  	s10 =	sor.u32 $0x20, s20;
	s12 =	sor.u32 $0x30, s20;
	s11 =	smul.u32 $0x500, s7  }
0x9: {  	s16 =	sor.u32 $0x40, s20;
	s17 =	sor.u32 $0x50, s20;
	s13 =	smul.u32 $0x500, s10  }
0xa: {  	s18 =	sor.u32 $0x60, s20;
	s21 =	sor.u32 $0x70, s20;
	s15 =	smul.u32 $0x500, s12  }
0xb: {  	s5 =	sshll.u32 s2, $0x4;
	s2 =	ssub.s32 $0x2, s2;
	s26 =	smul.u32 $0x500, s16  }
0xc: {  	_ =	strace $0x8000004A;
	s19 =	smul.u32 $0x500, s17;
	s14 =	sshrl.u32 s2, $0x1  }
0xd: {  	s22 =	smul.u32 $0x500, s21;
	s9 =	sadd.s32 s6, s0;
	s2 =	ssub.s32 s2, s14  }
0xe: {  	s7 =	smul.u32 $0xA000, s7;
	s9 =	sadd.s32 $0x32E00, s9;
	s2 =	smax.u32 s2, $0x1  }
0xf: {  	p0 =	sgt.u32 s21, $0x7C;
	s8 =	sadd.s32 s9, s8;
	[dreg:$0x10] =	wrdreg s2  }
0x10: {  	s5 =	sor.u32 s20, s5;
	s11 =	sadd.s32 s9, s11;
	[dreg:$0x6] =	wrdreg s8  }
0x11: {  	s5 =	smul.u32 $0x2710, s5;
	s13 =	sadd.s32 s9, s13;
	[dreg:$0x7] =	wrdreg s11  }
0x12: {  	s14 =	sadd.s32 $0x1F200, s0;
	s23 =	sadd.s32 s9, s15;
	[dreg:$0x8] =	wrdreg s13  }
0x13: {  	s24 =	sadd.s32 s9, s26;
	s26 =	sadd.s32 s9, s19;
	[dreg:$0x9] =	wrdreg s23  }
0x14: {  	s15 =	sadd.s32 s9, s22;
	s19 =	sadd.s32 s25, s6;
	[dreg:$0xa] =	wrdreg s24  }
0x15: {  	s22 =	sshrl.u32 s5, $0x3;
	s8 =	smul.u32 $0x500, s18;
	[dreg:$0xb] =	wrdreg s26  }
0x16: {  	[dreg:$0xd] =	wrdreg s15;
	s15 =	sadd.s32 $0x15400, s0;
	s23 =	smul.u32 $0xA000, s10  }
0x17: {  	s0 =	sadd.s32 $0xA0, s19;
	s24 =	simm.s32 $0x180;
	s26 =	smul.u32 $0xA000, s20  }
0x18: {  	s25 =	sadd.s32 s14, s22;
	s11 =	smul.u32 $0xA000, s16;
	[dreg:$0x4] =	wrdreg s0  }
0x19: {  	s10 =	sshrl.u32 s7, $0x2;
	s16 =	smul.u32 $0xA000, s18;
	[dreg:$0x5] =	wrdreg s24  }
0x1a: {  	[dreg:$0xe] =	wrdreg s25;
	s6 =	sadd.s32 s15, s22;
	s22 =	sadd.s32 s10, s3  }
0x1b: {  	s10 =	simm.s32 $0x5;
	s8 =	sadd.s32 s9, s8;
	s9 =	smul.u32 $0xA000, s12  }
0x1c: {  	[dreg:$0xf] =	wrdreg s6;
	s0 =	sshrl.u32 s26, $0x2;
	s12 =	smul.u32 $0xA000, s17  }
0x1d: {  	s13 =	sshrl.u32 s23, $0x2;
	s7 =	sshrl.u32 s11, $0x2;
	s17 =	smul.u32 $0xA000, s21  }
0x1e: {  	s19 =	sshrl.u32 s16, $0x2;
	s6 =	simm.s32 $0x2;
	s11 =	simm.s32 $0x200  }
0x1f: {  	[dreg:$0xc] =	wrdreg s8;
	s20 =	sadd.s32 s0, s3;
	s21 =	sadd.s32 s13, s3  }
0x20: {  	s18 =	sadd.s32 s7, s3;
	s25 =	sadd.s32 s19, s3;
	s7 =	simm.s32 $0x4  }
0x21: {  	s8 =	simm.s32 $0x50;
	s13 =	simm.s32 $0x7;
	s2 =	sshrl.u32 s9, $0x2  }
0x22: {  	[dreg:$0x12] =	wrdreg s18;
	s0 =	sshrl.u32 s12, $0x2;
	s24 =	sshrl.u32 s17, $0x2  }
0x23: {  	[dreg:$0x14] =	wrdreg s25;
	s9 =	simm.s32 $0x2B00;
	s0 =	sadd.s32 s0, s3  }
0x24: {  	s12 =	simm.s32 $0x300;
	s26 =	sadd.s32 s24, s3;
	[dreg:$0x13] =	wrdreg s0  }
0x25: {  	s18 =	simm.s32 $0x0;
	s23 =	sadd.s32 s2, s3;
	[dreg:$0x15] =	wrdreg s26  }
0x26: {  	v0 =	vimm.f32 $0.0e+00;
	s2 =	simm.s32 $0x80;
	s0 =	simm.s32 $0x3;
	[dreg:$0x11] =	wrdreg s23  }
.LBB2_1:
0x27: {  	s16 =	simm.s32 $0x70;
	s17 =	simm.s32 $0x3C0  }
.LBB2_2:
0x28: {  	p1 =	sne.s32 s17, $0x9FC0;
	[tilespmem:s16+$0x5300] =	vst v0  }
0x29: {  	[tilespmem:s16+$0x5290] =	vst v0  }
0x2a: {  	[tilespmem:s16+$0x52A0] =	vst v0  }
.Ltmp0:
0x2b: {  	[tilespmem:s16+$0x52B0] =	vst v0;
	(pc) =	sbr.rel @p1 .LBB2_2-.Ltmp0, $4  }
0x2c: {  	[tilespmem:s16+$0x52C0] =	vst v0  }
0x2d: {  	[tilespmem:s16+$0x52D0] =	vst v0  }
0x2e: {  	[tilespmem:s16+$0x52E0] =	vst v0  }
0x2f: {  	[tilespmem:s16+$0x52F0] =	vst v0;
	s16 =	sshra.s32 s17, $0x2;
	s17 =	sadd.s32 $0x200, s17  }
0x30: {  	[tilespmem:s16+$0x5300] =	vst v0  }
0x31: {  	[tilespmem:s16+$0x5290] =	vst v0  }
0x32: {  	[tilespmem:s16+$0x52A0] =	vst v0  }
0x33: {  	[tilespmem:s16+$0x52B0] =	vst v0  }
0x34: {  	[tilespmem:s16+$0x52C0] =	vst v0  }
0x35: {  	[tilespmem:s16+$0x52D0] =	vst v0  }
0x36: {  	[tilespmem:s16+$0x52E0] =	vst v0  }
0x37: {  	[tilespmem:s16+$0x52F0] =	vst v0  }
0x38: {  	[spmem:s20] =	stream.linear.scatter [tilespmem:s28], [sflag:$0x9], $0x2800, $0x38;
	[tilespmem:$0x1B380] =	vst v63  }
0x39: {  	_ =	swait.ge [sflag:s29], $0x2800  }
0x3a: {  	[sflag:s29] =	ssyncset.done $0x0  }
0x3b: {  	[sflag:s29] =	ssyncadd.s32 $0xFFFFD800  }
0x3c: {  	[spmem:s22] =	stream.linear.scatter [tilespmem:s28], [sflag:$0x9], $0x2800, $0x38;
	[tilespmem:$0x1B380] =	vst v63  }
0x3d: {  	_ =	swait.ge [sflag:s29], $0x2800  }
0x3e: {  	[sflag:s29] =	ssyncset.done $0x0  }
0x3f: {  	[sflag:s29] =	ssyncadd.s32 $0xFFFFD800  }
0x40: {  	[spmem:s21] =	stream.linear.scatter [tilespmem:s28], [sflag:$0x9], $0x2800, $0x38;
	[tilespmem:$0x1B380] =	vst v63  }
0x41: {  	_ =	swait.ge [sflag:s29], $0x2800  }
0x42: {  	[sflag:s29] =	ssyncset.done $0x0  }
0x43: {  	[sflag:s29] =	ssyncadd.s32 $0xFFFFD800  }
0x44: {  	[spmem:s23] =	stream.linear.scatter [tilespmem:s28], [sflag:$0x9], $0x2800, $0x38;
	[tilespmem:$0x1B380] =	vst v63  }
0x45: {  	_ =	swait.ge [sflag:s29], $0x2800  }
0x46: {  	[sflag:s29] =	ssyncset.done $0x0  }
0x47: {  	s19 =	rddreg [dreg:$0x12];
	[sflag:s29] =	ssyncadd.s32 $0xFFFFD800  }
0x48: {  	[spmem:s19] =	stream.linear.scatter [tilespmem:s28], [sflag:$0x9], $0x2800, $0x38;
	[tilespmem:$0x1B380] =	vst v63  }
0x49: {  	_ =	swait.ge [sflag:s29], $0x2800  }
0x4a: {  	[sflag:s29] =	ssyncset.done $0x0  }
0x4b: {  	s24 =	smov.u32 s20;
	s20 =	rddreg [dreg:$0x13];
	[sflag:s29] =	ssyncadd.s32 $0xFFFFD800  }
0x4c: {  	[spmem:s20] =	stream.linear.scatter [tilespmem:s28], [sflag:$0x9], $0x2800, $0x38;
	[tilespmem:$0x1B380] =	vst v63  }
0x4d: {  	_ =	swait.ge [sflag:s29], $0x2800  }
0x4e: {  	[sflag:s29] =	ssyncset.done $0x0  }
0x4f: {  	s26 =	smov.u32 s21;
	s21 =	rddreg [dreg:$0x14];
	[sflag:s29] =	ssyncadd.s32 $0xFFFFD800  }
0x50: {  	[spmem:s21] =	stream.linear.scatter [tilespmem:s28], [sflag:$0x9], $0x2800, $0x38;
	[tilespmem:$0x1B380] =	vst v63  }
0x51: {  	_ =	swait.ge [sflag:s29], $0x2800  }
0x52: {  	[sflag:s29] =	ssyncset.done $0x0  }
0x53: {  	s16 =	simm.s32 @!p0 $0x5300;
	s17 =	rddreg [dreg:$0x15];
	[sflag:s29] =	ssyncadd.s32 $0xFFFFD800  }
0x54: {  	[spmem:s17] =	stream.linear.scatter @!p0 [tilespmem:s16], [sflag:$0x9], $0x2800, $0x38;
	[tilespmem:$0x1B380] =	vst v63  }
0x55: {  	s16 =	simm.s32 @!p0 $0x9  }
0x56: {  	_ =	swait.ge @!p0 [sflag:s16], $0x2800  }
0x57: {  	[sflag:s16] =	ssyncset.done @!p0 $0x0  }
0x58: {  	[sflag:s16] =	ssyncadd.s32 @!p0 $0xFFFFD800  }
0x59: {  	[bflag:$0x0] =	sbarrier.arrive $0xFFFF  }
0x5a: {  	s25 =	smov.u32 s22;
	s22 =	simm.s32 $0x0;
	s23 =	rddreg [dreg:$0xe]  }
0x5b: {  	[tilespmem:s22], [sflag:$0x1] =	stream.linear.gather [hbm4b:s23+s22], $0x50, $0x38;
	[tilespmem:$0x1B380] =	vst v63  }
0x5c: {  	s19 =	rddreg [dreg:$0xf]  }
0x5d: {  	[tilespmem:s30], [sflag:$0x3] =	stream.linear.gather [hbm4b:s19+s22], $0x50, $0x38;
	[tilespmem:$0x1B380] =	vst v63  }
0x5e: {  	_ =	swait.ge [sflag:s31], $0x50  }
0x5f: {  	[sflag:s31] =	ssyncset.done $0x0  }
0x60: {  	[sflag:s31] =	ssyncadd.s32 $0xFFFFFFB0  }
0x61: {  	_ =	swait.ge [sflag:s0], $0x50  }
0x62: {  	p1 =	por $0x0, $0x0;
	[sflag:s0] =	ssyncset.done $0x0  }
0x63: {  	s16 =	simm.s32 @p1 $0x7;
	[sflag:s0] =	ssyncadd.s32 $0xFFFFFFB0  }
0x64: {  	_ =	swait.ge @p1 [sflag:s16], $0x2800  }
0x65: {  	s17 =	simm.s32 @p1 $0x0;
	[sflag:s16] =	ssyncset.done @p1 $0x0  }
0x66: {  	s19 =	simm.s32 @p1 $0x300;
	[sflag:s16] =	ssyncadd.s32 @p1 $0xFFFFD800;
	s16 =	simm.s32 @p1 $0x50  }
0x67: {  	[tilespmem:s19], [sflag:$0x5] =	stream.indirect.gather @p1 [hbm4b:s1+s16], $0x80, s17, s16, $0xb8;
	[tilespmem:$0x1B380] =	vst v63  }
0x68: {  	s17 =	simm.s32 @p1 $0x6  }
0x69: {  	_ =	swait.ge @p1 [sflag:s17], $0x2800  }
0x6a: {  	[sflag:s17] =	ssyncset.done @p1 $0x0  }
0x6b: {  	[sflag:s17] =	ssyncadd.s32 @p1 $0xFFFFD800  }
0x6c: {  	v1 =	vld @p1 [tilespmem:$0x1C0]  }
0x6d: {  	v2 =	vld @p1 [tilespmem:$0x1B0]  }
0x6e: {  	v3 =	vld @p1 [tilespmem:$0x180]  }
0x6f: {  	v4 =	vld @p1 [tilespmem:$0x1A0]  }
0x70: {  	v5 =	vld @p1 [tilespmem:$0x190]  }
0x71: {  	[tilespmem:$0x2C0] =	vst @p1 v1  }
0x72: {  	[tilespmem:$0x2B0] =	vst @p1 v2  }
0x73: {  	[tilespmem:$0x280] =	vst @p1 v3  }
0x74: {  	[tilespmem:$0x2A0] =	vst @p1 v4  }
0x75: {  	s19 =	simm.s32 @p1 $0x2B00;
	s17 =	simm.s32 @p1 $0x280;
	[tilespmem:$0x290] =	vst @p1 v5  }
0x76: {  	[spmem:s3] =	stream.indirect.scatter.add.f32 @p1 [tilespmem:s19], [sflag:$0x8], $0x80, s17, s16, $0xb8;
	[tilespmem:$0x1B380] =	vst v63  }
0x77: {  	s16 =	simm.s32 @!p1 $0x50;
	s17 =	simm.s32 @!p1 $0x0;
	s19 =	simm.s32 @!p1 $0x300  }
0x78: {  	[tilespmem:s19], [sflag:$0x5] =	stream.indirect.gather @!p1 [hbm4b:s1+s16], $0x80, s17, s16, $0xb8;
	[tilespmem:$0x1B380] =	vst v63  }
0x79: {  	s16 =	simm.s32 @p1 $0x50  }
0x7a: {  	s16 =	simm.s32 @!p1 $0x50  }
0x7b: {  	s16 =	sadd.s32 s5, s16  }
0x7c: {  	s16 =	sshrl.u32 s16, $0x3  }
0x7d: {  	s20 =	sadd.s32 s14, s16  }
0x7e: {  	[tilespmem:s2], [sflag:$0x2] =	stream.linear.gather [hbm4b:s20+s4], $0x50, $0x38;
	[tilespmem:$0x1B380] =	vst v63  }
0x7f: {  	s21 =	rddreg [dreg:$0x5];
	s16 =	sadd.s32 s15, s16  }
0x80: {  	[tilespmem:s21], [sflag:$0x4] =	stream.linear.gather [hbm4b:s16+s4], $0x50, $0x38;
	[tilespmem:$0x1B380] =	vst v63  }
0x81: {  	_ =	swait.ge [sflag:s6], $0x50  }
0x82: {  	[sflag:s6] =	ssyncset.done $0x0  }
0x83: {  	[sflag:s6] =	ssyncadd.s32 $0xFFFFFFB0  }
0x84: {  	_ =	swait.ge [sflag:s7], $0x50  }
0x85: {  	p1 =	por $0x1, $0x1;
	[sflag:s7] =	ssyncset.done $0x0  }
0x86: {  	s16 =	simm.s32 @!p1 $0x8;
	[sflag:s7] =	ssyncadd.s32 $0xFFFFFFB0  }
0x87: {  	_ =	swait.ge @!p1 [sflag:s16], $0x2800  }
0x88: {  	[sflag:s16] =	ssyncset.done @!p1 $0x0  }
0x89: {  	[sflag:s16] =	ssyncadd.s32 @!p1 $0xFFFFD800  }
0x8a: {  	[tilespmem:s9], [sflag:$0x6] =	stream.indirect.gather [hbm4b:s1+s8], $0x80, s2, s8, $0xb8;
	[tilespmem:$0x1B380] =	vst v63  }
0x8b: {  	_ =	swait.ge [sflag:s10], $0x2800  }
0x8c: {  	[sflag:s10] =	ssyncset.done $0x0  }
0x8d: {  	[sflag:s10] =	ssyncadd.s32 $0xFFFFD800  }
0x8e: {  	v5 =	vld [tilespmem:$0x100];
	_ =	sdelay $0x1  }
0x8f: {  	v2 =	vld [tilespmem:$0x140]  }
0x90: {  	s22 =	rddreg [dreg:$0x4];
	v1 =	vld [tilespmem:$0x110]  }
0x91: {  	s23 =	sadd.s32 $0x0, s22;
	v3 =	vld [tilespmem:$0x130]  }
0x92: {  	s16 =	simm.s32 $0xA0;
	s19 =	sshrl.u32 s23, $0x3;
	v4 =	vld [tilespmem:$0x120];
	[tilespmem:$0x200] =	vst v5  }
.LBB2_4:
0x93: {  	_ = 	snop  }
0x94: {  	[tilespmem:$0x240] =	vst v2  }
0x95: {  	[tilespmem:$0x210] =	vst v1  }
0x96: {  	[tilespmem:$0x230] =	vst v3  }
0x97: {  	[tilespmem:$0x220] =	vst v4  }
0x98: {  	[spmem:s3] =	stream.indirect.scatter.add.f32 [tilespmem:s12], [sflag:$0x7], $0x80, s11, s8, $0xb8;
	[tilespmem:$0x1B380] =	vst v63  }
0x99: {  	s20 =	sadd.s32 s14, s19  }
0x9a: {  	[tilespmem:s4], [sflag:$0x1] =	stream.linear.gather [hbm4b:s20+s4], $0x50, $0x38;
	[tilespmem:$0x1B380] =	vst v63  }
0x9b: {  	s21 =	sadd.s32 s15, s19  }
0x9c: {  	[tilespmem:s30], [sflag:$0x3] =	stream.linear.gather [hbm4b:s21+s4], $0x50, $0x38;
	[tilespmem:$0x1B380] =	vst v63  }
0x9d: {  	_ =	swait.ge [sflag:s31], $0x50  }
0x9e: {  	[sflag:s31] =	ssyncset.done $0x0  }
0x9f: {  	[sflag:s31] =	ssyncadd.s32 $0xFFFFFFB0  }
0xa0: {  	s17 =	smov.u32 s16;
	_ =	swait.ge [sflag:s0], $0x50  }
0xa1: {  	p2 =	sne.s32 s17, $0x0;
	[sflag:s0] =	ssyncset.done $0x0  }
0xa2: {  	s19 =	simm.s32 @p2 $0x7;
	[sflag:s0] =	ssyncadd.s32 $0xFFFFFFB0  }
0xa3: {  	_ =	swait.ge @p2 [sflag:s19], $0x2800  }
0xa4: {  	s22 =	simm.s32 @p2 $0x6;
	s23 =	simm.s32 @p2 $0x300;
	[sflag:s19] =	ssyncset.done @p2 $0x0  }
0xa5: {  	s21 =	simm.s32 @p2 $0x0;
	[sflag:s19] =	ssyncadd.s32 @p2 $0xFFFFD800;
	s19 =	simm.s32 @p2 $0x50  }
0xa6: {  	[tilespmem:s23], [sflag:$0x5] =	stream.indirect.gather @p2 [hbm4b:s1+s19], $0x80, s21, s19, $0xb8;
	[tilespmem:$0x1B380] =	vst v63  }
0xa7: {  	_ =	swait.ge @p2 [sflag:s22], $0x2800  }
0xa8: {  	[sflag:s22] =	ssyncset.done @p2 $0x0  }
0xa9: {  	[sflag:s22] =	ssyncadd.s32 @p2 $0xFFFFD800  }
0xaa: {  	v1 =	vld @p2 [tilespmem:$0x1C0]  }
0xab: {  	v2 =	vld @p2 [tilespmem:$0x1B0]  }
0xac: {  	v3 =	vld @p2 [tilespmem:$0x180]  }
0xad: {  	v4 =	vld @p2 [tilespmem:$0x1A0]  }
0xae: {  	v5 =	vld @p2 [tilespmem:$0x190]  }
0xaf: {  	[tilespmem:$0x2C0] =	vst @p2 v1  }
0xb0: {  	s20 =	sadd.s32 @p2 $0x50, s17;
	[tilespmem:$0x2B0] =	vst @p2 v2  }
0xb1: {  	s20 =	simm.s32 @!p2 $0x50;
	[tilespmem:$0x280] =	vst @p2 v3  }
0xb2: {  	s20 =	sadd.s32 s5, s20;
	[tilespmem:$0x2A0] =	vst @p2 v4  }
0xb3: {  	s20 =	sshrl.u32 s20, $0x3;
	s21 =	simm.s32 @p2 $0x280;
	s22 =	simm.s32 @p2 $0x2B00;
	[tilespmem:$0x290] =	vst @p2 v5  }
0xb4: {  	[spmem:s3] =	stream.indirect.scatter.add.f32 @p2 [tilespmem:s22], [sflag:$0x8], $0x80, s21, s19, $0xb8;
	[tilespmem:$0x1B380] =	vst v63  }
0xb5: {  	s19 =	simm.s32 @!p2 $0x50;
	s21 =	simm.s32 @!p2 $0x0;
	s22 =	simm.s32 @!p2 $0x300  }
0xb6: {  	[tilespmem:s22], [sflag:$0x5] =	stream.indirect.gather @!p2 [hbm4b:s1+s19], $0x80, s21, s19, $0xb8;
	[tilespmem:$0x1B380] =	vst v63  }
0xb7: {  	s22 =	sadd.s32 s14, s20  }
0xb8: {  	[tilespmem:s2], [sflag:$0x2] =	stream.linear.gather [hbm4b:s22+s4], $0x50, $0x38;
	[tilespmem:$0x1B380] =	vst v63  }
0xb9: {  	s23 =	rddreg [dreg:$0x5];
	s22 =	sadd.s32 s15, s20  }
0xba: {  	[tilespmem:s23], [sflag:$0x4] =	stream.linear.gather [hbm4b:s22+s4], $0x50, $0x38;
	[tilespmem:$0x1B380] =	vst v63  }
0xbb: {  	_ =	swait.ge [sflag:s6], $0x50  }
0xbc: {  	[sflag:s6] =	ssyncset.done $0x0  }
0xbd: {  	[sflag:s6] =	ssyncadd.s32 $0xFFFFFFB0  }
0xbe: {  	_ =	swait.ge [sflag:s7], $0x50  }
0xbf: {  	p2 =	seq.s32 s17, $0x0;
	[sflag:s7] =	ssyncset.done $0x0  }
0xc0: {  	s19 =	simm.s32 @!p2 $0x8;
	[sflag:s7] =	ssyncadd.s32 $0xFFFFFFB0  }
0xc1: {  	_ =	swait.ge @!p2 [sflag:s19], $0x2800  }
0xc2: {  	[sflag:s19] =	ssyncset.done @!p2 $0x0  }
0xc3: {  	[sflag:s19] =	ssyncadd.s32 @!p2 $0xFFFFD800  }
0xc4: {  	[tilespmem:s9], [sflag:$0x6] =	stream.indirect.gather [hbm4b:s1+s8], $0x80, s2, s8, $0xb8;
	[tilespmem:$0x1B380] =	vst v63  }
0xc5: {  	_ =	swait.ge [sflag:s10], $0x2800  }
0xc6: {  	[sflag:s10] =	ssyncset.done $0x0  }
0xc7: {  	s16 =	sadd.s32 $0xA0, s16;
	[sflag:s10] =	ssyncadd.s32 $0xFFFFD800  }
0xc8: {  	p1 =	sne.s32 s16, $0x26C0;
	v5 =	vld [tilespmem:$0x100]  }
.Ltmp1:
0xc9: {  	_ = 	snop;
	(pc) =	sbr.rel @p1 .LBB2_4-.Ltmp1, $4  }
0xca: {  	v2 =	vld [tilespmem:$0x140]  }
0xcb: {  	s23 =	rddreg [dreg:$0x4];
	v1 =	vld [tilespmem:$0x110]  }
0xcc: {  	s17 =	sadd.s32 s17, s23;
	v3 =	vld [tilespmem:$0x130]  }
0xcd: {  	s19 =	sshrl.u32 s17, $0x3;
	v4 =	vld [tilespmem:$0x120];
	[tilespmem:$0x200] =	vst v5  }
0xce: {  	_ = 	snop  }
0xcf: {  	[tilespmem:$0x240] =	vst v2  }
0xd0: {  	[tilespmem:$0x210] =	vst v1  }
0xd1: {  	[tilespmem:$0x230] =	vst v3  }
0xd2: {  	[tilespmem:$0x220] =	vst v4  }
0xd3: {  	[spmem:s3] =	stream.indirect.scatter.add.f32 [tilespmem:s12], [sflag:$0x7], $0x80, s11, s8, $0xb8;
	[tilespmem:$0x1B380] =	vst v63  }
0xd4: {  	s16 =	sadd.s32 s14, s19  }
0xd5: {  	[tilespmem:s4], [sflag:$0x1] =	stream.linear.gather [hbm4b:s16+s4], $0x50, $0x38;
	[tilespmem:$0x1B380] =	vst v63  }
0xd6: {  	s19 =	sadd.s32 s15, s19  }
0xd7: {  	[tilespmem:s30], [sflag:$0x3] =	stream.linear.gather [hbm4b:s19+s4], $0x50, $0x38;
	[tilespmem:$0x1B380] =	vst v63  }
0xd8: {  	_ =	swait.ge [sflag:s31], $0x50  }
0xd9: {  	[sflag:s31] =	ssyncset.done $0x0  }
0xda: {  	[sflag:s31] =	ssyncadd.s32 $0xFFFFFFB0  }
0xdb: {  	_ =	swait.ge [sflag:s0], $0x50  }
0xdc: {  	[sflag:s0] =	ssyncset.done $0x0  }
0xdd: {  	[sflag:s0] =	ssyncadd.s32 $0xFFFFFFB0  }
0xde: {  	_ =	swait.ge [sflag:s13], $0x2800  }
0xdf: {  	[sflag:s13] =	ssyncset.done $0x0  }
0xe0: {  	s20 =	simm.s32 $0x6;
	[sflag:s13] =	ssyncadd.s32 $0xFFFFD800  }
0xe1: {  	[tilespmem:s12], [sflag:$0x5] =	stream.indirect.gather [hbm4b:s1+s8], $0x80, s4, s8, $0xb8;
	[tilespmem:$0x1B380] =	vst v63  }
0xe2: {  	_ =	swait.ge [sflag:s20], $0x2800  }
0xe3: {  	[sflag:s20] =	ssyncset.done $0x0  }
0xe4: {  	[sflag:s20] =	ssyncadd.s32 $0xFFFFD800  }
0xe5: {  	v1 =	vld [tilespmem:$0x180]  }
0xe6: {  	v2 =	vld [tilespmem:$0x190]  }
0xe7: {  	v3 =	vld [tilespmem:$0x1A0]  }
0xe8: {  	v61 =	vld [tilespmem:$0x1B0]  }
0xe9: {  	v5 =	vld [tilespmem:$0x1C0]  }
0xea: {  	[tilespmem:$0x280] =	vst v1  }
0xeb: {  	[tilespmem:$0x290] =	vst v2  }
0xec: {  	[tilespmem:$0x2A0] =	vst v3  }
0xed: {  	[tilespmem:$0x2B0] =	vst v61  }
0xee: {  	s21 =	simm.s32 $0x280;
	[tilespmem:$0x2C0] =	vst v5  }
0xef: {  	[spmem:s3] =	stream.indirect.scatter.add.f32 [tilespmem:s9], [sflag:$0x8], $0x80, s21, s8, $0xb8;
	[tilespmem:$0x1B380] =	vst v63  }
0xf0: {  	_ =	swait.ge [sflag:s10], $0x2800  }
0xf1: {  	[sflag:s10] =	ssyncset.done $0x0  }
0xf2: {  	[sflag:s10] =	ssyncadd.s32 $0xFFFFD800  }
0xf3: {  	v1 =	vld [tilespmem:$0x100]  }
0xf4: {  	v2 =	vld [tilespmem:$0x110]  }
0xf5: {  	v3 =	vld [tilespmem:$0x120]  }
0xf6: {  	v62 =	vld [tilespmem:$0x130]  }
0xf7: {  	v63 =	vld [tilespmem:$0x140]  }
0xf8: {  	[tilespmem:$0x200] =	vst v1  }
0xf9: {  	[tilespmem:$0x210] =	vst v2  }
0xfa: {  	[tilespmem:$0x220] =	vst v3  }
0xfb: {  	[tilespmem:$0x230] =	vst v62  }
0xfc: {  	s22 =	simm.s32 $0x8;
	[tilespmem:$0x240] =	vst v63  }
0xfd: {  	[spmem:s3] =	stream.indirect.scatter.add.f32 [tilespmem:s12], [sflag:$0x7], $0x80, s11, s8, $0xb8;
	[tilespmem:$0x1B380] =	vst v63  }
0xfe: {  	_ =	swait.ge [sflag:s22], $0x2800  }
0xff: {  	[sflag:s22] =	ssyncset.done $0x0  }
0x100: {  	[sflag:s22] =	ssyncadd.s32 $0xFFFFD800  }
0x101: {  	_ =	swait.ge [sflag:s13], $0x2800  }
0x102: {  	[sflag:s13] =	ssyncset.done $0x0  }
0x103: {  	s23 =	stileid.u32;
	[sflag:s13] =	ssyncadd.s32 $0xFFFFD800  }
0x104: {  	s17 =	sshrl.u32 s24, $0x3;
	s16 =	sshll.u32 s23, $0x6;
	[bflag:$0x0] =	sbarrier.arrive $0xFFFF  }
0x105: {  	s16 =	sor.u32 $0x1C09, s16;
	s20 =	smov.u32 s24;
	s24 =	rddreg [dreg:$0x6]  }
0x106: {  	[hbm:s24], [sflag:s16] =	dma.local [spmem:s17], $0x500  }
0x107: {  	_ =	swait.ge [sflag:s29], $0x500  }
0x108: {  	[sflag:s29] =	ssyncset.done $0x0  }
0x109: {  	s19 =	sshrl.u32 s25, $0x3;
	s21 =	rddreg [dreg:$0x7];
	[sflag:s29] =	ssyncadd.s32 $0xFFFFFB00  }
0x10a: {  	[hbm:s21], [sflag:s16] =	dma.local [spmem:s19], $0x500  }
0x10b: {  	_ =	swait.ge [sflag:s29], $0x500  }
0x10c: {  	[sflag:s29] =	ssyncset.done $0x0  }
0x10d: {  	s23 =	sshrl.u32 s26, $0x3;
	s24 =	rddreg [dreg:$0x8];
	[sflag:s29] =	ssyncadd.s32 $0xFFFFFB00  }
0x10e: {  	[hbm:s24], [sflag:s16] =	dma.local [spmem:s23], $0x500  }
0x10f: {  	s22 =	smov.u32 s25;
	_ =	swait.ge [sflag:s29], $0x500  }
0x110: {  	s21 =	smov.u32 s26;
	[sflag:s29] =	ssyncset.done $0x0;
	s23 =	rddreg [dreg:$0x11]  }
0x111: {  	s26 =	rddreg [dreg:$0x9];
	[sflag:s29] =	ssyncadd.s32 $0xFFFFFB00;
	s25 =	sshrl.u32 s23, $0x3  }
0x112: {  	[hbm:s26], [sflag:s16] =	dma.local [spmem:s25], $0x500  }
0x113: {  	_ =	swait.ge [sflag:s29], $0x500  }
0x114: {  	[sflag:s29] =	ssyncset.done $0x0;
	s19 =	rddreg [dreg:$0x12]  }
0x115: {  	s24 =	rddreg [dreg:$0xa];
	[sflag:s29] =	ssyncadd.s32 $0xFFFFFB00;
	s17 =	sshrl.u32 s19, $0x3  }
0x116: {  	[hbm:s24], [sflag:s16] =	dma.local [spmem:s17], $0x500  }
0x117: {  	_ =	swait.ge [sflag:s29], $0x500  }
0x118: {  	[sflag:s29] =	ssyncset.done $0x0;
	s25 =	rddreg [dreg:$0x13]  }
0x119: {  	s26 =	rddreg [dreg:$0xb];
	[sflag:s29] =	ssyncadd.s32 $0xFFFFFB00;
	s17 =	sshrl.u32 s25, $0x3  }
0x11a: {  	[hbm:s26], [sflag:s16] =	dma.local [spmem:s17], $0x500  }
0x11b: {  	_ =	swait.ge [sflag:s29], $0x500  }
0x11c: {  	[sflag:s29] =	ssyncset.done $0x0;
	s24 =	rddreg [dreg:$0x14]  }
0x11d: {  	s25 =	rddreg [dreg:$0xc];
	[sflag:s29] =	ssyncadd.s32 $0xFFFFFB00;
	s17 =	sshrl.u32 s24, $0x3  }
0x11e: {  	[hbm:s25], [sflag:s16] =	dma.local [spmem:s17], $0x500  }
0x11f: {  	_ =	swait.ge [sflag:s29], $0x500  }
0x120: {  	[sflag:s29] =	ssyncset.done $0x0;
	s17 =	rddreg [dreg:$0x15]  }
0x121: {  	s19 =	rddreg [dreg:$0xd];
	[sflag:s29] =	ssyncadd.s32 $0xFFFFFB00;
	s17 =	sshrl.u32 @!p0 s17, $0x3  }
0x122: {  	[hbm:s19], [sflag:s16] =	dma.local @!p0 [spmem:s17], $0x500  }
0x123: {  	s16 =	simm.s32 @!p0 $0x9  }
0x124: {  	_ =	swait.ge @!p0 [sflag:s16], $0x500  }
0x125: {  	s18 =	sadd.s32 $0x1, s18;
	s26 =	rddreg [dreg:$0x10]  }
0x126: {  	p1 =	sne.s32 s18, s26  }
.Ltmp2:
0x127: {  	_ = 	snop;
	(pc) =	sbr.rel @p1 .LBB2_1-.Ltmp2, $3  }
0x128: {  	_ =	sdelay $0x1  }
0x129: {  	[sflag:s16] =	ssyncset.done @!p0 $0x0  }
0x12a: {  	[sflag:s16] =	ssyncadd.s32 @!p0 $0xFFFFFB00  }
0x12b: {  	_ =	sfence.sel $0x180000  }
0x12c: {  	[bflag:$0x0] =	sbarrier.arrive $0xFFFF  }
0x12d: {  	_ =	strace $0x9000004A  }
0x12e: {  	s0 =	stileid.u32;
	[bflag:$0x2] =	sbarrier.arrive $0xFFFF  }
0x12f: {  	p0 =	sne.s32 s0, $0x0;
	s0 =	rddreg [dreg:$0x3]  }
0x130: {  	s0 =	sadd.s32 @!p0 $0x100000, s0  }
0x131: {  	[sflag:s0] =	ssyncadd.tile.s32 @!p0 $0x1;
	_ =	shalt  }
.Lfunc_end2:
_tile_overlayer_lowered:
.L_overlay_start_2:
0x132: {  	(tag) =	ssettag $0x2  }
0x133: {  	s0 =	rddreg [dreg:$0x0];
	s2 =	stileid.u32  }
0x134: {  	s1 =	rddreg [dreg:$0x1];
	p0 =	sne.s32 s2, $0x0  }
0x135: {  	s3 =	rddreg [dreg:$0x2];
	[bflag:$0x3] =	sbarrier.arrive $0xFFFF;
	s2 =	simm.s32 @!p0 $0x1C09  }
0x136: {  	[timem:s3], [sflag:s2] =	dma.local @!p0 [hbm:s0], s1  }
0x137: {  	s0 =	simm.s32 @!p0 $0x9  }
0x138: {  	_ =	swait.ge @!p0 [sflag:s0], s1  }
0x139: {  	s1 =	ssub.s32 @!p0 $0x0, s1;
	[sflag:s0] =	ssyncset.done @!p0 $0x0  }
0x13a: {  	[sflag:s0] =	ssyncadd.s32 @!p0 s1  }
0x13b: {  	[bflag:$0x3] =	sbarrier.arrive $0xFFFF  }
0x13c: {  	_ =	shalt  }

</sc_bundles>
